<compile_context>
chip_gen: v7x
topology: tpu7x:2x2x1
jax: 0.10.2.dev20260603
libtpu: 0.0.44.dev20260713+nightly
codegen_flags: <defaults>
</compile_context>

<pallas_src>
import functools

import jax
import jax.numpy as jnp
from jax import lax
from jax.experimental import pallas as pl
from jax.experimental.pallas import tpu as pltpu
from jax.experimental.pallas import tpu_sc as plsc

NUM_NODES = 100000
MEM_DIM = 128
EDGE_DIM = 16
TEMP_DIM = 128
B = 16384

NC = 2
NS = 16
NW = NC * NS
EV_PER_W = B // NW
IDX_CH = 128
CH_PER_W = EV_PER_W // IDX_CH

CUT = 20
ROWS_A = 3128
ROWS_B = 3120
CP_A = [136] * 23
CP_B = [136] * 22 + [128]
SB_PAD = 3136
SB_G = SB_PAD // 16
EV_G = B // 16
LIST_PAD = 3264

_mesh = plsc.VectorSubcoreMesh(
    core_axis_name="c", subcore_axis_name="s", num_cores=NC, num_subcores=NS)


def _wid():
  return lax.axis_index("s") * NC + lax.axis_index("c")


@functools.partial(
    pl.kernel,
    out_type=[
        jax.ShapeDtypeStruct((B, MEM_DIM), jnp.float32),
        jax.ShapeDtypeStruct((B, MEM_DIM), jnp.float32),
        jax.ShapeDtypeStruct((B,), jnp.float32),
    ],
    mesh=_mesh,
    scratch_types=[
        pltpu.VMEM((EV_PER_W,), jnp.int32),
        pltpu.VMEM((EV_PER_W,), jnp.int32),
        pltpu.VMEM((IDX_CH, MEM_DIM), jnp.float32),
        pltpu.VMEM((IDX_CH, MEM_DIM), jnp.float32),
        pltpu.VMEM((IDX_CH,), jnp.float32),
        pltpu.SemaphoreType.DMA,
        pltpu.SemaphoreType.DMA,
        pltpu.SemaphoreType.DMA,
    ],
    compiler_params=pltpu.CompilerParams(needs_layout_passes=False),
)
def _k1_gather(mem_hbm, lut_hbm, src_hbm, dst_hbm,
               msrc_hbm, mdst_hbm, lutg_hbm,
               isrc, idst, rowsA, rowsB, lutv, semA, semB, semL):
  wid = _wid()
  ebase = wid * EV_PER_W
  pltpu.sync_copy(src_hbm.at[pl.ds(ebase, EV_PER_W)], isrc)
  pltpu.sync_copy(dst_hbm.at[pl.ds(ebase, EV_PER_W)], idst)

  rows = (rowsA, rowsB)
  sems = (semA, semB)
  descs = []
  for j in range(2 * CH_PER_W):
    tbl = isrc if j < CH_PER_W else idst
    jj = j % CH_PER_W
    descs.append(pltpu.async_copy(
        mem_hbm.at[tbl.at[pl.ds(jj * IDX_CH, IDX_CH)]], rows[j % 2],
        sems[j % 2]))
    if j >= 1:
      k = j - 1
      descs[k].wait()
      out = msrc_hbm if k < CH_PER_W else mdst_hbm
      pltpu.sync_copy(rows[k % 2],
                      out.at[pl.ds(ebase + (k % CH_PER_W) * IDX_CH, IDX_CH)])
  k = 2 * CH_PER_W - 1
  descs[k].wait()
  pltpu.sync_copy(rowsB if k % 2 else rowsA,
                  mdst_hbm.at[pl.ds(ebase + (k % CH_PER_W) * IDX_CH, IDX_CH)])

  for j in range(CH_PER_W):
    pltpu.async_copy(
        lut_hbm.at[idst.at[pl.ds(j * IDX_CH, IDX_CH)]], lutv, semL).wait()
    pltpu.sync_copy(lutv, lutg_hbm.at[pl.ds(ebase + j * IDX_CH, IDX_CH)])


BM = 2048
K2_STEPS = B // BM
CP_CHUNK = 6256
CP_LAST = NUM_NODES - (2 * K2_STEPS - 1) * CP_CHUNK


def _k2_body(mem_ref, ms_ref, md_ref, ef_ref, ts_ref, lu_ref, tw_ref, tb_ref,
             ws_ref, wd_ref, we_ref, wt_ref, whh_ref, bih_ref, bhh_ref,
             tbl_ref, out_ref, bufA, bufB, bufC, bufD,
             siA, siB, siC, siD, soA, soB, soC, soD):
  i = pl.program_id(0)
  off_a = (2 * i) * CP_CHUNK
  off_b = off_a + CP_CHUNK
  last = K2_STEPS - 1
  even = i % 2 == 0

  def d_in(off, n, buf, sem):
    return pltpu.make_async_copy(
        mem_ref.at[pl.ds(off, n)], buf.at[pl.ds(0, n)], sem)

  def d_out(off, n, buf, sem):
    return pltpu.make_async_copy(
        buf.at[pl.ds(0, n)], tbl_ref.at[pl.ds(off, n)], sem)

  @pl.when(even)
  def _fill_ab():
    @pl.when(i > 1)
    def _free():
      d_out(0, CP_CHUNK, bufA, soA).wait()
      d_out(0, CP_CHUNK, bufB, soB).wait()
    d_in(off_a, CP_CHUNK, bufA, siA).start()
    d_in(off_b, CP_CHUNK, bufB, siB).start()

  @pl.when(jnp.logical_not(even))
  def _fill_cd():
    @pl.when(i > 1)
    def _free():
      d_out(0, CP_CHUNK, bufC, soC).wait()
      d_out(0, CP_CHUNK, bufD, soD).wait()
    d_in(off_a, CP_CHUNK, bufC, siC).start()
    @pl.when(i < last)
    def _n():
      d_in(off_b, CP_CHUNK, bufD, siD).start()
    @pl.when(i == last)
    def _l():
      d_in(off_b, CP_LAST, bufD, siD).start()

  md = md_ref[...]
  dt = ts_ref[...] - lu_ref[...]
  tf = jnp.cos(dt * tw_ref[...] + tb_ref[...])
  f32 = jnp.float32
  gi = (jnp.dot(ms_ref[...], ws_ref[...], preferred_element_type=f32)
        + jnp.dot(md, wd_ref[...], preferred_element_type=f32)
        + jnp.dot(ef_ref[...], we_ref[...], preferred_element_type=f32)
        + jnp.dot(tf, wt_ref[...], preferred_element_type=f32)
        + bih_ref[...])
  gh = jnp.dot(md, whh_ref[...], preferred_element_type=f32) + bhh_ref[...]
  r = jax.nn.sigmoid(gi[:, :MEM_DIM] + gh[:, :MEM_DIM])
  z = jax.nn.sigmoid(gi[:, MEM_DIM:2 * MEM_DIM] + gh[:, MEM_DIM:2 * MEM_DIM])
  n = jnp.tanh(gi[:, 2 * MEM_DIM:] + r * gh[:, 2 * MEM_DIM:])
  out_ref[...] = (1.0 - z) * n + z * md

  @pl.when(even)
  def _drain_ab():
    d_in(off_a, CP_CHUNK, bufA, siA).wait()
    d_out(off_a, CP_CHUNK, bufA, soA).start()
    d_in(off_b, CP_CHUNK, bufB, siB).wait()
    d_out(off_b, CP_CHUNK, bufB, soB).start()

  @pl.when(jnp.logical_not(even) & (i < last))
  def _drain_cd():
    d_in(off_a, CP_CHUNK, bufC, siC).wait()
    d_out(off_a, CP_CHUNK, bufC, soC).start()
    d_in(off_b, CP_CHUNK, bufD, siD).wait()
    d_out(off_b, CP_CHUNK, bufD, soD).start()

  @pl.when(i == last)
  def _drain_final():
    d_in(off_a, CP_CHUNK, bufC, siC).wait()
    d_out(off_a, CP_CHUNK, bufC, soC).start()
    d_in(off_b, CP_LAST, bufD, siD).wait()
    d_out(off_b, CP_LAST, bufD, soD).start()
    d_out(0, CP_CHUNK, bufA, soA).wait()
    d_out(0, CP_CHUNK, bufB, soB).wait()
    d_out(0, CP_CHUNK, bufC, soC).wait()
    d_out(0, CP_LAST, bufD, soD).wait()


def _k2_call(mem, msrc, mdst, ef, ts, lu, tw, tb, ws, wd, we, wt, whh,
             bih, bhh):
  g = B // BM
  row_spec = lambda w: pl.BlockSpec((BM, w), lambda i: (i, 0))
  full_spec = lambda a, b: pl.BlockSpec((a, b), lambda i: (0, 0))
  hbm_spec = pl.BlockSpec(memory_space=pltpu.MemorySpace.HBM)
  return pl.pallas_call(
      _k2_body,
      grid=(g,),
      in_specs=[
          hbm_spec,
          row_spec(MEM_DIM), row_spec(MEM_DIM), row_spec(EDGE_DIM),
          row_spec(1), row_spec(1),
          full_spec(1, TEMP_DIM), full_spec(1, TEMP_DIM),
          full_spec(MEM_DIM, 3 * MEM_DIM), full_spec(MEM_DIM, 3 * MEM_DIM),
          full_spec(EDGE_DIM, 3 * MEM_DIM), full_spec(TEMP_DIM, 3 * MEM_DIM),
          full_spec(MEM_DIM, 3 * MEM_DIM),
          full_spec(1, 3 * MEM_DIM), full_spec(1, 3 * MEM_DIM),
      ],
      out_specs=[hbm_spec, row_spec(MEM_DIM)],
      out_shape=[
          jax.ShapeDtypeStruct((NUM_NODES, MEM_DIM), jnp.float32),
          jax.ShapeDtypeStruct((B, MEM_DIM), jnp.float32),
      ],
      scratch_shapes=[
          pltpu.VMEM((CP_CHUNK, MEM_DIM), jnp.float32),
          pltpu.VMEM((CP_CHUNK, MEM_DIM), jnp.float32),
          pltpu.VMEM((CP_CHUNK, MEM_DIM), jnp.float32),
          pltpu.VMEM((CP_CHUNK, MEM_DIM), jnp.float32),
          pltpu.SemaphoreType.DMA, pltpu.SemaphoreType.DMA,
          pltpu.SemaphoreType.DMA, pltpu.SemaphoreType.DMA,
          pltpu.SemaphoreType.DMA, pltpu.SemaphoreType.DMA,
          pltpu.SemaphoreType.DMA, pltpu.SemaphoreType.DMA,
      ],
      compiler_params=pltpu.CompilerParams(
          dimension_semantics=("arbitrary",)),
  )(mem, msrc, mdst, ef, ts, lu, tw, tb, ws, wd, we, wt, whh, bih, bhh)


@functools.partial(
    pl.kernel,
    out_type=(),
    mesh=_mesh,
    scratch_types=[
        pltpu.VMEM((B,), jnp.int32),
        pltpu.VMEM((SB_PAD,), jnp.int32),
        pltpu.VMEM((LIST_PAD,), jnp.int32),
        pltpu.VMEM((LIST_PAD,), jnp.int32),
        pltpu.VMEM((IDX_CH,), jnp.int32),
        pltpu.VMEM((IDX_CH,), jnp.int32),
        pltpu.VMEM((IDX_CH, MEM_DIM), jnp.float32),
        pltpu.SemaphoreType.DMA,
        pltpu.SemaphoreType.DMA,
    ],
    compiler_params=pltpu.CompilerParams(needs_layout_passes=False),
)
def _k3_scatter(dst_hbm, hnew_hbm, out_hbm,
                dstv, sb, nodelist, winlist, gidx, nidx, rowbuf,
                semG, semS):
  wid = _wid()
  row0 = wid * ROWS_B + 8 * jnp.minimum(wid, CUT)
  rows_w = jnp.where(wid < CUT, ROWS_A, ROWS_B)
  iota = lax.iota(jnp.int32, 16)

  dst_stage = pltpu.async_copy(dst_hbm, dstv, semG)

  def _init(g, _):
    sb[pl.ds(g * 16, 16)] = jnp.full((16,), -1, jnp.int32)
    return 0
  lax.fori_loop(0, SB_G, _init, 0)
  dst_stage.wait()

  def _dedup(g, _):
    d16 = dstv[pl.ds(g * 16, 16)]
    rel = d16 - row0
    m = (rel >= 0) & (rel < rows_w)
    _, last = plsc.scan_count(rel, mask=m)
    plsc.store_scatter(sb, [jnp.clip(rel, 0, SB_PAD - 1)], g * 16 + iota,
                       mask=last & m)
    return 0
  lax.fori_loop(0, EV_G, _dedup, 0, unroll=8)

  def _compact(g, off):
    v = sb[pl.ds(g * 16, 16)]
    m = v >= 0
    nodeids = row0 + g * 16 + iota
    plsc.store_compressed(nodelist.at[pl.ds(off, 16)], nodeids, mask=m)
    plsc.store_compressed(winlist.at[pl.ds(off, 16)], v, mask=m)
    return off + jnp.sum(m.astype(jnp.int32))
  cnt = lax.fori_loop(0, SB_G, _compact, jnp.int32(0))

  @pl.when(cnt > 0)
  def _pad():
    a = (cnt // 16) * 16
    padn = jnp.broadcast_to(nodelist[pl.ds(0, 16)][0], (16,))
    padw = jnp.broadcast_to(winlist[pl.ds(0, 16)][0], (16,))
    keep = iota < (cnt - a)
    nodelist[pl.ds(a, 16)] = jnp.where(keep, nodelist[pl.ds(a, 16)], padn)
    winlist[pl.ds(a, 16)] = jnp.where(keep, winlist[pl.ds(a, 16)], padw)
    for t in range(1, 9):
      nodelist[pl.ds(a + t * 16, 16)] = padn
      winlist[pl.ds(a + t * 16, 16)] = padw

  def _scatter(c, _):
    for t in range(8):
      gidx[pl.ds(t * 16, 16)] = winlist[pl.ds(c * IDX_CH + t * 16, 16)]
      nidx[pl.ds(t * 16, 16)] = nodelist[pl.ds(c * IDX_CH + t * 16, 16)]
    pltpu.async_copy(hnew_hbm.at[gidx], rowbuf, semG).wait()
    pltpu.async_copy(rowbuf, out_hbm.at[nidx], semS).wait()
    return 0
  nch = (cnt + IDX_CH - 1) // IDX_CH
  lax.fori_loop(0, nch, _scatter, 0)


def kernel(src, dst, timestamps, edge_feats, memory, last_update_t,
           time_w, time_b, W_ih, W_hh, b_ih, b_hh):
  msrc, mdst, lutg = _k1_gather(memory, last_update_t, src, dst)

  w_t = W_ih.T
  ws = w_t[:MEM_DIM]
  wd = w_t[MEM_DIM:2 * MEM_DIM]
  we = w_t[2 * MEM_DIM:2 * MEM_DIM + EDGE_DIM]
  wt = w_t[2 * MEM_DIM + EDGE_DIM:]
  tbl, hnew = _k2_call(memory, msrc, mdst, edge_feats,
                       timestamps.reshape(B, 1), lutg.reshape(B, 1),
                       time_w.reshape(1, TEMP_DIM),
                       time_b.reshape(1, TEMP_DIM),
                       ws, wd, we, wt, W_hh.T,
                       b_ih.reshape(1, 3 * MEM_DIM),
                       b_hh.reshape(1, 3 * MEM_DIM))

  out_ref = jax.new_ref(tbl)
  _k3_scatter(dst, hnew, out_ref)
  return out_ref[...]

# --- scband reference (transcript-rebuilt; emitter-appended) ---
"""Pipeline reference for scband-tgn-38379827757713 (READ-ONLY COPY).

The authoritative reference and input builder live on the scoring server;
editing this copy changes nothing except your own understanding.
"""

import jax, jax.numpy as jnp
import numpy as np

NUM_NODES = 100000
MEM_DIM = 128
EDGE_DIM = 16
TEMP_DIM = 128
B = 16384
MSG_DIM = 2 * MEM_DIM + EDGE_DIM + TEMP_DIM


def setup_inputs(seed: int = 0) -> dict:
    key = jax.random.key(seed)
    ks = jax.random.split(key, 12)
    inp = {
        "src": jax.random.randint(ks[0], (B,), 0, NUM_NODES, dtype=jnp.int64 if jax.config.jax_enable_x64 else jnp.int32).astype(jnp.int32),
        "dst": jax.random.randint(ks[1], (B,), 0, NUM_NODES).astype(jnp.int32),
        "timestamps": jax.random.uniform(ks[2], (B,), dtype=jnp.float32) * 1000.0,
        "edge_feats": jax.random.normal(ks[3], (B, EDGE_DIM), dtype=jnp.float32),
        "memory": jax.random.normal(ks[4], (NUM_NODES, MEM_DIM), dtype=jnp.float32) * 0.1,
        "last_update_t": jax.random.uniform(ks[5], (NUM_NODES,), dtype=jnp.float32) * 500.0,
        "time_w": jax.random.normal(ks[6], (TEMP_DIM,), dtype=jnp.float32),
        "time_b": jax.random.normal(ks[7], (TEMP_DIM,), dtype=jnp.float32),
        "W_ih": jax.random.normal(ks[8], (3 * MEM_DIM, MSG_DIM), dtype=jnp.float32) * 0.05,
        "W_hh": jax.random.normal(ks[9], (3 * MEM_DIM, MEM_DIM), dtype=jnp.float32) * 0.05,
        "b_ih": jnp.zeros((3 * MEM_DIM,), dtype=jnp.float32),
        "b_hh": jnp.zeros((3 * MEM_DIM,), dtype=jnp.float32),
    }
    return inp


def reference(src, dst, timestamps, edge_feats, memory, last_update_t, time_w, time_b, W_ih, W_hh, b_ih, b_hh):
    # TGN memory update: gather node memories for event endpoints,
    # encode elapsed time (TimeEncode: cos(dt * w + b)), build message,
    # GRU memory updater, scatter-write updated memory back into the table.
    mem_src = jnp.take(memory, src, axis=0)
    mem_dst = jnp.take(memory, dst, axis=0)
    dt = timestamps - jnp.take(last_update_t, dst, axis=0)
    t_feat = jnp.cos(dt[:, None] * time_w[None, :] + time_b[None, :])
    msg = jnp.concatenate([mem_src, mem_dst, edge_feats, t_feat], axis=-1)

    # GRU cell (torch.nn.GRUCell semantics)
    gi = msg @ W_ih.T + b_ih
    gh = mem_dst @ W_hh.T + b_hh
    i_r, i_z, i_n = jnp.split(gi, 3, axis=-1)
    h_r, h_z, h_n = jnp.split(gh, 3, axis=-1)
    r = jax.nn.sigmoid(i_r + h_r)
    z = jax.nn.sigmoid(i_z + h_z)
    n = jnp.tanh(i_n + r * h_n)
    h_new = (1.0 - z) * n + z * mem_dst

    # set_memory: scatter-overwrite updated rows (last write wins on dup ids)
    new_memory = memory.at[dst].set(h_new)
    return new_memory

if __name__ == "__main__":
    import jax
    _d = setup_inputs()
    print(jax.jit(kernel)(*tuple(_d.values())))

</pallas_src>

<mosaic_0001>
#map = affine_map<(d0, d1) -> (0)>
#map1 = affine_map<(d0, d1) -> (0, 0)>
module attributes {stable_mosaic.version = 14 : i64} {
  func.func @new_body(%arg0: i32, %arg1: i32, %arg2: memref<16384xi32, #tpu.memory_space<hbm>>, %arg3: memref<16384x128xf32, #tpu.memory_space<hbm>>, %arg4: memref<100000x128xf32, #tpu.memory_space<hbm>>, %arg5: memref<100000x128xf32, #tpu.memory_space<hbm>>, %arg6: memref<16384xi32, #tpu.memory_space<vmem>>, %arg7: memref<3136xi32, #tpu.memory_space<vmem>>, %arg8: memref<3264xi32, #tpu.memory_space<vmem>>, %arg9: memref<3264xi32, #tpu.memory_space<vmem>>, %arg10: memref<128xi32, #tpu.memory_space<vmem>>, %arg11: memref<128xi32, #tpu.memory_space<vmem>>, %arg12: memref<128x128xf32, #tpu.memory_space<vmem>>, %arg13: memref<!tpu.dma_semaphore, #tpu.memory_space<semaphore_mem>>, %arg14: memref<!tpu.dma_semaphore, #tpu.memory_space<semaphore_mem>>) attributes {dimension_semantics = [#tpu.dimension_semantics<core_parallel>, #tpu.dimension_semantics<subcore_parallel>], iteration_bounds = array<i64: 2, 16>, scalar_prefetch = 0 : i64, scratch_operands = 9 : i64, tpu.core_type = #tpu.core_type<sc_vector_subcore>, window_params = [{transform_indices = #map}, {transform_indices = #map1}, {transform_indices = #map1}, {transform_indices = #map1}]} {
    %mul3A = arith.constant 2 : i32
    %mul3A_0 = arith.muli %arg1, %mul3A : i32
    %add3A = arith.addi %mul3A_0, %arg0 : i32
    %mul3A_1 = arith.constant 3120 : i32
    %mul3A_2 = arith.muli %add3A, %mul3A_1 : i32
    %min3A = arith.constant 20 : i32
    %min3A_3 = arith.minsi %add3A, %min3A : i32
    %mul3A_4 = arith.constant 8 : i32
    %mul3A_5 = arith.muli %mul3A_4, %min3A_3 : i32
    %add3A_6 = arith.addi %mul3A_2, %mul3A_5 : i32
    %lt3A = arith.constant 20 : i32
    %lt3A_7 = arith.cmpi slt, %add3A, %lt3A : i32
    %jit3A = arith.constant 3128 : i32
    %jit3A_8 = arith.constant 3120 : i32
    %select_n3A = arith.select %lt3A_7, %jit3A, %jit3A_8 : i32
    %iota3A = tpu.iota {dimensions = array<i32: 0>} : vector<16xi32>
    tpu.enqueue_dma source(%arg2 : memref<16384xi32, #tpu.memory_space<hbm>>) target(%arg6 : memref<16384xi32, #tpu.memory_space<vmem>>) target_semaphore(%arg13 : memref<!tpu.dma_semaphore, #tpu.memory_space<semaphore_mem>>)
    %scan3A = arith.constant 0 : i32
    %scan3A_9 = arith.constant 0 : i32
    %scan3A_10 = arith.constant 196 : i32
    %scan3A_11 = arith.addi %scan3A_9, %scan3A_10 : i32
    %scan3A_12 = arith.constant 1 : i32
    %scan3A_13 = scf.for %scan3A_64 = %scan3A_9 to %scan3A_11 step %scan3A_12 iter_args(%scan3A_65 = %scan3A) -> (i32)  : i32 {
      %broadcast_in_dim3A = arith.constant -1 : i32
      %broadcast_in_dim3A_66 = vector.broadcast %broadcast_in_dim3A : i32 to vector<16xi32>
      %mul3A_67 = arith.constant 16 : i32
      %mul3A_68 = arith.muli %scan3A_64, %mul3A_67 : i32
      %swap3A = arith.index_cast %mul3A_68 : i32 to index
      %swap3A_69 = tpu.vector_load %arg7[%swap3A] {strides = array<i32>} : memref<3136xi32, #tpu.memory_space<vmem>>, vector<16xi32>,
      tpu.vector_store %arg7[%swap3A], %broadcast_in_dim3A_66 {strides = array<i32>} : memref<3136xi32, #tpu.memory_space<vmem>>, vector<16xi32>,
      %scan3A_70 = arith.constant 0 : i32
      scf.yield %scan3A_70 : i32
    }
    %scan3A_14 = arith.constant 196 : i32
    tpu.wait_dma2 semaphore(%arg13 : memref<!tpu.dma_semaphore, #tpu.memory_space<semaphore_mem>>) src(%arg2 : memref<16384xi32, #tpu.memory_space<hbm>>) dst(%arg6 : memref<16384xi32, #tpu.memory_space<vmem>>)
    %scan3A_15 = arith.constant 0 : i32
    %scan3A_16 = arith.constant 0 : i32
    %scan3A_17 = arith.constant 1024 : i32
    %scan3A_18 = arith.addi %scan3A_16, %scan3A_17 : i32
    %scan3A_19 = arith.constant 8 : i32
    %scan3A_20 = scf.for %scan3A_64 = %scan3A_16 to %scan3A_18 step %scan3A_19 iter_args(%scan3A_65 = %scan3A_15) -> (i32)  : i32 {
      %mul3A_66 = arith.constant 16 : i32
      %mul3A_67 = arith.muli %scan3A_64, %mul3A_66 : i32
      %get3A = arith.index_cast %mul3A_67 : i32 to index
      %get3A_68 = tpu.vector_load %arg6[%get3A] {strides = array<i32>} : memref<16384xi32, #tpu.memory_space<vmem>>, vector<16xi32>,
      %sub3A_69 = vector.broadcast %add3A_6 : i32 to vector<16xi32>
      %sub3A_70 = arith.subi %get3A_68, %sub3A_69 : vector<16xi32>
      %ge3A = arith.constant 0 : i32
      %ge3A_71 = vector.broadcast %ge3A : i32 to vector<16xi32>
      %ge3A_72 = arith.cmpi sge, %sub3A_70, %ge3A_71 : vector<16xi32>
      %lt3A_73 = vector.broadcast %select_n3A : i32 to vector<16xi32>
      %lt3A_74 = arith.cmpi slt, %sub3A_70, %lt3A_73 : vector<16xi32>
      %and3A_75 = arith.andi %ge3A_72, %lt3A_74 : vector<16xi1>
      %unique3A, %unique3A_76 = tpu.scan_count mask(%and3A_75 : vector<16xi1>) value(%sub3A_70 : vector<16xi32>) : vector<16xi1>, vector<16xi32>
      %jit3A_77 = arith.constant 0 : i32
      %jit3A_78 = arith.constant 3135 : i32
      %max3A = vector.broadcast %jit3A_77 : i32 to vector<16xi32>
      %max3A_79 = arith.maxsi %max3A, %sub3A_70 : vector<16xi32>
      %min3A_80 = vector.broadcast %jit3A_78 : i32 to vector<16xi32>
      %min3A_81 = arith.minsi %min3A_80, %max3A_79 : vector<16xi32>
      %mul3A_82 = arith.constant 16 : i32
      %mul3A_83 = arith.muli %scan3A_64, %mul3A_82 : i32
      %add3A_84 = vector.broadcast %mul3A_83 : i32 to vector<16xi32>
      %add3A_85 = arith.addi %add3A_84, %iota3A : vector<16xi32>
      %and3A_86 = arith.andi %unique3A, %and3A_75 : vector<16xi1>
      tpu.vector_store_idx %arg7[%min3A_81], %add3A_85 masked %and3A_86 : memref<3136xi32, #tpu.memory_space<vmem>>[vector<16xi32>], vector<16xi32>, vector<16xi1>
      %scan3A_87 = arith.constant 0 : i32
      %scan3A_88 = arith.constant 1 : i32
      %scan3A_89 = arith.addi %scan3A_64, %scan3A_88 : i32
      %mul3A_90 = arith.constant 16 : i32
      %mul3A_91 = arith.muli %scan3A_89, %mul3A_90 : i32
      %get3A_92 = arith.index_cast %mul3A_91 : i32 to index
      %get3A_93 = tpu.vector_load %arg6[%get3A_92] {strides = array<i32>} : memref<16384xi32, #tpu.memory_space<vmem>>, vector<16xi32>,
      %sub3A_94 = vector.broadcast %add3A_6 : i32 to vector<16xi32>
      %sub3A_95 = arith.subi %get3A_93, %sub3A_94 : vector<16xi32>
      %ge3A_96 = arith.constant 0 : i32
      %ge3A_97 = vector.broadcast %ge3A_96 : i32 to vector<16xi32>
      %ge3A_98 = arith.cmpi sge, %sub3A_95, %ge3A_97 : vector<16xi32>
      %lt3A_99 = vector.broadcast %select_n3A : i32 to vector<16xi32>
      %lt3A_100 = arith.cmpi slt, %sub3A_95, %lt3A_99 : vector<16xi32>
      %and3A_101 = arith.andi %ge3A_98, %lt3A_100 : vector<16xi1>
      %unique3A_102, %unique3A_103 = tpu.scan_count mask(%and3A_101 : vector<16xi1>) value(%sub3A_95 : vector<16xi32>) : vector<16xi1>, vector<16xi32>
      %jit3A_104 = arith.constant 0 : i32
      %jit3A_105 = arith.constant 3135 : i32
      %max3A_106 = vector.broadcast %jit3A_104 : i32 to vector<16xi32>
      %max3A_107 = arith.maxsi %max3A_106, %sub3A_95 : vector<16xi32>
      %min3A_108 = vector.broadcast %jit3A_105 : i32 to vector<16xi32>
      %min3A_109 = arith.minsi %min3A_108, %max3A_107 : vector<16xi32>
      %mul3A_110 = arith.constant 16 : i32
      %mul3A_111 = arith.muli %scan3A_89, %mul3A_110 : i32
      %add3A_112 = vector.broadcast %mul3A_111 : i32 to vector<16xi32>
      %add3A_113 = arith.addi %add3A_112, %iota3A : vector<16xi32>
      %and3A_114 = arith.andi %unique3A_102, %and3A_101 : vector<16xi1>
      tpu.vector_store_idx %arg7[%min3A_109], %add3A_113 masked %and3A_114 : memref<3136xi32, #tpu.memory_space<vmem>>[vector<16xi32>], vector<16xi32>, vector<16xi1>
      %scan3A_115 = arith.constant 0 : i32
      %scan3A_116 = arith.constant 2 : i32
      %scan3A_117 = arith.addi %scan3A_64, %scan3A_116 : i32
      %mul3A_118 = arith.constant 16 : i32
      %mul3A_119 = arith.muli %scan3A_117, %mul3A_118 : i32
      %get3A_120 = arith.index_cast %mul3A_119 : i32 to index
      %get3A_121 = tpu.vector_load %arg6[%get3A_120] {strides = array<i32>} : memref<16384xi32, #tpu.memory_space<vmem>>, vector<16xi32>,
      %sub3A_122 = vector.broadcast %add3A_6 : i32 to vector<16xi32>
      %sub3A_123 = arith.subi %get3A_121, %sub3A_122 : vector<16xi32>
      %ge3A_124 = arith.constant 0 : i32
      %ge3A_125 = vector.broadcast %ge3A_124 : i32 to vector<16xi32>
      %ge3A_126 = arith.cmpi sge, %sub3A_123, %ge3A_125 : vector<16xi32>
      %lt3A_127 = vector.broadcast %select_n3A : i32 to vector<16xi32>
      %lt3A_128 = arith.cmpi slt, %sub3A_123, %lt3A_127 : vector<16xi32>
      %and3A_129 = arith.andi %ge3A_126, %lt3A_128 : vector<16xi1>
      %unique3A_130, %unique3A_131 = tpu.scan_count mask(%and3A_129 : vector<16xi1>) value(%sub3A_123 : vector<16xi32>) : vector<16xi1>, vector<16xi32>
      %jit3A_132 = arith.constant 0 : i32
      %jit3A_133 = arith.constant 3135 : i32
      %max3A_134 = vector.broadcast %jit3A_132 : i32 to vector<16xi32>
      %max3A_135 = arith.maxsi %max3A_134, %sub3A_123 : vector<16xi32>
      %min3A_136 = vector.broadcast %jit3A_133 : i32 to vector<16xi32>
      %min3A_137 = arith.minsi %min3A_136, %max3A_135 : vector<16xi32>
      %mul3A_138 = arith.constant 16 : i32
      %mul3A_139 = arith.muli %scan3A_117, %mul3A_138 : i32
      %add3A_140 = vector.broadcast %mul3A_139 : i32 to vector<16xi32>
      %add3A_141 = arith.addi %add3A_140, %iota3A : vector<16xi32>
      %and3A_142 = arith.andi %unique3A_130, %and3A_129 : vector<16xi1>
      tpu.vector_store_idx %arg7[%min3A_137], %add3A_141 masked %and3A_142 : memref<3136xi32, #tpu.memory_space<vmem>>[vector<16xi32>], vector<16xi32>, vector<16xi1>
      %scan3A_143 = arith.constant 0 : i32
      %scan3A_144 = arith.constant 3 : i32
      %scan3A_145 = arith.addi %scan3A_64, %scan3A_144 : i32
      %mul3A_146 = arith.constant 16 : i32
      %mul3A_147 = arith.muli %scan3A_145, %mul3A_146 : i32
      %get3A_148 = arith.index_cast %mul3A_147 : i32 to index
      %get3A_149 = tpu.vector_load %arg6[%get3A_148] {strides = array<i32>} : memref<16384xi32, #tpu.memory_space<vmem>>, vector<16xi32>,
      %sub3A_150 = vector.broadcast %add3A_6 : i32 to vector<16xi32>
      %sub3A_151 = arith.subi %get3A_149, %sub3A_150 : vector<16xi32>
      %ge3A_152 = arith.constant 0 : i32
      %ge3A_153 = vector.broadcast %ge3A_152 : i32 to vector<16xi32>
      %ge3A_154 = arith.cmpi sge, %sub3A_151, %ge3A_153 : vector<16xi32>
      %lt3A_155 = vector.broadcast %select_n3A : i32 to vector<16xi32>
      %lt3A_156 = arith.cmpi slt, %sub3A_151, %lt3A_155 : vector<16xi32>
      %and3A_157 = arith.andi %ge3A_154, %lt3A_156 : vector<16xi1>
      %unique3A_158, %unique3A_159 = tpu.scan_count mask(%and3A_157 : vector<16xi1>) value(%sub3A_151 : vector<16xi32>) : vector<16xi1>, vector<16xi32>
      %jit3A_160 = arith.constant 0 : i32
      %jit3A_161 = arith.constant 3135 : i32
      %max3A_162 = vector.broadcast %jit3A_160 : i32 to vector<16xi32>
      %max3A_163 = arith.maxsi %max3A_162, %sub3A_151 : vector<16xi32>
      %min3A_164 = vector.broadcast %jit3A_161 : i32 to vector<16xi32>
      %min3A_165 = arith.minsi %min3A_164, %max3A_163 : vector<16xi32>
      %mul3A_166 = arith.constant 16 : i32
      %mul3A_167 = arith.muli %scan3A_145, %mul3A_166 : i32
      %add3A_168 = vector.broadcast %mul3A_167 : i32 to vector<16xi32>
      %add3A_169 = arith.addi %add3A_168, %iota3A : vector<16xi32>
      %and3A_170 = arith.andi %unique3A_158, %and3A_157 : vector<16xi1>
      tpu.vector_store_idx %arg7[%min3A_165], %add3A_169 masked %and3A_170 : memref<3136xi32, #tpu.memory_space<vmem>>[vector<16xi32>], vector<16xi32>, vector<16xi1>
      %scan3A_171 = arith.constant 0 : i32
      %scan3A_172 = arith.constant 4 : i32
      %scan3A_173 = arith.addi %scan3A_64, %scan3A_172 : i32
      %mul3A_174 = arith.constant 16 : i32
      %mul3A_175 = arith.muli %scan3A_173, %mul3A_174 : i32
      %get3A_176 = arith.index_cast %mul3A_175 : i32 to index
      %get3A_177 = tpu.vector_load %arg6[%get3A_176] {strides = array<i32>} : memref<16384xi32, #tpu.memory_space<vmem>>, vector<16xi32>,
      %sub3A_178 = vector.broadcast %add3A_6 : i32 to vector<16xi32>
      %sub3A_179 = arith.subi %get3A_177, %sub3A_178 : vector<16xi32>
      %ge3A_180 = arith.constant 0 : i32
      %ge3A_181 = vector.broadcast %ge3A_180 : i32 to vector<16xi32>
      %ge3A_182 = arith.cmpi sge, %sub3A_179, %ge3A_181 : vector<16xi32>
      %lt3A_183 = vector.broadcast %select_n3A : i32 to vector<16xi32>
      %lt3A_184 = arith.cmpi slt, %sub3A_179, %lt3A_183 : vector<16xi32>
      %and3A_185 = arith.andi %ge3A_182, %lt3A_184 : vector<16xi1>
      %unique3A_186, %unique3A_187 = tpu.scan_count mask(%and3A_185 : vector<16xi1>) value(%sub3A_179 : vector<16xi32>) : vector<16xi1>, vector<16xi32>
      %jit3A_188 = arith.constant 0 : i32
      %jit3A_189 = arith.constant 3135 : i32
      %max3A_190 = vector.broadcast %jit3A_188 : i32 to vector<16xi32>
      %max3A_191 = arith.maxsi %max3A_190, %sub3A_179 : vector<16xi32>
      %min3A_192 = vector.broadcast %jit3A_189 : i32 to vector<16xi32>
      %min3A_193 = arith.minsi %min3A_192, %max3A_191 : vector<16xi32>
      %mul3A_194 = arith.constant 16 : i32
      %mul3A_195 = arith.muli %scan3A_173, %mul3A_194 : i32
      %add3A_196 = vector.broadcast %mul3A_195 : i32 to vector<16xi32>
      %add3A_197 = arith.addi %add3A_196, %iota3A : vector<16xi32>
      %and3A_198 = arith.andi %unique3A_186, %and3A_185 : vector<16xi1>
      tpu.vector_store_idx %arg7[%min3A_193], %add3A_197 masked %and3A_198 : memref<3136xi32, #tpu.memory_space<vmem>>[vector<16xi32>], vector<16xi32>, vector<16xi1>
      %scan3A_199 = arith.constant 0 : i32
      %scan3A_200 = arith.constant 5 : i32
      %scan3A_201 = arith.addi %scan3A_64, %scan3A_200 : i32
      %mul3A_202 = arith.constant 16 : i32
      %mul3A_203 = arith.muli %scan3A_201, %mul3A_202 : i32
      %get3A_204 = arith.index_cast %mul3A_203 : i32 to index
      %get3A_205 = tpu.vector_load %arg6[%get3A_204] {strides = array<i32>} : memref<16384xi32, #tpu.memory_space<vmem>>, vector<16xi32>,
      %sub3A_206 = vector.broadcast %add3A_6 : i32 to vector<16xi32>
      %sub3A_207 = arith.subi %get3A_205, %sub3A_206 : vector<16xi32>
      %ge3A_208 = arith.constant 0 : i32
      %ge3A_209 = vector.broadcast %ge3A_208 : i32 to vector<16xi32>
      %ge3A_210 = arith.cmpi sge, %sub3A_207, %ge3A_209 : vector<16xi32>
      %lt3A_211 = vector.broadcast %select_n3A : i32 to vector<16xi32>
      %lt3A_212 = arith.cmpi slt, %sub3A_207, %lt3A_211 : vector<16xi32>
      %and3A_213 = arith.andi %ge3A_210, %lt3A_212 : vector<16xi1>
      %unique3A_214, %unique3A_215 = tpu.scan_count mask(%and3A_213 : vector<16xi1>) value(%sub3A_207 : vector<16xi32>) : vector<16xi1>, vector<16xi32>
      %jit3A_216 = arith.constant 0 : i32
      %jit3A_217 = arith.constant 3135 : i32
      %max3A_218 = vector.broadcast %jit3A_216 : i32 to vector<16xi32>
      %max3A_219 = arith.maxsi %max3A_218, %sub3A_207 : vector<16xi32>
      %min3A_220 = vector.broadcast %jit3A_217 : i32 to vector<16xi32>
      %min3A_221 = arith.minsi %min3A_220, %max3A_219 : vector<16xi32>
      %mul3A_222 = arith.constant 16 : i32
      %mul3A_223 = arith.muli %scan3A_201, %mul3A_222 : i32
      %add3A_224 = vector.broadcast %mul3A_223 : i32 to vector<16xi32>
      %add3A_225 = arith.addi %add3A_224, %iota3A : vector<16xi32>
      %and3A_226 = arith.andi %unique3A_214, %and3A_213 : vector<16xi1>
      tpu.vector_store_idx %arg7[%min3A_221], %add3A_225 masked %and3A_226 : memref<3136xi32, #tpu.memory_space<vmem>>[vector<16xi32>], vector<16xi32>, vector<16xi1>
      %scan3A_227 = arith.constant 0 : i32
      %scan3A_228 = arith.constant 6 : i32
      %scan3A_229 = arith.addi %scan3A_64, %scan3A_228 : i32
      %mul3A_230 = arith.constant 16 : i32
      %mul3A_231 = arith.muli %scan3A_229, %mul3A_230 : i32
      %get3A_232 = arith.index_cast %mul3A_231 : i32 to index
      %get3A_233 = tpu.vector_load %arg6[%get3A_232] {strides = array<i32>} : memref<16384xi32, #tpu.memory_space<vmem>>, vector<16xi32>,
      %sub3A_234 = vector.broadcast %add3A_6 : i32 to vector<16xi32>
      %sub3A_235 = arith.subi %get3A_233, %sub3A_234 : vector<16xi32>
      %ge3A_236 = arith.constant 0 : i32
      %ge3A_237 = vector.broadcast %ge3A_236 : i32 to vector<16xi32>
      %ge3A_238 = arith.cmpi sge, %sub3A_235, %ge3A_237 : vector<16xi32>
      %lt3A_239 = vector.broadcast %select_n3A : i32 to vector<16xi32>
      %lt3A_240 = arith.cmpi slt, %sub3A_235, %lt3A_239 : vector<16xi32>
      %and3A_241 = arith.andi %ge3A_238, %lt3A_240 : vector<16xi1>
      %unique3A_242, %unique3A_243 = tpu.scan_count mask(%and3A_241 : vector<16xi1>) value(%sub3A_235 : vector<16xi32>) : vector<16xi1>, vector<16xi32>
      %jit3A_244 = arith.constant 0 : i32
      %jit3A_245 = arith.constant 3135 : i32
      %max3A_246 = vector.broadcast %jit3A_244 : i32 to vector<16xi32>
      %max3A_247 = arith.maxsi %max3A_246, %sub3A_235 : vector<16xi32>
      %min3A_248 = vector.broadcast %jit3A_245 : i32 to vector<16xi32>
      %min3A_249 = arith.minsi %min3A_248, %max3A_247 : vector<16xi32>
      %mul3A_250 = arith.constant 16 : i32
      %mul3A_251 = arith.muli %scan3A_229, %mul3A_250 : i32
      %add3A_252 = vector.broadcast %mul3A_251 : i32 to vector<16xi32>
      %add3A_253 = arith.addi %add3A_252, %iota3A : vector<16xi32>
      %and3A_254 = arith.andi %unique3A_242, %and3A_241 : vector<16xi1>
      tpu.vector_store_idx %arg7[%min3A_249], %add3A_253 masked %and3A_254 : memref<3136xi32, #tpu.memory_space<vmem>>[vector<16xi32>], vector<16xi32>, vector<16xi1>
      %scan3A_255 = arith.constant 0 : i32
      %scan3A_256 = arith.constant 7 : i32
      %scan3A_257 = arith.addi %scan3A_64, %scan3A_256 : i32
      %mul3A_258 = arith.constant 16 : i32
      %mul3A_259 = arith.muli %scan3A_257, %mul3A_258 : i32
      %get3A_260 = arith.index_cast %mul3A_259 : i32 to index
      %get3A_261 = tpu.vector_load %arg6[%get3A_260] {strides = array<i32>} : memref<16384xi32, #tpu.memory_space<vmem>>, vector<16xi32>,
      %sub3A_262 = vector.broadcast %add3A_6 : i32 to vector<16xi32>
      %sub3A_263 = arith.subi %get3A_261, %sub3A_262 : vector<16xi32>
      %ge3A_264 = arith.constant 0 : i32
      %ge3A_265 = vector.broadcast %ge3A_264 : i32 to vector<16xi32>
      %ge3A_266 = arith.cmpi sge, %sub3A_263, %ge3A_265 : vector<16xi32>
      %lt3A_267 = vector.broadcast %select_n3A : i32 to vector<16xi32>
      %lt3A_268 = arith.cmpi slt, %sub3A_263, %lt3A_267 : vector<16xi32>
      %and3A_269 = arith.andi %ge3A_266, %lt3A_268 : vector<16xi1>
      %unique3A_270, %unique3A_271 = tpu.scan_count mask(%and3A_269 : vector<16xi1>) value(%sub3A_263 : vector<16xi32>) : vector<16xi1>, vector<16xi32>
      %jit3A_272 = arith.constant 0 : i32
      %jit3A_273 = arith.constant 3135 : i32
      %max3A_274 = vector.broadcast %jit3A_272 : i32 to vector<16xi32>
      %max3A_275 = arith.maxsi %max3A_274, %sub3A_263 : vector<16xi32>
      %min3A_276 = vector.broadcast %jit3A_273 : i32 to vector<16xi32>
      %min3A_277 = arith.minsi %min3A_276, %max3A_275 : vector<16xi32>
      %mul3A_278 = arith.constant 16 : i32
      %mul3A_279 = arith.muli %scan3A_257, %mul3A_278 : i32
      %add3A_280 = vector.broadcast %mul3A_279 : i32 to vector<16xi32>
      %add3A_281 = arith.addi %add3A_280, %iota3A : vector<16xi32>
      %and3A_282 = arith.andi %unique3A_270, %and3A_269 : vector<16xi1>
      tpu.vector_store_idx %arg7[%min3A_277], %add3A_281 masked %and3A_282 : memref<3136xi32, #tpu.memory_space<vmem>>[vector<16xi32>], vector<16xi32>, vector<16xi1>
      %scan3A_283 = arith.constant 0 : i32
      scf.yield %scan3A_283 : i32
    }
    %scan3A_21 = arith.constant 1024 : i32
    %scan3A_22 = arith.constant 0 : i32
    %scan3A_23 = arith.constant 0 : i32
    %scan3A_24 = arith.constant 196 : i32
    %scan3A_25 = arith.addi %scan3A_23, %scan3A_24 : i32
    %scan3A_26 = arith.constant 1 : i32
    %scan3A_27 = scf.for %scan3A_64 = %scan3A_23 to %scan3A_25 step %scan3A_26 iter_args(%scan3A_65 = %scan3A_22) -> (i32)  : i32 {
      %mul3A_66 = arith.constant 16 : i32
      %mul3A_67 = arith.muli %scan3A_64, %mul3A_66 : i32
      %get3A = arith.index_cast %mul3A_67 : i32 to index
      %get3A_68 = tpu.vector_load %arg7[%get3A] {strides = array<i32>} : memref<3136xi32, #tpu.memory_space<vmem>>, vector<16xi32>,
      %ge3A = arith.constant 0 : i32
      %ge3A_69 = vector.broadcast %ge3A : i32 to vector<16xi32>
      %ge3A_70 = arith.cmpi sge, %get3A_68, %ge3A_69 : vector<16xi32>
      %mul3A_71 = arith.constant 16 : i32
      %mul3A_72 = arith.muli %scan3A_64, %mul3A_71 : i32
      %add3A_73 = arith.addi %add3A_6, %mul3A_72 : i32
      %add3A_74 = vector.broadcast %add3A_73 : i32 to vector<16xi32>
      %add3A_75 = arith.addi %add3A_74, %iota3A : vector<16xi32>
      %swap3A = arith.index_cast %scan3A_65 : i32 to index
      %swap3A_76 = tpu.vector_load %arg8[%swap3A] masked %ge3A_70 {strides = array<i32>} : memref<3264xi32, #tpu.memory_space<vmem>>, vector<16xi32>, vector<16xi1>
      tpu.vector_store %arg8[%swap3A], %add3A_75 masked %ge3A_70 {strides = array<i32>} : memref<3264xi32, #tpu.memory_space<vmem>>, vector<16xi32>, vector<16xi1>
      %swap3A_77 = arith.index_cast %scan3A_65 : i32 to index
      %swap3A_78 = tpu.vector_load %arg9[%swap3A_77] masked %ge3A_70 {strides = array<i32>} : memref<3264xi32, #tpu.memory_space<vmem>>, vector<16xi32>, vector<16xi1>
      tpu.vector_store %arg9[%swap3A_77], %get3A_68 masked %ge3A_70 {strides = array<i32>} : memref<3264xi32, #tpu.memory_space<vmem>>, vector<16xi32>, vector<16xi1>
      %convert_element_type3A_79 = arith.extui %ge3A_70 : vector<16xi1> to vector<16xi32>
      %reduce_sum3A = arith.constant true
      %reduce_sum3A_80 = vector.broadcast %reduce_sum3A : i1 to vector<16xi1>
      %reduce_sum3A_81 = tpu.scan <sum>, %convert_element_type3A_79 masked %reduce_sum3A_80 : vector<16xi32>, vector<16xi1> -> vector<16xi32>
      %reduce_sum3A_82 = vector.extract %reduce_sum3A_81[15] : i32 from vector<16xi32>
      %add3A_83 = arith.addi %scan3A_65, %reduce_sum3A_82 : i32
      scf.yield %add3A_83 : i32
    }
    %scan3A_28 = arith.constant 196 : i32
    %gt3A = arith.constant 0 : i32
    %gt3A_29 = arith.cmpi sgt, %scan3A_27, %gt3A : i32
    %convert_element_type3A = arith.extui %gt3A_29 : i1 to i32
    %cond3A = arith.constant 0 : i32
    %cond3A_30 = arith.cmpi ne, %convert_element_type3A, %cond3A : i32
    scf.if %cond3A_30 {
      %jit3A_64 = arith.constant 16 : i32
      %div3A_65 = arith.divsi %scan3A_27, %jit3A_64 : i32
      %sign3A_66 = arith.constant 0 : i32
      %sign3A_67 = arith.cmpi sgt, %scan3A_27, %sign3A_66 : i32
      %sign3A_68 = arith.extui %sign3A_67 : i1 to i32
      %sign3A_69 = arith.constant 0 : i32
      %sign3A_70 = arith.cmpi slt, %scan3A_27, %sign3A_69 : i32
      %sign3A_71 = arith.extui %sign3A_70 : i1 to i32
      %sign3A_72 = arith.subi %sign3A_68, %sign3A_71 : i32
      %sign3A_73 = arith.constant 0 : i32
      %sign3A_74 = arith.cmpi sgt, %jit3A_64, %sign3A_73 : i32
      %sign3A_75 = arith.extui %sign3A_74 : i1 to i32
      %sign3A_76 = arith.constant 0 : i32
      %sign3A_77 = arith.cmpi slt, %jit3A_64, %sign3A_76 : i32
      %sign3A_78 = arith.extui %sign3A_77 : i1 to i32
      %sign3A_79 = arith.subi %sign3A_75, %sign3A_78 : i32
      %ne3A_80 = arith.cmpi ne, %sign3A_72, %sign3A_79 : i32
      %rem3A_81 = arith.remsi %scan3A_27, %jit3A_64 : i32
      %ne3A_82 = arith.constant 0 : i32
      %ne3A_83 = arith.cmpi ne, %rem3A_81, %ne3A_82 : i32
      %and3A_84 = arith.andi %ne3A_80, %ne3A_83 : i1
      %sub3A_85 = arith.constant 1 : i32
      %sub3A_86 = arith.subi %div3A_65, %sub3A_85 : i32
      %select_n3A_87 = arith.select %and3A_84, %sub3A_86, %div3A_65 : i32
      %mul3A_88 = arith.constant 16 : i32
      %mul3A_89 = arith.muli %select_n3A_87, %mul3A_88 : i32
      %get3A = arith.constant 0 : index
      %get3A_90 = tpu.vector_load %arg8[%get3A] {strides = array<i32>} : memref<3264xi32, #tpu.memory_space<vmem>>, vector<16xi32>,
      %slice3A = vector.extract_strided_slice %get3A_90 {offsets = [0], sizes = [1], strides = [1]} : vector<16xi32> to vector<1xi32>
      %squeeze3A = vector.extract %slice3A[0] : i32 from vector<1xi32>
      %broadcast_in_dim3A = vector.broadcast %squeeze3A : i32 to vector<16xi32>
      %get3A_91 = arith.constant 0 : index
      %get3A_92 = tpu.vector_load %arg9[%get3A_91] {strides = array<i32>} : memref<3264xi32, #tpu.memory_space<vmem>>, vector<16xi32>,
      %slice3A_93 = vector.extract_strided_slice %get3A_92 {offsets = [0], sizes = [1], strides = [1]} : vector<16xi32> to vector<1xi32>
      %squeeze3A_94 = vector.extract %slice3A_93[0] : i32 from vector<1xi32>
      %broadcast_in_dim3A_95 = vector.broadcast %squeeze3A_94 : i32 to vector<16xi32>
      %sub3A_96 = arith.subi %scan3A_27, %mul3A_89 : i32
      %lt3A_97 = vector.broadcast %sub3A_96 : i32 to vector<16xi32>
      %lt3A_98 = arith.cmpi slt, %iota3A, %lt3A_97 : vector<16xi32>
      %get3A_99 = arith.index_cast %mul3A_89 : i32 to index
      %get3A_100 = tpu.vector_load %arg8[%get3A_99] {strides = array<i32>} : memref<3264xi32, #tpu.memory_space<vmem>>, vector<16xi32>,
      %select_n3A_101 = arith.select %lt3A_98, %get3A_100, %broadcast_in_dim3A : vector<16xi1>, vector<16xi32>
      %swap3A = arith.index_cast %mul3A_89 : i32 to index
      %swap3A_102 = tpu.vector_load %arg8[%swap3A] {strides = array<i32>} : memref<3264xi32, #tpu.memory_space<vmem>>, vector<16xi32>,
      tpu.vector_store %arg8[%swap3A], %select_n3A_101 {strides = array<i32>} : memref<3264xi32, #tpu.memory_space<vmem>>, vector<16xi32>,
      %get3A_103 = arith.index_cast %mul3A_89 : i32 to index
      %get3A_104 = tpu.vector_load %arg9[%get3A_103] {strides = array<i32>} : memref<3264xi32, #tpu.memory_space<vmem>>, vector<16xi32>,
      %select_n3A_105 = arith.select %lt3A_98, %get3A_104, %broadcast_in_dim3A_95 : vector<16xi1>, vector<16xi32>
      %swap3A_106 = arith.index_cast %mul3A_89 : i32 to index
      %swap3A_107 = tpu.vector_load %arg9[%swap3A_106] {strides = array<i32>} : memref<3264xi32, #tpu.memory_space<vmem>>, vector<16xi32>,
      tpu.vector_store %arg9[%swap3A_106], %select_n3A_105 {strides = array<i32>} : memref<3264xi32, #tpu.memory_space<vmem>>, vector<16xi32>,
      %add3A_108 = arith.constant 16 : i32
      %add3A_109 = arith.addi %mul3A_89, %add3A_108 : i32
      %swap3A_110 = arith.index_cast %add3A_109 : i32 to index
      %swap3A_111 = tpu.vector_load %arg8[%swap3A_110] {strides = array<i32>} : memref<3264xi32, #tpu.memory_space<vmem>>, vector<16xi32>,
      tpu.vector_store %arg8[%swap3A_110], %broadcast_in_dim3A {strides = array<i32>} : memref<3264xi32, #tpu.memory_space<vmem>>, vector<16xi32>,
      %add3A_112 = arith.constant 16 : i32
      %add3A_113 = arith.addi %mul3A_89, %add3A_112 : i32
      %swap3A_114 = arith.index_cast %add3A_113 : i32 to index
      %swap3A_115 = tpu.vector_load %arg9[%swap3A_114] {strides = array<i32>} : memref<3264xi32, #tpu.memory_space<vmem>>, vector<16xi32>,
      tpu.vector_store %arg9[%swap3A_114], %broadcast_in_dim3A_95 {strides = array<i32>} : memref<3264xi32, #tpu.memory_space<vmem>>, vector<16xi32>,
      %add3A_116 = arith.constant 32 : i32
      %add3A_117 = arith.addi %mul3A_89, %add3A_116 : i32
      %swap3A_118 = arith.index_cast %add3A_117 : i32 to index
      %swap3A_119 = tpu.vector_load %arg8[%swap3A_118] {strides = array<i32>} : memref<3264xi32, #tpu.memory_space<vmem>>, vector<16xi32>,
      tpu.vector_store %arg8[%swap3A_118], %broadcast_in_dim3A {strides = array<i32>} : memref<3264xi32, #tpu.memory_space<vmem>>, vector<16xi32>,
      %add3A_120 = arith.constant 32 : i32
      %add3A_121 = arith.addi %mul3A_89, %add3A_120 : i32
      %swap3A_122 = arith.index_cast %add3A_121 : i32 to index
      %swap3A_123 = tpu.vector_load %arg9[%swap3A_122] {strides = array<i32>} : memref<3264xi32, #tpu.memory_space<vmem>>, vector<16xi32>,
      tpu.vector_store %arg9[%swap3A_122], %broadcast_in_dim3A_95 {strides = array<i32>} : memref<3264xi32, #tpu.memory_space<vmem>>, vector<16xi32>,
      %add3A_124 = arith.constant 48 : i32
      %add3A_125 = arith.addi %mul3A_89, %add3A_124 : i32
      %swap3A_126 = arith.index_cast %add3A_125 : i32 to index
      %swap3A_127 = tpu.vector_load %arg8[%swap3A_126] {strides = array<i32>} : memref<3264xi32, #tpu.memory_space<vmem>>, vector<16xi32>,
      tpu.vector_store %arg8[%swap3A_126], %broadcast_in_dim3A {strides = array<i32>} : memref<3264xi32, #tpu.memory_space<vmem>>, vector<16xi32>,
      %add3A_128 = arith.constant 48 : i32
      %add3A_129 = arith.addi %mul3A_89, %add3A_128 : i32
      %swap3A_130 = arith.index_cast %add3A_129 : i32 to index
      %swap3A_131 = tpu.vector_load %arg9[%swap3A_130] {strides = array<i32>} : memref<3264xi32, #tpu.memory_space<vmem>>, vector<16xi32>,
      tpu.vector_store %arg9[%swap3A_130], %broadcast_in_dim3A_95 {strides = array<i32>} : memref<3264xi32, #tpu.memory_space<vmem>>, vector<16xi32>,
      %add3A_132 = arith.constant 64 : i32
      %add3A_133 = arith.addi %mul3A_89, %add3A_132 : i32
      %swap3A_134 = arith.index_cast %add3A_133 : i32 to index
      %swap3A_135 = tpu.vector_load %arg8[%swap3A_134] {strides = array<i32>} : memref<3264xi32, #tpu.memory_space<vmem>>, vector<16xi32>,
      tpu.vector_store %arg8[%swap3A_134], %broadcast_in_dim3A {strides = array<i32>} : memref<3264xi32, #tpu.memory_space<vmem>>, vector<16xi32>,
      %add3A_136 = arith.constant 64 : i32
      %add3A_137 = arith.addi %mul3A_89, %add3A_136 : i32
      %swap3A_138 = arith.index_cast %add3A_137 : i32 to index
      %swap3A_139 = tpu.vector_load %arg9[%swap3A_138] {strides = array<i32>} : memref<3264xi32, #tpu.memory_space<vmem>>, vector<16xi32>,
      tpu.vector_store %arg9[%swap3A_138], %broadcast_in_dim3A_95 {strides = array<i32>} : memref<3264xi32, #tpu.memory_space<vmem>>, vector<16xi32>,
      %add3A_140 = arith.constant 80 : i32
      %add3A_141 = arith.addi %mul3A_89, %add3A_140 : i32
      %swap3A_142 = arith.index_cast %add3A_141 : i32 to index
      %swap3A_143 = tpu.vector_load %arg8[%swap3A_142] {strides = array<i32>} : memref<3264xi32, #tpu.memory_space<vmem>>, vector<16xi32>,
      tpu.vector_store %arg8[%swap3A_142], %broadcast_in_dim3A {strides = array<i32>} : memref<3264xi32, #tpu.memory_space<vmem>>, vector<16xi32>,
      %add3A_144 = arith.constant 80 : i32
      %add3A_145 = arith.addi %mul3A_89, %add3A_144 : i32
      %swap3A_146 = arith.index_cast %add3A_145 : i32 to index
      %swap3A_147 = tpu.vector_load %arg9[%swap3A_146] {strides = array<i32>} : memref<3264xi32, #tpu.memory_space<vmem>>, vector<16xi32>,
      tpu.vector_store %arg9[%swap3A_146], %broadcast_in_dim3A_95 {strides = array<i32>} : memref<3264xi32, #tpu.memory_space<vmem>>, vector<16xi32>,
      %add3A_148 = arith.constant 96 : i32
      %add3A_149 = arith.addi %mul3A_89, %add3A_148 : i32
      %swap3A_150 = arith.index_cast %add3A_149 : i32 to index
      %swap3A_151 = tpu.vector_load %arg8[%swap3A_150] {strides = array<i32>} : memref<3264xi32, #tpu.memory_space<vmem>>, vector<16xi32>,
      tpu.vector_store %arg8[%swap3A_150], %broadcast_in_dim3A {strides = array<i32>} : memref<3264xi32, #tpu.memory_space<vmem>>, vector<16xi32>,
      %add3A_152 = arith.constant 96 : i32
      %add3A_153 = arith.addi %mul3A_89, %add3A_152 : i32
      %swap3A_154 = arith.index_cast %add3A_153 : i32 to index
      %swap3A_155 = tpu.vector_load %arg9[%swap3A_154] {strides = array<i32>} : memref<3264xi32, #tpu.memory_space<vmem>>, vector<16xi32>,
      tpu.vector_store %arg9[%swap3A_154], %broadcast_in_dim3A_95 {strides = array<i32>} : memref<3264xi32, #tpu.memory_space<vmem>>, vector<16xi32>,
      %add3A_156 = arith.constant 112 : i32
      %add3A_157 = arith.addi %mul3A_89, %add3A_156 : i32
      %swap3A_158 = arith.index_cast %add3A_157 : i32 to index
      %swap3A_159 = tpu.vector_load %arg8[%swap3A_158] {strides = array<i32>} : memref<3264xi32, #tpu.memory_space<vmem>>, vector<16xi32>,
      tpu.vector_store %arg8[%swap3A_158], %broadcast_in_dim3A {strides = array<i32>} : memref<3264xi32, #tpu.memory_space<vmem>>, vector<16xi32>,
      %add3A_160 = arith.constant 112 : i32
      %add3A_161 = arith.addi %mul3A_89, %add3A_160 : i32
      %swap3A_162 = arith.index_cast %add3A_161 : i32 to index
      %swap3A_163 = tpu.vector_load %arg9[%swap3A_162] {strides = array<i32>} : memref<3264xi32, #tpu.memory_space<vmem>>, vector<16xi32>,
      tpu.vector_store %arg9[%swap3A_162], %broadcast_in_dim3A_95 {strides = array<i32>} : memref<3264xi32, #tpu.memory_space<vmem>>, vector<16xi32>,
      %add3A_164 = arith.constant 128 : i32
      %add3A_165 = arith.addi %mul3A_89, %add3A_164 : i32
      %swap3A_166 = arith.index_cast %add3A_165 : i32 to index
      %swap3A_167 = tpu.vector_load %arg8[%swap3A_166] {strides = array<i32>} : memref<3264xi32, #tpu.memory_space<vmem>>, vector<16xi32>,
      tpu.vector_store %arg8[%swap3A_166], %broadcast_in_dim3A {strides = array<i32>} : memref<3264xi32, #tpu.memory_space<vmem>>, vector<16xi32>,
      %add3A_168 = arith.constant 128 : i32
      %add3A_169 = arith.addi %mul3A_89, %add3A_168 : i32
      %swap3A_170 = arith.index_cast %add3A_169 : i32 to index
      %swap3A_171 = tpu.vector_load %arg9[%swap3A_170] {strides = array<i32>} : memref<3264xi32, #tpu.memory_space<vmem>>, vector<16xi32>,
      tpu.vector_store %arg9[%swap3A_170], %broadcast_in_dim3A_95 {strides = array<i32>} : memref<3264xi32, #tpu.memory_space<vmem>>, vector<16xi32>,
    } else {
    }
    %add3A_31 = arith.constant 128 : i32
    %add3A_32 = arith.addi %scan3A_27, %add3A_31 : i32
    %sub3A = arith.constant 1 : i32
    %sub3A_33 = arith.subi %add3A_32, %sub3A : i32
    %jit3A_34 = arith.constant 128 : i32
    %div3A = arith.divsi %sub3A_33, %jit3A_34 : i32
    %sign3A = arith.constant 0 : i32
    %sign3A_35 = arith.cmpi sgt, %sub3A_33, %sign3A : i32
    %sign3A_36 = arith.extui %sign3A_35 : i1 to i32
    %sign3A_37 = arith.constant 0 : i32
    %sign3A_38 = arith.cmpi slt, %sub3A_33, %sign3A_37 : i32
    %sign3A_39 = arith.extui %sign3A_38 : i1 to i32
    %sign3A_40 = arith.subi %sign3A_36, %sign3A_39 : i32
    %sign3A_41 = arith.constant 0 : i32
    %sign3A_42 = arith.cmpi sgt, %jit3A_34, %sign3A_41 : i32
    %sign3A_43 = arith.extui %sign3A_42 : i1 to i32
    %sign3A_44 = arith.constant 0 : i32
    %sign3A_45 = arith.cmpi slt, %jit3A_34, %sign3A_44 : i32
    %sign3A_46 = arith.extui %sign3A_45 : i1 to i32
    %sign3A_47 = arith.subi %sign3A_43, %sign3A_46 : i32
    %ne3A = arith.cmpi ne, %sign3A_40, %sign3A_47 : i32
    %rem3A = arith.remsi %sub3A_33, %jit3A_34 : i32
    %ne3A_48 = arith.constant 0 : i32
    %ne3A_49 = arith.cmpi ne, %rem3A, %ne3A_48 : i32
    %and3A = arith.andi %ne3A, %ne3A_49 : i1
    %sub3A_50 = arith.constant 1 : i32
    %sub3A_51 = arith.subi %div3A, %sub3A_50 : i32
    %select_n3A_52 = arith.select %and3A, %sub3A_51, %div3A : i32
    %while3A = arith.constant 0 : i32
    %while3A_53 = arith.constant 0 : i32
    %while3A_54 = arith.subi %select_n3A_52, %while3A : i32
    %while3A_55 = arith.addi %while3A, %while3A_54 : i32
    %while3A_56 = arith.constant 1 : i32
    %while3A_57 = arith.divsi %while3A_54, %while3A_56 : i32
    %while3A_58 = arith.muli %while3A_57, %while3A_56 : i32
    %while3A_59 = arith.addi %while3A, %while3A_58 : i32
    %while3A_60 = arith.constant 1 : i32
    %while3A_61 = scf.for %while3A_64 = %while3A to %while3A_59 step %while3A_60 iter_args(%while3A_65 = %while3A_53) -> (i32)  : i32 {
      %mul3A_66 = arith.constant 128 : i32
      %mul3A_67 = arith.muli %while3A_64, %mul3A_66 : i32
      %add3A_68 = arith.constant 0 : i32
      %add3A_69 = arith.addi %mul3A_67, %add3A_68 : i32
      %get3A = arith.index_cast %add3A_69 : i32 to index
      %get3A_70 = tpu.vector_load %arg9[%get3A] {strides = array<i32>} : memref<3264xi32, #tpu.memory_space<vmem>>, vector<16xi32>,
      %swap3A = arith.constant 0 : index
      %swap3A_71 = tpu.vector_load %arg10[%swap3A] {strides = array<i32>} : memref<128xi32, #tpu.memory_space<vmem>>, vector<16xi32>,
      tpu.vector_store %arg10[%swap3A], %get3A_70 {strides = array<i32>} : memref<128xi32, #tpu.memory_space<vmem>>, vector<16xi32>,
      %mul3A_72 = arith.constant 128 : i32
      %mul3A_73 = arith.muli %while3A_64, %mul3A_72 : i32
      %add3A_74 = arith.constant 0 : i32
      %add3A_75 = arith.addi %mul3A_73, %add3A_74 : i32
      %get3A_76 = arith.index_cast %add3A_75 : i32 to index
      %get3A_77 = tpu.vector_load %arg8[%get3A_76] {strides = array<i32>} : memref<3264xi32, #tpu.memory_space<vmem>>, vector<16xi32>,
      %swap3A_78 = arith.constant 0 : index
      %swap3A_79 = tpu.vector_load %arg11[%swap3A_78] {strides = array<i32>} : memref<128xi32, #tpu.memory_space<vmem>>, vector<16xi32>,
      tpu.vector_store %arg11[%swap3A_78], %get3A_77 {strides = array<i32>} : memref<128xi32, #tpu.memory_space<vmem>>, vector<16xi32>,
      %mul3A_80 = arith.constant 128 : i32
      %mul3A_81 = arith.muli %while3A_64, %mul3A_80 : i32
      %add3A_82 = arith.constant 16 : i32
      %add3A_83 = arith.addi %mul3A_81, %add3A_82 : i32
      %get3A_84 = arith.index_cast %add3A_83 : i32 to index
      %get3A_85 = tpu.vector_load %arg9[%get3A_84] {strides = array<i32>} : memref<3264xi32, #tpu.memory_space<vmem>>, vector<16xi32>,
      %swap3A_86 = arith.constant 16 : index
      %swap3A_87 = tpu.vector_load %arg10[%swap3A_86] {strides = array<i32>} : memref<128xi32, #tpu.memory_space<vmem>>, vector<16xi32>,
      tpu.vector_store %arg10[%swap3A_86], %get3A_85 {strides = array<i32>} : memref<128xi32, #tpu.memory_space<vmem>>, vector<16xi32>,
      %mul3A_88 = arith.constant 128 : i32
      %mul3A_89 = arith.muli %while3A_64, %mul3A_88 : i32
      %add3A_90 = arith.constant 16 : i32
      %add3A_91 = arith.addi %mul3A_89, %add3A_90 : i32
      %get3A_92 = arith.index_cast %add3A_91 : i32 to index
      %get3A_93 = tpu.vector_load %arg8[%get3A_92] {strides = array<i32>} : memref<3264xi32, #tpu.memory_space<vmem>>, vector<16xi32>,
      %swap3A_94 = arith.constant 16 : index
      %swap3A_95 = tpu.vector_load %arg11[%swap3A_94] {strides = array<i32>} : memref<128xi32, #tpu.memory_space<vmem>>, vector<16xi32>,
      tpu.vector_store %arg11[%swap3A_94], %get3A_93 {strides = array<i32>} : memref<128xi32, #tpu.memory_space<vmem>>, vector<16xi32>,
      %mul3A_96 = arith.constant 128 : i32
      %mul3A_97 = arith.muli %while3A_64, %mul3A_96 : i32
      %add3A_98 = arith.constant 32 : i32
      %add3A_99 = arith.addi %mul3A_97, %add3A_98 : i32
      %get3A_100 = arith.index_cast %add3A_99 : i32 to index
      %get3A_101 = tpu.vector_load %arg9[%get3A_100] {strides = array<i32>} : memref<3264xi32, #tpu.memory_space<vmem>>, vector<16xi32>,
      %swap3A_102 = arith.constant 32 : index
      %swap3A_103 = tpu.vector_load %arg10[%swap3A_102] {strides = array<i32>} : memref<128xi32, #tpu.memory_space<vmem>>, vector<16xi32>,
      tpu.vector_store %arg10[%swap3A_102], %get3A_101 {strides = array<i32>} : memref<128xi32, #tpu.memory_space<vmem>>, vector<16xi32>,
      %mul3A_104 = arith.constant 128 : i32
      %mul3A_105 = arith.muli %while3A_64, %mul3A_104 : i32
      %add3A_106 = arith.constant 32 : i32
      %add3A_107 = arith.addi %mul3A_105, %add3A_106 : i32
      %get3A_108 = arith.index_cast %add3A_107 : i32 to index
      %get3A_109 = tpu.vector_load %arg8[%get3A_108] {strides = array<i32>} : memref<3264xi32, #tpu.memory_space<vmem>>, vector<16xi32>,
      %swap3A_110 = arith.constant 32 : index
      %swap3A_111 = tpu.vector_load %arg11[%swap3A_110] {strides = array<i32>} : memref<128xi32, #tpu.memory_space<vmem>>, vector<16xi32>,
      tpu.vector_store %arg11[%swap3A_110], %get3A_109 {strides = array<i32>} : memref<128xi32, #tpu.memory_space<vmem>>, vector<16xi32>,
      %mul3A_112 = arith.constant 128 : i32
      %mul3A_113 = arith.muli %while3A_64, %mul3A_112 : i32
      %add3A_114 = arith.constant 48 : i32
      %add3A_115 = arith.addi %mul3A_113, %add3A_114 : i32
      %get3A_116 = arith.index_cast %add3A_115 : i32 to index
      %get3A_117 = tpu.vector_load %arg9[%get3A_116] {strides = array<i32>} : memref<3264xi32, #tpu.memory_space<vmem>>, vector<16xi32>,
      %swap3A_118 = arith.constant 48 : index
      %swap3A_119 = tpu.vector_load %arg10[%swap3A_118] {strides = array<i32>} : memref<128xi32, #tpu.memory_space<vmem>>, vector<16xi32>,
      tpu.vector_store %arg10[%swap3A_118], %get3A_117 {strides = array<i32>} : memref<128xi32, #tpu.memory_space<vmem>>, vector<16xi32>,
      %mul3A_120 = arith.constant 128 : i32
      %mul3A_121 = arith.muli %while3A_64, %mul3A_120 : i32
      %add3A_122 = arith.constant 48 : i32
      %add3A_123 = arith.addi %mul3A_121, %add3A_122 : i32
      %get3A_124 = arith.index_cast %add3A_123 : i32 to index
      %get3A_125 = tpu.vector_load %arg8[%get3A_124] {strides = array<i32>} : memref<3264xi32, #tpu.memory_space<vmem>>, vector<16xi32>,
      %swap3A_126 = arith.constant 48 : index
      %swap3A_127 = tpu.vector_load %arg11[%swap3A_126] {strides = array<i32>} : memref<128xi32, #tpu.memory_space<vmem>>, vector<16xi32>,
      tpu.vector_store %arg11[%swap3A_126], %get3A_125 {strides = array<i32>} : memref<128xi32, #tpu.memory_space<vmem>>, vector<16xi32>,
      %mul3A_128 = arith.constant 128 : i32
      %mul3A_129 = arith.muli %while3A_64, %mul3A_128 : i32
      %add3A_130 = arith.constant 64 : i32
      %add3A_131 = arith.addi %mul3A_129, %add3A_130 : i32
      %get3A_132 = arith.index_cast %add3A_131 : i32 to index
      %get3A_133 = tpu.vector_load %arg9[%get3A_132] {strides = array<i32>} : memref<3264xi32, #tpu.memory_space<vmem>>, vector<16xi32>,
      %swap3A_134 = arith.constant 64 : index
      %swap3A_135 = tpu.vector_load %arg10[%swap3A_134] {strides = array<i32>} : memref<128xi32, #tpu.memory_space<vmem>>, vector<16xi32>,
      tpu.vector_store %arg10[%swap3A_134], %get3A_133 {strides = array<i32>} : memref<128xi32, #tpu.memory_space<vmem>>, vector<16xi32>,
      %mul3A_136 = arith.constant 128 : i32
      %mul3A_137 = arith.muli %while3A_64, %mul3A_136 : i32
      %add3A_138 = arith.constant 64 : i32
      %add3A_139 = arith.addi %mul3A_137, %add3A_138 : i32
      %get3A_140 = arith.index_cast %add3A_139 : i32 to index
      %get3A_141 = tpu.vector_load %arg8[%get3A_140] {strides = array<i32>} : memref<3264xi32, #tpu.memory_space<vmem>>, vector<16xi32>,
      %swap3A_142 = arith.constant 64 : index
      %swap3A_143 = tpu.vector_load %arg11[%swap3A_142] {strides = array<i32>} : memref<128xi32, #tpu.memory_space<vmem>>, vector<16xi32>,
      tpu.vector_store %arg11[%swap3A_142], %get3A_141 {strides = array<i32>} : memref<128xi32, #tpu.memory_space<vmem>>, vector<16xi32>,
      %mul3A_144 = arith.constant 128 : i32
      %mul3A_145 = arith.muli %while3A_64, %mul3A_144 : i32
      %add3A_146 = arith.constant 80 : i32
      %add3A_147 = arith.addi %mul3A_145, %add3A_146 : i32
      %get3A_148 = arith.index_cast %add3A_147 : i32 to index
      %get3A_149 = tpu.vector_load %arg9[%get3A_148] {strides = array<i32>} : memref<3264xi32, #tpu.memory_space<vmem>>, vector<16xi32>,
      %swap3A_150 = arith.constant 80 : index
      %swap3A_151 = tpu.vector_load %arg10[%swap3A_150] {strides = array<i32>} : memref<128xi32, #tpu.memory_space<vmem>>, vector<16xi32>,
      tpu.vector_store %arg10[%swap3A_150], %get3A_149 {strides = array<i32>} : memref<128xi32, #tpu.memory_space<vmem>>, vector<16xi32>,
      %mul3A_152 = arith.constant 128 : i32
      %mul3A_153 = arith.muli %while3A_64, %mul3A_152 : i32
      %add3A_154 = arith.constant 80 : i32
      %add3A_155 = arith.addi %mul3A_153, %add3A_154 : i32
      %get3A_156 = arith.index_cast %add3A_155 : i32 to index
      %get3A_157 = tpu.vector_load %arg8[%get3A_156] {strides = array<i32>} : memref<3264xi32, #tpu.memory_space<vmem>>, vector<16xi32>,
      %swap3A_158 = arith.constant 80 : index
      %swap3A_159 = tpu.vector_load %arg11[%swap3A_158] {strides = array<i32>} : memref<128xi32, #tpu.memory_space<vmem>>, vector<16xi32>,
      tpu.vector_store %arg11[%swap3A_158], %get3A_157 {strides = array<i32>} : memref<128xi32, #tpu.memory_space<vmem>>, vector<16xi32>,
      %mul3A_160 = arith.constant 128 : i32
      %mul3A_161 = arith.muli %while3A_64, %mul3A_160 : i32
      %add3A_162 = arith.constant 96 : i32
      %add3A_163 = arith.addi %mul3A_161, %add3A_162 : i32
      %get3A_164 = arith.index_cast %add3A_163 : i32 to index
      %get3A_165 = tpu.vector_load %arg9[%get3A_164] {strides = array<i32>} : memref<3264xi32, #tpu.memory_space<vmem>>, vector<16xi32>,
      %swap3A_166 = arith.constant 96 : index
      %swap3A_167 = tpu.vector_load %arg10[%swap3A_166] {strides = array<i32>} : memref<128xi32, #tpu.memory_space<vmem>>, vector<16xi32>,
      tpu.vector_store %arg10[%swap3A_166], %get3A_165 {strides = array<i32>} : memref<128xi32, #tpu.memory_space<vmem>>, vector<16xi32>,
      %mul3A_168 = arith.constant 128 : i32
      %mul3A_169 = arith.muli %while3A_64, %mul3A_168 : i32
      %add3A_170 = arith.constant 96 : i32
      %add3A_171 = arith.addi %mul3A_169, %add3A_170 : i32
      %get3A_172 = arith.index_cast %add3A_171 : i32 to index
      %get3A_173 = tpu.vector_load %arg8[%get3A_172] {strides = array<i32>} : memref<3264xi32, #tpu.memory_space<vmem>>, vector<16xi32>,
      %swap3A_174 = arith.constant 96 : index
      %swap3A_175 = tpu.vector_load %arg11[%swap3A_174] {strides = array<i32>} : memref<128xi32, #tpu.memory_space<vmem>>, vector<16xi32>,
      tpu.vector_store %arg11[%swap3A_174], %get3A_173 {strides = array<i32>} : memref<128xi32, #tpu.memory_space<vmem>>, vector<16xi32>,
      %mul3A_176 = arith.constant 128 : i32
      %mul3A_177 = arith.muli %while3A_64, %mul3A_176 : i32
      %add3A_178 = arith.constant 112 : i32
      %add3A_179 = arith.addi %mul3A_177, %add3A_178 : i32
      %get3A_180 = arith.index_cast %add3A_179 : i32 to index
      %get3A_181 = tpu.vector_load %arg9[%get3A_180] {strides = array<i32>} : memref<3264xi32, #tpu.memory_space<vmem>>, vector<16xi32>,
      %swap3A_182 = arith.constant 112 : index
      %swap3A_183 = tpu.vector_load %arg10[%swap3A_182] {strides = array<i32>} : memref<128xi32, #tpu.memory_space<vmem>>, vector<16xi32>,
      tpu.vector_store %arg10[%swap3A_182], %get3A_181 {strides = array<i32>} : memref<128xi32, #tpu.memory_space<vmem>>, vector<16xi32>,
      %mul3A_184 = arith.constant 128 : i32
      %mul3A_185 = arith.muli %while3A_64, %mul3A_184 : i32
      %add3A_186 = arith.constant 112 : i32
      %add3A_187 = arith.addi %mul3A_185, %add3A_186 : i32
      %get3A_188 = arith.index_cast %add3A_187 : i32 to index
      %get3A_189 = tpu.vector_load %arg8[%get3A_188] {strides = array<i32>} : memref<3264xi32, #tpu.memory_space<vmem>>, vector<16xi32>,
      %swap3A_190 = arith.constant 112 : index
      %swap3A_191 = tpu.vector_load %arg11[%swap3A_190] {strides = array<i32>} : memref<128xi32, #tpu.memory_space<vmem>>, vector<16xi32>,
      tpu.vector_store %arg11[%swap3A_190], %get3A_189 {strides = array<i32>} : memref<128xi32, #tpu.memory_space<vmem>>, vector<16xi32>,
      %dma_start3A = arith.constant 0 : i32
      %dma_start3A_192 = arith.constant 0 : i32
      %dma_start3A_193 = tpu.memref_slice %arg3[%dma_start3A, %dma_start3A_192] : memref<16384x128xf32, #tpu.memory_space<hbm>> -> memref<16384x128xf32, #tpu.memory_space<hbm>>
      tpu.enqueue_indirect_dma source(%dma_start3A_193 : memref<16384x128xf32, #tpu.memory_space<hbm>>) target(%arg12 : memref<128x128xf32, #tpu.memory_space<vmem>>) offsets(%arg10 : memref<128xi32, #tpu.memory_space<vmem>>) semaphore(%arg13 : memref<!tpu.dma_semaphore, #tpu.memory_space<semaphore_mem>>)
      %dma_wait3A = arith.constant 0 : i32
      %dma_wait3A_194 = arith.constant 0 : i32
      %dma_wait3A_195 = tpu.memref_slice %arg3[%dma_wait3A, %dma_wait3A_194] : memref<16384x128xf32, #tpu.memory_space<hbm>> -> memref<16384x128xf32, #tpu.memory_space<hbm>>
      tpu.wait_indirect_dma semaphore(%arg13 : memref<!tpu.dma_semaphore, #tpu.memory_space<semaphore_mem>>) src(%dma_wait3A_195 : memref<16384x128xf32, #tpu.memory_space<hbm>>) dst(%arg12 : memref<128x128xf32, #tpu.memory_space<vmem>>)
      %dma_start3A_196 = arith.constant 0 : i32
      %dma_start3A_197 = arith.constant 0 : i32
      %dma_start3A_198 = tpu.memref_slice %arg4[%dma_start3A_196, %dma_start3A_197] : memref<100000x128xf32, #tpu.memory_space<hbm>> -> memref<100000x128xf32, #tpu.memory_space<hbm>>
      tpu.enqueue_indirect_dma source(%arg12 : memref<128x128xf32, #tpu.memory_space<vmem>>) target(%dma_start3A_198 : memref<100000x128xf32, #tpu.memory_space<hbm>>) offsets(%arg11 : memref<128xi32, #tpu.memory_space<vmem>>) semaphore(%arg14 : memref<!tpu.dma_semaphore, #tpu.memory_space<semaphore_mem>>)
      %dma_wait3A_199 = arith.constant 0 : i32
      %dma_wait3A_200 = arith.constant 0 : i32
      %dma_wait3A_201 = tpu.memref_slice %arg4[%dma_wait3A_199, %dma_wait3A_200] : memref<100000x128xf32, #tpu.memory_space<hbm>> -> memref<100000x128xf32, #tpu.memory_space<hbm>>
      tpu.wait_indirect_dma semaphore(%arg14 : memref<!tpu.dma_semaphore, #tpu.memory_space<semaphore_mem>>) src(%arg12 : memref<128x128xf32, #tpu.memory_space<vmem>>) dst(%dma_wait3A_201 : memref<100000x128xf32, #tpu.memory_space<hbm>>)
      %while3A_202 = arith.constant 0 : i32
      scf.yield %while3A_202 : i32
    }
    %while3A_62 = arith.constant 1 : i32
    %while3A_63 = scf.for %while3A_64 = %while3A_59 to %while3A_55 step %while3A_62 iter_args(%while3A_65 = %while3A_61) -> (i32)  : i32 {
      %mul3A_66 = arith.constant 128 : i32
      %mul3A_67 = arith.muli %while3A_64, %mul3A_66 : i32
      %add3A_68 = arith.constant 0 : i32
      %add3A_69 = arith.addi %mul3A_67, %add3A_68 : i32
      %get3A = arith.index_cast %add3A_69 : i32 to index
      %get3A_70 = tpu.vector_load %arg9[%get3A] {strides = array<i32>} : memref<3264xi32, #tpu.memory_space<vmem>>, vector<16xi32>,
      %swap3A = arith.constant 0 : index
      %swap3A_71 = tpu.vector_load %arg10[%swap3A] {strides = array<i32>} : memref<128xi32, #tpu.memory_space<vmem>>, vector<16xi32>,
      tpu.vector_store %arg10[%swap3A], %get3A_70 {strides = array<i32>} : memref<128xi32, #tpu.memory_space<vmem>>, vector<16xi32>,
      %mul3A_72 = arith.constant 128 : i32
      %mul3A_73 = arith.muli %while3A_64, %mul3A_72 : i32
      %add3A_74 = arith.constant 0 : i32
      %add3A_75 = arith.addi %mul3A_73, %add3A_74 : i32
      %get3A_76 = arith.index_cast %add3A_75 : i32 to index
      %get3A_77 = tpu.vector_load %arg8[%get3A_76] {strides = array<i32>} : memref<3264xi32, #tpu.memory_space<vmem>>, vector<16xi32>,
      %swap3A_78 = arith.constant 0 : index
      %swap3A_79 = tpu.vector_load %arg11[%swap3A_78] {strides = array<i32>} : memref<128xi32, #tpu.memory_space<vmem>>, vector<16xi32>,
      tpu.vector_store %arg11[%swap3A_78], %get3A_77 {strides = array<i32>} : memref<128xi32, #tpu.memory_space<vmem>>, vector<16xi32>,
      %mul3A_80 = arith.constant 128 : i32
      %mul3A_81 = arith.muli %while3A_64, %mul3A_80 : i32
      %add3A_82 = arith.constant 16 : i32
      %add3A_83 = arith.addi %mul3A_81, %add3A_82 : i32
      %get3A_84 = arith.index_cast %add3A_83 : i32 to index
      %get3A_85 = tpu.vector_load %arg9[%get3A_84] {strides = array<i32>} : memref<3264xi32, #tpu.memory_space<vmem>>, vector<16xi32>,
      %swap3A_86 = arith.constant 16 : index
      %swap3A_87 = tpu.vector_load %arg10[%swap3A_86] {strides = array<i32>} : memref<128xi32, #tpu.memory_space<vmem>>, vector<16xi32>,
      tpu.vector_store %arg10[%swap3A_86], %get3A_85 {strides = array<i32>} : memref<128xi32, #tpu.memory_space<vmem>>, vector<16xi32>,
      %mul3A_88 = arith.constant 128 : i32
      %mul3A_89 = arith.muli %while3A_64, %mul3A_88 : i32
      %add3A_90 = arith.constant 16 : i32
      %add3A_91 = arith.addi %mul3A_89, %add3A_90 : i32
      %get3A_92 = arith.index_cast %add3A_91 : i32 to index
      %get3A_93 = tpu.vector_load %arg8[%get3A_92] {strides = array<i32>} : memref<3264xi32, #tpu.memory_space<vmem>>, vector<16xi32>,
      %swap3A_94 = arith.constant 16 : index
      %swap3A_95 = tpu.vector_load %arg11[%swap3A_94] {strides = array<i32>} : memref<128xi32, #tpu.memory_space<vmem>>, vector<16xi32>,
      tpu.vector_store %arg11[%swap3A_94], %get3A_93 {strides = array<i32>} : memref<128xi32, #tpu.memory_space<vmem>>, vector<16xi32>,
      %mul3A_96 = arith.constant 128 : i32
      %mul3A_97 = arith.muli %while3A_64, %mul3A_96 : i32
      %add3A_98 = arith.constant 32 : i32
      %add3A_99 = arith.addi %mul3A_97, %add3A_98 : i32
      %get3A_100 = arith.index_cast %add3A_99 : i32 to index
      %get3A_101 = tpu.vector_load %arg9[%get3A_100] {strides = array<i32>} : memref<3264xi32, #tpu.memory_space<vmem>>, vector<16xi32>,
      %swap3A_102 = arith.constant 32 : index
      %swap3A_103 = tpu.vector_load %arg10[%swap3A_102] {strides = array<i32>} : memref<128xi32, #tpu.memory_space<vmem>>, vector<16xi32>,
      tpu.vector_store %arg10[%swap3A_102], %get3A_101 {strides = array<i32>} : memref<128xi32, #tpu.memory_space<vmem>>, vector<16xi32>,
      %mul3A_104 = arith.constant 128 : i32
      %mul3A_105 = arith.muli %while3A_64, %mul3A_104 : i32
      %add3A_106 = arith.constant 32 : i32
      %add3A_107 = arith.addi %mul3A_105, %add3A_106 : i32
      %get3A_108 = arith.index_cast %add3A_107 : i32 to index
      %get3A_109 = tpu.vector_load %arg8[%get3A_108] {strides = array<i32>} : memref<3264xi32, #tpu.memory_space<vmem>>, vector<16xi32>,
      %swap3A_110 = arith.constant 32 : index
      %swap3A_111 = tpu.vector_load %arg11[%swap3A_110] {strides = array<i32>} : memref<128xi32, #tpu.memory_space<vmem>>, vector<16xi32>,
      tpu.vector_store %arg11[%swap3A_110], %get3A_109 {strides = array<i32>} : memref<128xi32, #tpu.memory_space<vmem>>, vector<16xi32>,
      %mul3A_112 = arith.constant 128 : i32
      %mul3A_113 = arith.muli %while3A_64, %mul3A_112 : i32
      %add3A_114 = arith.constant 48 : i32
      %add3A_115 = arith.addi %mul3A_113, %add3A_114 : i32
      %get3A_116 = arith.index_cast %add3A_115 : i32 to index
      %get3A_117 = tpu.vector_load %arg9[%get3A_116] {strides = array<i32>} : memref<3264xi32, #tpu.memory_space<vmem>>, vector<16xi32>,
      %swap3A_118 = arith.constant 48 : index
      %swap3A_119 = tpu.vector_load %arg10[%swap3A_118] {strides = array<i32>} : memref<128xi32, #tpu.memory_space<vmem>>, vector<16xi32>,
      tpu.vector_store %arg10[%swap3A_118], %get3A_117 {strides = array<i32>} : memref<128xi32, #tpu.memory_space<vmem>>, vector<16xi32>,
      %mul3A_120 = arith.constant 128 : i32
      %mul3A_121 = arith.muli %while3A_64, %mul3A_120 : i32
      %add3A_122 = arith.constant 48 : i32
      %add3A_123 = arith.addi %mul3A_121, %add3A_122 : i32
      %get3A_124 = arith.index_cast %add3A_123 : i32 to index
      %get3A_125 = tpu.vector_load %arg8[%get3A_124] {strides = array<i32>} : memref<3264xi32, #tpu.memory_space<vmem>>, vector<16xi32>,
      %swap3A_126 = arith.constant 48 : index
      %swap3A_127 = tpu.vector_load %arg11[%swap3A_126] {strides = array<i32>} : memref<128xi32, #tpu.memory_space<vmem>>, vector<16xi32>,
      tpu.vector_store %arg11[%swap3A_126], %get3A_125 {strides = array<i32>} : memref<128xi32, #tpu.memory_space<vmem>>, vector<16xi32>,
      %mul3A_128 = arith.constant 128 : i32
      %mul3A_129 = arith.muli %while3A_64, %mul3A_128 : i32
      %add3A_130 = arith.constant 64 : i32
      %add3A_131 = arith.addi %mul3A_129, %add3A_130 : i32
      %get3A_132 = arith.index_cast %add3A_131 : i32 to index
      %get3A_133 = tpu.vector_load %arg9[%get3A_132] {strides = array<i32>} : memref<3264xi32, #tpu.memory_space<vmem>>, vector<16xi32>,
      %swap3A_134 = arith.constant 64 : index
      %swap3A_135 = tpu.vector_load %arg10[%swap3A_134] {strides = array<i32>} : memref<128xi32, #tpu.memory_space<vmem>>, vector<16xi32>,
      tpu.vector_store %arg10[%swap3A_134], %get3A_133 {strides = array<i32>} : memref<128xi32, #tpu.memory_space<vmem>>, vector<16xi32>,
      %mul3A_136 = arith.constant 128 : i32
      %mul3A_137 = arith.muli %while3A_64, %mul3A_136 : i32
      %add3A_138 = arith.constant 64 : i32
      %add3A_139 = arith.addi %mul3A_137, %add3A_138 : i32
      %get3A_140 = arith.index_cast %add3A_139 : i32 to index
      %get3A_141 = tpu.vector_load %arg8[%get3A_140] {strides = array<i32>} : memref<3264xi32, #tpu.memory_space<vmem>>, vector<16xi32>,
      %swap3A_142 = arith.constant 64 : index
      %swap3A_143 = tpu.vector_load %arg11[%swap3A_142] {strides = array<i32>} : memref<128xi32, #tpu.memory_space<vmem>>, vector<16xi32>,
      tpu.vector_store %arg11[%swap3A_142], %get3A_141 {strides = array<i32>} : memref<128xi32, #tpu.memory_space<vmem>>, vector<16xi32>,
      %mul3A_144 = arith.constant 128 : i32
      %mul3A_145 = arith.muli %while3A_64, %mul3A_144 : i32
      %add3A_146 = arith.constant 80 : i32
      %add3A_147 = arith.addi %mul3A_145, %add3A_146 : i32
      %get3A_148 = arith.index_cast %add3A_147 : i32 to index
      %get3A_149 = tpu.vector_load %arg9[%get3A_148] {strides = array<i32>} : memref<3264xi32, #tpu.memory_space<vmem>>, vector<16xi32>,
      %swap3A_150 = arith.constant 80 : index
      %swap3A_151 = tpu.vector_load %arg10[%swap3A_150] {strides = array<i32>} : memref<128xi32, #tpu.memory_space<vmem>>, vector<16xi32>,
      tpu.vector_store %arg10[%swap3A_150], %get3A_149 {strides = array<i32>} : memref<128xi32, #tpu.memory_space<vmem>>, vector<16xi32>,
      %mul3A_152 = arith.constant 128 : i32
      %mul3A_153 = arith.muli %while3A_64, %mul3A_152 : i32
      %add3A_154 = arith.constant 80 : i32
      %add3A_155 = arith.addi %mul3A_153, %add3A_154 : i32
      %get3A_156 = arith.index_cast %add3A_155 : i32 to index
      %get3A_157 = tpu.vector_load %arg8[%get3A_156] {strides = array<i32>} : memref<3264xi32, #tpu.memory_space<vmem>>, vector<16xi32>,
      %swap3A_158 = arith.constant 80 : index
      %swap3A_159 = tpu.vector_load %arg11[%swap3A_158] {strides = array<i32>} : memref<128xi32, #tpu.memory_space<vmem>>, vector<16xi32>,
      tpu.vector_store %arg11[%swap3A_158], %get3A_157 {strides = array<i32>} : memref<128xi32, #tpu.memory_space<vmem>>, vector<16xi32>,
      %mul3A_160 = arith.constant 128 : i32
      %mul3A_161 = arith.muli %while3A_64, %mul3A_160 : i32
      %add3A_162 = arith.constant 96 : i32
      %add3A_163 = arith.addi %mul3A_161, %add3A_162 : i32
      %get3A_164 = arith.index_cast %add3A_163 : i32 to index
      %get3A_165 = tpu.vector_load %arg9[%get3A_164] {strides = array<i32>} : memref<3264xi32, #tpu.memory_space<vmem>>, vector<16xi32>,
      %swap3A_166 = arith.constant 96 : index
      %swap3A_167 = tpu.vector_load %arg10[%swap3A_166] {strides = array<i32>} : memref<128xi32, #tpu.memory_space<vmem>>, vector<16xi32>,
      tpu.vector_store %arg10[%swap3A_166], %get3A_165 {strides = array<i32>} : memref<128xi32, #tpu.memory_space<vmem>>, vector<16xi32>,
      %mul3A_168 = arith.constant 128 : i32
      %mul3A_169 = arith.muli %while3A_64, %mul3A_168 : i32
      %add3A_170 = arith.constant 96 : i32
      %add3A_171 = arith.addi %mul3A_169, %add3A_170 : i32
      %get3A_172 = arith.index_cast %add3A_171 : i32 to index
      %get3A_173 = tpu.vector_load %arg8[%get3A_172] {strides = array<i32>} : memref<3264xi32, #tpu.memory_space<vmem>>, vector<16xi32>,
      %swap3A_174 = arith.constant 96 : index
      %swap3A_175 = tpu.vector_load %arg11[%swap3A_174] {strides = array<i32>} : memref<128xi32, #tpu.memory_space<vmem>>, vector<16xi32>,
      tpu.vector_store %arg11[%swap3A_174], %get3A_173 {strides = array<i32>} : memref<128xi32, #tpu.memory_space<vmem>>, vector<16xi32>,
      %mul3A_176 = arith.constant 128 : i32
      %mul3A_177 = arith.muli %while3A_64, %mul3A_176 : i32
      %add3A_178 = arith.constant 112 : i32
      %add3A_179 = arith.addi %mul3A_177, %add3A_178 : i32
      %get3A_180 = arith.index_cast %add3A_179 : i32 to index
      %get3A_181 = tpu.vector_load %arg9[%get3A_180] {strides = array<i32>} : memref<3264xi32, #tpu.memory_space<vmem>>, vector<16xi32>,
      %swap3A_182 = arith.constant 112 : index
      %swap3A_183 = tpu.vector_load %arg10[%swap3A_182] {strides = array<i32>} : memref<128xi32, #tpu.memory_space<vmem>>, vector<16xi32>,
      tpu.vector_store %arg10[%swap3A_182], %get3A_181 {strides = array<i32>} : memref<128xi32, #tpu.memory_space<vmem>>, vector<16xi32>,
      %mul3A_184 = arith.constant 128 : i32
      %mul3A_185 = arith.muli %while3A_64, %mul3A_184 : i32
      %add3A_186 = arith.constant 112 : i32
      %add3A_187 = arith.addi %mul3A_185, %add3A_186 : i32
      %get3A_188 = arith.index_cast %add3A_187 : i32 to index
      %get3A_189 = tpu.vector_load %arg8[%get3A_188] {strides = array<i32>} : memref<3264xi32, #tpu.memory_space<vmem>>, vector<16xi32>,
      %swap3A_190 = arith.constant 112 : index
      %swap3A_191 = tpu.vector_load %arg11[%swap3A_190] {strides = array<i32>} : memref<128xi32, #tpu.memory_space<vmem>>, vector<16xi32>,
      tpu.vector_store %arg11[%swap3A_190], %get3A_189 {strides = array<i32>} : memref<128xi32, #tpu.memory_space<vmem>>, vector<16xi32>,
      %dma_start3A = arith.constant 0 : i32
      %dma_start3A_192 = arith.constant 0 : i32
      %dma_start3A_193 = tpu.memref_slice %arg3[%dma_start3A, %dma_start3A_192] : memref<16384x128xf32, #tpu.memory_space<hbm>> -> memref<16384x128xf32, #tpu.memory_space<hbm>>
      tpu.enqueue_indirect_dma source(%dma_start3A_193 : memref<16384x128xf32, #tpu.memory_space<hbm>>) target(%arg12 : memref<128x128xf32, #tpu.memory_space<vmem>>) offsets(%arg10 : memref<128xi32, #tpu.memory_space<vmem>>) semaphore(%arg13 : memref<!tpu.dma_semaphore, #tpu.memory_space<semaphore_mem>>)
      %dma_wait3A = arith.constant 0 : i32
      %dma_wait3A_194 = arith.constant 0 : i32
      %dma_wait3A_195 = tpu.memref_slice %arg3[%dma_wait3A, %dma_wait3A_194] : memref<16384x128xf32, #tpu.memory_space<hbm>> -> memref<16384x128xf32, #tpu.memory_space<hbm>>
      tpu.wait_indirect_dma semaphore(%arg13 : memref<!tpu.dma_semaphore, #tpu.memory_space<semaphore_mem>>) src(%dma_wait3A_195 : memref<16384x128xf32, #tpu.memory_space<hbm>>) dst(%arg12 : memref<128x128xf32, #tpu.memory_space<vmem>>)
      %dma_start3A_196 = arith.constant 0 : i32
      %dma_start3A_197 = arith.constant 0 : i32
      %dma_start3A_198 = tpu.memref_slice %arg4[%dma_start3A_196, %dma_start3A_197] : memref<100000x128xf32, #tpu.memory_space<hbm>> -> memref<100000x128xf32, #tpu.memory_space<hbm>>
      tpu.enqueue_indirect_dma source(%arg12 : memref<128x128xf32, #tpu.memory_space<vmem>>) target(%dma_start3A_198 : memref<100000x128xf32, #tpu.memory_space<hbm>>) offsets(%arg11 : memref<128xi32, #tpu.memory_space<vmem>>) semaphore(%arg14 : memref<!tpu.dma_semaphore, #tpu.memory_space<semaphore_mem>>)
      %dma_wait3A_199 = arith.constant 0 : i32
      %dma_wait3A_200 = arith.constant 0 : i32
      %dma_wait3A_201 = tpu.memref_slice %arg4[%dma_wait3A_199, %dma_wait3A_200] : memref<100000x128xf32, #tpu.memory_space<hbm>> -> memref<100000x128xf32, #tpu.memory_space<hbm>>
      tpu.wait_indirect_dma semaphore(%arg14 : memref<!tpu.dma_semaphore, #tpu.memory_space<semaphore_mem>>) src(%arg12 : memref<128x128xf32, #tpu.memory_space<vmem>>) dst(%dma_wait3A_201 : memref<100000x128xf32, #tpu.memory_space<hbm>>)
      %while3A_202 = arith.constant 0 : i32
      scf.yield %while3A_202 : i32
    }
    return
  }
}

#map = affine_map<(d0, d1) -> (0, 0)>
#map1 = affine_map<(d0, d1) -> (0)>
module attributes {stable_mosaic.version = 14 : i64} {
  func.func @_k1_gather(%arg0: i32, %arg1: i32, %arg2: memref<100000x128xf32, #tpu.memory_space<hbm>>, %arg3: memref<100000xf32, #tpu.memory_space<hbm>>, %arg4: memref<16384xi32, #tpu.memory_space<hbm>>, %arg5: memref<16384xi32, #tpu.memory_space<hbm>>, %arg6: memref<16384x128xf32, #tpu.memory_space<hbm>>, %arg7: memref<16384x128xf32, #tpu.memory_space<hbm>>, %arg8: memref<16384xf32, #tpu.memory_space<hbm>>, %arg9: memref<512xi32, #tpu.memory_space<vmem>>, %arg10: memref<512xi32, #tpu.memory_space<vmem>>, %arg11: memref<128x128xf32, #tpu.memory_space<vmem>>, %arg12: memref<128x128xf32, #tpu.memory_space<vmem>>, %arg13: memref<128xf32, #tpu.memory_space<vmem>>, %arg14: memref<!tpu.dma_semaphore, #tpu.memory_space<semaphore_mem>>, %arg15: memref<!tpu.dma_semaphore, #tpu.memory_space<semaphore_mem>>, %arg16: memref<!tpu.dma_semaphore, #tpu.memory_space<semaphore_mem>>) attributes {dimension_semantics = [#tpu.dimension_semantics<core_parallel>, #tpu.dimension_semantics<subcore_parallel>], iteration_bounds = array<i64: 2, 16>, scalar_prefetch = 0 : i64, scratch_operands = 8 : i64, tpu.core_type = #tpu.core_type<sc_vector_subcore>, window_params = [{transform_indices = #map}, {transform_indices = #map1}, {transform_indices = #map1}, {transform_indices = #map1}, {transform_indices = #map}, {transform_indices = #map}, {transform_indices = #map1}]} {
    %mul3A = arith.constant 2 : i32
    %mul3A_0 = arith.muli %arg1, %mul3A : i32
    %add3A = arith.addi %mul3A_0, %arg0 : i32
    %mul3A_1 = arith.constant 512 : i32
    %mul3A_2 = arith.muli %add3A, %mul3A_1 : i32
    "tpu.region"() ({
      %run_scoped3A = tpu.sem_alloc : memref<!tpu.dma_semaphore, #tpu.memory_space<semaphore_mem>>
      %dma_start3A_137 = tpu.memref_slice %arg4[%mul3A_2] : memref<16384xi32, #tpu.memory_space<hbm>> -> memref<512xi32, #tpu.memory_space<hbm>>
      %dma_start3A_138 = tpu.memref_slice %arg4[%mul3A_2] : memref<16384xi32, #tpu.memory_space<hbm>> -> memref<512xi32, #tpu.memory_space<hbm>>
      tpu.enqueue_dma source(%dma_start3A_138 : memref<512xi32, #tpu.memory_space<hbm>>) target(%arg9 : memref<512xi32, #tpu.memory_space<vmem>>) target_semaphore(%run_scoped3A : memref<!tpu.dma_semaphore, #tpu.memory_space<semaphore_mem>>)
      %dma_wait3A_139 = tpu.memref_slice %arg4[%mul3A_2] : memref<16384xi32, #tpu.memory_space<hbm>> -> memref<512xi32, #tpu.memory_space<hbm>>
      %dma_wait3A_140 = tpu.memref_slice %arg4[%mul3A_2] : memref<16384xi32, #tpu.memory_space<hbm>> -> memref<512xi32, #tpu.memory_space<hbm>>
      tpu.wait_dma2 semaphore(%run_scoped3A : memref<!tpu.dma_semaphore, #tpu.memory_space<semaphore_mem>>) src(%dma_wait3A_140 : memref<512xi32, #tpu.memory_space<hbm>>) dst(%arg9 : memref<512xi32, #tpu.memory_space<vmem>>)
      tpu.yield
    }) : () -> ()
    "tpu.region"() ({
      %run_scoped3A = tpu.sem_alloc : memref<!tpu.dma_semaphore, #tpu.memory_space<semaphore_mem>>
      %dma_start3A_137 = tpu.memref_slice %arg5[%mul3A_2] : memref<16384xi32, #tpu.memory_space<hbm>> -> memref<512xi32, #tpu.memory_space<hbm>>
      %dma_start3A_138 = tpu.memref_slice %arg5[%mul3A_2] : memref<16384xi32, #tpu.memory_space<hbm>> -> memref<512xi32, #tpu.memory_space<hbm>>
      tpu.enqueue_dma source(%dma_start3A_138 : memref<512xi32, #tpu.memory_space<hbm>>) target(%arg10 : memref<512xi32, #tpu.memory_space<vmem>>) target_semaphore(%run_scoped3A : memref<!tpu.dma_semaphore, #tpu.memory_space<semaphore_mem>>)
      %dma_wait3A_139 = tpu.memref_slice %arg5[%mul3A_2] : memref<16384xi32, #tpu.memory_space<hbm>> -> memref<512xi32, #tpu.memory_space<hbm>>
      %dma_wait3A_140 = tpu.memref_slice %arg5[%mul3A_2] : memref<16384xi32, #tpu.memory_space<hbm>> -> memref<512xi32, #tpu.memory_space<hbm>>
      tpu.wait_dma2 semaphore(%run_scoped3A : memref<!tpu.dma_semaphore, #tpu.memory_space<semaphore_mem>>) src(%dma_wait3A_140 : memref<512xi32, #tpu.memory_space<hbm>>) dst(%arg10 : memref<512xi32, #tpu.memory_space<vmem>>)
      tpu.yield
    }) : () -> ()
    %dma_start3A = arith.constant 0 : i32
    %dma_start3A_3 = tpu.memref_slice %arg9[%dma_start3A] : memref<512xi32, #tpu.memory_space<vmem>> -> memref<128xi32, #tpu.memory_space<vmem>>
    %dma_start3A_4 = arith.constant 0 : i32
    %dma_start3A_5 = arith.constant 0 : i32
    %dma_start3A_6 = tpu.memref_slice %arg2[%dma_start3A_4, %dma_start3A_5] : memref<100000x128xf32, #tpu.memory_space<hbm>> -> memref<100000x128xf32, #tpu.memory_space<hbm>>
    tpu.enqueue_indirect_dma source(%dma_start3A_6 : memref<100000x128xf32, #tpu.memory_space<hbm>>) target(%arg11 : memref<128x128xf32, #tpu.memory_space<vmem>>) offsets(%dma_start3A_3 : memref<128xi32, #tpu.memory_space<vmem>>) semaphore(%arg14 : memref<!tpu.dma_semaphore, #tpu.memory_space<semaphore_mem>>)
    %dma_start3A_7 = arith.constant 128 : i32
    %dma_start3A_8 = tpu.memref_slice %arg9[%dma_start3A_7] : memref<512xi32, #tpu.memory_space<vmem>> -> memref<128xi32, #tpu.memory_space<vmem>>
    %dma_start3A_9 = arith.constant 0 : i32
    %dma_start3A_10 = arith.constant 0 : i32
    %dma_start3A_11 = tpu.memref_slice %arg2[%dma_start3A_9, %dma_start3A_10] : memref<100000x128xf32, #tpu.memory_space<hbm>> -> memref<100000x128xf32, #tpu.memory_space<hbm>>
    tpu.enqueue_indirect_dma source(%dma_start3A_11 : memref<100000x128xf32, #tpu.memory_space<hbm>>) target(%arg12 : memref<128x128xf32, #tpu.memory_space<vmem>>) offsets(%dma_start3A_8 : memref<128xi32, #tpu.memory_space<vmem>>) semaphore(%arg15 : memref<!tpu.dma_semaphore, #tpu.memory_space<semaphore_mem>>)
    %dma_wait3A = arith.constant 0 : i32
    %dma_wait3A_12 = tpu.memref_slice %arg9[%dma_wait3A] : memref<512xi32, #tpu.memory_space<vmem>> -> memref<128xi32, #tpu.memory_space<vmem>>
    %dma_wait3A_13 = arith.constant 0 : i32
    %dma_wait3A_14 = arith.constant 0 : i32
    %dma_wait3A_15 = tpu.memref_slice %arg2[%dma_wait3A_13, %dma_wait3A_14] : memref<100000x128xf32, #tpu.memory_space<hbm>> -> memref<100000x128xf32, #tpu.memory_space<hbm>>
    tpu.wait_indirect_dma semaphore(%arg14 : memref<!tpu.dma_semaphore, #tpu.memory_space<semaphore_mem>>) src(%dma_wait3A_15 : memref<100000x128xf32, #tpu.memory_space<hbm>>) dst(%arg11 : memref<128x128xf32, #tpu.memory_space<vmem>>)
    %add3A_16 = arith.constant 0 : i32
    %add3A_17 = arith.addi %mul3A_2, %add3A_16 : i32
    "tpu.region"() ({
      %run_scoped3A = tpu.sem_alloc : memref<!tpu.dma_semaphore, #tpu.memory_space<semaphore_mem>>
      %dma_start3A_137 = arith.constant 0 : i32
      %dma_start3A_138 = tpu.memref_slice %arg6[%add3A_17, %dma_start3A_137] : memref<16384x128xf32, #tpu.memory_space<hbm>> -> memref<128x128xf32, #tpu.memory_space<hbm>>
      %dma_start3A_139 = arith.constant 0 : i32
      %dma_start3A_140 = tpu.memref_slice %arg6[%add3A_17, %dma_start3A_139] : memref<16384x128xf32, #tpu.memory_space<hbm>> -> memref<128x128xf32, #tpu.memory_space<hbm>>
      tpu.enqueue_dma source(%arg11 : memref<128x128xf32, #tpu.memory_space<vmem>>) target(%dma_start3A_140 : memref<128x128xf32, #tpu.memory_space<hbm>>) target_semaphore(%run_scoped3A : memref<!tpu.dma_semaphore, #tpu.memory_space<semaphore_mem>>)
      %dma_wait3A_141 = arith.constant 0 : i32
      %dma_wait3A_142 = tpu.memref_slice %arg6[%add3A_17, %dma_wait3A_141] : memref<16384x128xf32, #tpu.memory_space<hbm>> -> memref<128x128xf32, #tpu.memory_space<hbm>>
      %dma_wait3A_143 = arith.constant 0 : i32
      %dma_wait3A_144 = tpu.memref_slice %arg6[%add3A_17, %dma_wait3A_143] : memref<16384x128xf32, #tpu.memory_space<hbm>> -> memref<128x128xf32, #tpu.memory_space<hbm>>
      tpu.wait_dma2 semaphore(%run_scoped3A : memref<!tpu.dma_semaphore, #tpu.memory_space<semaphore_mem>>) src(%arg11 : memref<128x128xf32, #tpu.memory_space<vmem>>) dst(%dma_wait3A_144 : memref<128x128xf32, #tpu.memory_space<hbm>>)
      tpu.yield
    }) : () -> ()
    %dma_start3A_18 = arith.constant 256 : i32
    %dma_start3A_19 = tpu.memref_slice %arg9[%dma_start3A_18] : memref<512xi32, #tpu.memory_space<vmem>> -> memref<128xi32, #tpu.memory_space<vmem>>
    %dma_start3A_20 = arith.constant 0 : i32
    %dma_start3A_21 = arith.constant 0 : i32
    %dma_start3A_22 = tpu.memref_slice %arg2[%dma_start3A_20, %dma_start3A_21] : memref<100000x128xf32, #tpu.memory_space<hbm>> -> memref<100000x128xf32, #tpu.memory_space<hbm>>
    tpu.enqueue_indirect_dma source(%dma_start3A_22 : memref<100000x128xf32, #tpu.memory_space<hbm>>) target(%arg11 : memref<128x128xf32, #tpu.memory_space<vmem>>) offsets(%dma_start3A_19 : memref<128xi32, #tpu.memory_space<vmem>>) semaphore(%arg14 : memref<!tpu.dma_semaphore, #tpu.memory_space<semaphore_mem>>)
    %dma_wait3A_23 = arith.constant 128 : i32
    %dma_wait3A_24 = tpu.memref_slice %arg9[%dma_wait3A_23] : memref<512xi32, #tpu.memory_space<vmem>> -> memref<128xi32, #tpu.memory_space<vmem>>
    %dma_wait3A_25 = arith.constant 0 : i32
    %dma_wait3A_26 = arith.constant 0 : i32
    %dma_wait3A_27 = tpu.memref_slice %arg2[%dma_wait3A_25, %dma_wait3A_26] : memref<100000x128xf32, #tpu.memory_space<hbm>> -> memref<100000x128xf32, #tpu.memory_space<hbm>>
    tpu.wait_indirect_dma semaphore(%arg15 : memref<!tpu.dma_semaphore, #tpu.memory_space<semaphore_mem>>) src(%dma_wait3A_27 : memref<100000x128xf32, #tpu.memory_space<hbm>>) dst(%arg12 : memref<128x128xf32, #tpu.memory_space<vmem>>)
    %add3A_28 = arith.constant 128 : i32
    %add3A_29 = arith.addi %mul3A_2, %add3A_28 : i32
    "tpu.region"() ({
      %run_scoped3A = tpu.sem_alloc : memref<!tpu.dma_semaphore, #tpu.memory_space<semaphore_mem>>
      %dma_start3A_137 = arith.constant 0 : i32
      %dma_start3A_138 = tpu.memref_slice %arg6[%add3A_29, %dma_start3A_137] : memref<16384x128xf32, #tpu.memory_space<hbm>> -> memref<128x128xf32, #tpu.memory_space<hbm>>
      %dma_start3A_139 = arith.constant 0 : i32
      %dma_start3A_140 = tpu.memref_slice %arg6[%add3A_29, %dma_start3A_139] : memref<16384x128xf32, #tpu.memory_space<hbm>> -> memref<128x128xf32, #tpu.memory_space<hbm>>
      tpu.enqueue_dma source(%arg12 : memref<128x128xf32, #tpu.memory_space<vmem>>) target(%dma_start3A_140 : memref<128x128xf32, #tpu.memory_space<hbm>>) target_semaphore(%run_scoped3A : memref<!tpu.dma_semaphore, #tpu.memory_space<semaphore_mem>>)
      %dma_wait3A_141 = arith.constant 0 : i32
      %dma_wait3A_142 = tpu.memref_slice %arg6[%add3A_29, %dma_wait3A_141] : memref<16384x128xf32, #tpu.memory_space<hbm>> -> memref<128x128xf32, #tpu.memory_space<hbm>>
      %dma_wait3A_143 = arith.constant 0 : i32
      %dma_wait3A_144 = tpu.memref_slice %arg6[%add3A_29, %dma_wait3A_143] : memref<16384x128xf32, #tpu.memory_space<hbm>> -> memref<128x128xf32, #tpu.memory_space<hbm>>
      tpu.wait_dma2 semaphore(%run_scoped3A : memref<!tpu.dma_semaphore, #tpu.memory_space<semaphore_mem>>) src(%arg12 : memref<128x128xf32, #tpu.memory_space<vmem>>) dst(%dma_wait3A_144 : memref<128x128xf32, #tpu.memory_space<hbm>>)
      tpu.yield
    }) : () -> ()
    %dma_start3A_30 = arith.constant 384 : i32
    %dma_start3A_31 = tpu.memref_slice %arg9[%dma_start3A_30] : memref<512xi32, #tpu.memory_space<vmem>> -> memref<128xi32, #tpu.memory_space<vmem>>
    %dma_start3A_32 = arith.constant 0 : i32
    %dma_start3A_33 = arith.constant 0 : i32
    %dma_start3A_34 = tpu.memref_slice %arg2[%dma_start3A_32, %dma_start3A_33] : memref<100000x128xf32, #tpu.memory_space<hbm>> -> memref<100000x128xf32, #tpu.memory_space<hbm>>
    tpu.enqueue_indirect_dma source(%dma_start3A_34 : memref<100000x128xf32, #tpu.memory_space<hbm>>) target(%arg12 : memref<128x128xf32, #tpu.memory_space<vmem>>) offsets(%dma_start3A_31 : memref<128xi32, #tpu.memory_space<vmem>>) semaphore(%arg15 : memref<!tpu.dma_semaphore, #tpu.memory_space<semaphore_mem>>)
    %dma_wait3A_35 = arith.constant 256 : i32
    %dma_wait3A_36 = tpu.memref_slice %arg9[%dma_wait3A_35] : memref<512xi32, #tpu.memory_space<vmem>> -> memref<128xi32, #tpu.memory_space<vmem>>
    %dma_wait3A_37 = arith.constant 0 : i32
    %dma_wait3A_38 = arith.constant 0 : i32
    %dma_wait3A_39 = tpu.memref_slice %arg2[%dma_wait3A_37, %dma_wait3A_38] : memref<100000x128xf32, #tpu.memory_space<hbm>> -> memref<100000x128xf32, #tpu.memory_space<hbm>>
    tpu.wait_indirect_dma semaphore(%arg14 : memref<!tpu.dma_semaphore, #tpu.memory_space<semaphore_mem>>) src(%dma_wait3A_39 : memref<100000x128xf32, #tpu.memory_space<hbm>>) dst(%arg11 : memref<128x128xf32, #tpu.memory_space<vmem>>)
    %add3A_40 = arith.constant 256 : i32
    %add3A_41 = arith.addi %mul3A_2, %add3A_40 : i32
    "tpu.region"() ({
      %run_scoped3A = tpu.sem_alloc : memref<!tpu.dma_semaphore, #tpu.memory_space<semaphore_mem>>
      %dma_start3A_137 = arith.constant 0 : i32
      %dma_start3A_138 = tpu.memref_slice %arg6[%add3A_41, %dma_start3A_137] : memref<16384x128xf32, #tpu.memory_space<hbm>> -> memref<128x128xf32, #tpu.memory_space<hbm>>
      %dma_start3A_139 = arith.constant 0 : i32
      %dma_start3A_140 = tpu.memref_slice %arg6[%add3A_41, %dma_start3A_139] : memref<16384x128xf32, #tpu.memory_space<hbm>> -> memref<128x128xf32, #tpu.memory_space<hbm>>
      tpu.enqueue_dma source(%arg11 : memref<128x128xf32, #tpu.memory_space<vmem>>) target(%dma_start3A_140 : memref<128x128xf32, #tpu.memory_space<hbm>>) target_semaphore(%run_scoped3A : memref<!tpu.dma_semaphore, #tpu.memory_space<semaphore_mem>>)
      %dma_wait3A_141 = arith.constant 0 : i32
      %dma_wait3A_142 = tpu.memref_slice %arg6[%add3A_41, %dma_wait3A_141] : memref<16384x128xf32, #tpu.memory_space<hbm>> -> memref<128x128xf32, #tpu.memory_space<hbm>>
      %dma_wait3A_143 = arith.constant 0 : i32
      %dma_wait3A_144 = tpu.memref_slice %arg6[%add3A_41, %dma_wait3A_143] : memref<16384x128xf32, #tpu.memory_space<hbm>> -> memref<128x128xf32, #tpu.memory_space<hbm>>
      tpu.wait_dma2 semaphore(%run_scoped3A : memref<!tpu.dma_semaphore, #tpu.memory_space<semaphore_mem>>) src(%arg11 : memref<128x128xf32, #tpu.memory_space<vmem>>) dst(%dma_wait3A_144 : memref<128x128xf32, #tpu.memory_space<hbm>>)
      tpu.yield
    }) : () -> ()
    %dma_start3A_42 = arith.constant 0 : i32
    %dma_start3A_43 = tpu.memref_slice %arg10[%dma_start3A_42] : memref<512xi32, #tpu.memory_space<vmem>> -> memref<128xi32, #tpu.memory_space<vmem>>
    %dma_start3A_44 = arith.constant 0 : i32
    %dma_start3A_45 = arith.constant 0 : i32
    %dma_start3A_46 = tpu.memref_slice %arg2[%dma_start3A_44, %dma_start3A_45] : memref<100000x128xf32, #tpu.memory_space<hbm>> -> memref<100000x128xf32, #tpu.memory_space<hbm>>
    tpu.enqueue_indirect_dma source(%dma_start3A_46 : memref<100000x128xf32, #tpu.memory_space<hbm>>) target(%arg11 : memref<128x128xf32, #tpu.memory_space<vmem>>) offsets(%dma_start3A_43 : memref<128xi32, #tpu.memory_space<vmem>>) semaphore(%arg14 : memref<!tpu.dma_semaphore, #tpu.memory_space<semaphore_mem>>)
    %dma_wait3A_47 = arith.constant 384 : i32
    %dma_wait3A_48 = tpu.memref_slice %arg9[%dma_wait3A_47] : memref<512xi32, #tpu.memory_space<vmem>> -> memref<128xi32, #tpu.memory_space<vmem>>
    %dma_wait3A_49 = arith.constant 0 : i32
    %dma_wait3A_50 = arith.constant 0 : i32
    %dma_wait3A_51 = tpu.memref_slice %arg2[%dma_wait3A_49, %dma_wait3A_50] : memref<100000x128xf32, #tpu.memory_space<hbm>> -> memref<100000x128xf32, #tpu.memory_space<hbm>>
    tpu.wait_indirect_dma semaphore(%arg15 : memref<!tpu.dma_semaphore, #tpu.memory_space<semaphore_mem>>) src(%dma_wait3A_51 : memref<100000x128xf32, #tpu.memory_space<hbm>>) dst(%arg12 : memref<128x128xf32, #tpu.memory_space<vmem>>)
    %add3A_52 = arith.constant 384 : i32
    %add3A_53 = arith.addi %mul3A_2, %add3A_52 : i32
    "tpu.region"() ({
      %run_scoped3A = tpu.sem_alloc : memref<!tpu.dma_semaphore, #tpu.memory_space<semaphore_mem>>
      %dma_start3A_137 = arith.constant 0 : i32
      %dma_start3A_138 = tpu.memref_slice %arg6[%add3A_53, %dma_start3A_137] : memref<16384x128xf32, #tpu.memory_space<hbm>> -> memref<128x128xf32, #tpu.memory_space<hbm>>
      %dma_start3A_139 = arith.constant 0 : i32
      %dma_start3A_140 = tpu.memref_slice %arg6[%add3A_53, %dma_start3A_139] : memref<16384x128xf32, #tpu.memory_space<hbm>> -> memref<128x128xf32, #tpu.memory_space<hbm>>
      tpu.enqueue_dma source(%arg12 : memref<128x128xf32, #tpu.memory_space<vmem>>) target(%dma_start3A_140 : memref<128x128xf32, #tpu.memory_space<hbm>>) target_semaphore(%run_scoped3A : memref<!tpu.dma_semaphore, #tpu.memory_space<semaphore_mem>>)
      %dma_wait3A_141 = arith.constant 0 : i32
      %dma_wait3A_142 = tpu.memref_slice %arg6[%add3A_53, %dma_wait3A_141] : memref<16384x128xf32, #tpu.memory_space<hbm>> -> memref<128x128xf32, #tpu.memory_space<hbm>>
      %dma_wait3A_143 = arith.constant 0 : i32
      %dma_wait3A_144 = tpu.memref_slice %arg6[%add3A_53, %dma_wait3A_143] : memref<16384x128xf32, #tpu.memory_space<hbm>> -> memref<128x128xf32, #tpu.memory_space<hbm>>
      tpu.wait_dma2 semaphore(%run_scoped3A : memref<!tpu.dma_semaphore, #tpu.memory_space<semaphore_mem>>) src(%arg12 : memref<128x128xf32, #tpu.memory_space<vmem>>) dst(%dma_wait3A_144 : memref<128x128xf32, #tpu.memory_space<hbm>>)
      tpu.yield
    }) : () -> ()
    %dma_start3A_54 = arith.constant 128 : i32
    %dma_start3A_55 = tpu.memref_slice %arg10[%dma_start3A_54] : memref<512xi32, #tpu.memory_space<vmem>> -> memref<128xi32, #tpu.memory_space<vmem>>
    %dma_start3A_56 = arith.constant 0 : i32
    %dma_start3A_57 = arith.constant 0 : i32
    %dma_start3A_58 = tpu.memref_slice %arg2[%dma_start3A_56, %dma_start3A_57] : memref<100000x128xf32, #tpu.memory_space<hbm>> -> memref<100000x128xf32, #tpu.memory_space<hbm>>
    tpu.enqueue_indirect_dma source(%dma_start3A_58 : memref<100000x128xf32, #tpu.memory_space<hbm>>) target(%arg12 : memref<128x128xf32, #tpu.memory_space<vmem>>) offsets(%dma_start3A_55 : memref<128xi32, #tpu.memory_space<vmem>>) semaphore(%arg15 : memref<!tpu.dma_semaphore, #tpu.memory_space<semaphore_mem>>)
    %dma_wait3A_59 = arith.constant 0 : i32
    %dma_wait3A_60 = tpu.memref_slice %arg10[%dma_wait3A_59] : memref<512xi32, #tpu.memory_space<vmem>> -> memref<128xi32, #tpu.memory_space<vmem>>
    %dma_wait3A_61 = arith.constant 0 : i32
    %dma_wait3A_62 = arith.constant 0 : i32
    %dma_wait3A_63 = tpu.memref_slice %arg2[%dma_wait3A_61, %dma_wait3A_62] : memref<100000x128xf32, #tpu.memory_space<hbm>> -> memref<100000x128xf32, #tpu.memory_space<hbm>>
    tpu.wait_indirect_dma semaphore(%arg14 : memref<!tpu.dma_semaphore, #tpu.memory_space<semaphore_mem>>) src(%dma_wait3A_63 : memref<100000x128xf32, #tpu.memory_space<hbm>>) dst(%arg11 : memref<128x128xf32, #tpu.memory_space<vmem>>)
    %add3A_64 = arith.constant 0 : i32
    %add3A_65 = arith.addi %mul3A_2, %add3A_64 : i32
    "tpu.region"() ({
      %run_scoped3A = tpu.sem_alloc : memref<!tpu.dma_semaphore, #tpu.memory_space<semaphore_mem>>
      %dma_start3A_137 = arith.constant 0 : i32
      %dma_start3A_138 = tpu.memref_slice %arg7[%add3A_65, %dma_start3A_137] : memref<16384x128xf32, #tpu.memory_space<hbm>> -> memref<128x128xf32, #tpu.memory_space<hbm>>
      %dma_start3A_139 = arith.constant 0 : i32
      %dma_start3A_140 = tpu.memref_slice %arg7[%add3A_65, %dma_start3A_139] : memref<16384x128xf32, #tpu.memory_space<hbm>> -> memref<128x128xf32, #tpu.memory_space<hbm>>
      tpu.enqueue_dma source(%arg11 : memref<128x128xf32, #tpu.memory_space<vmem>>) target(%dma_start3A_140 : memref<128x128xf32, #tpu.memory_space<hbm>>) target_semaphore(%run_scoped3A : memref<!tpu.dma_semaphore, #tpu.memory_space<semaphore_mem>>)
      %dma_wait3A_141 = arith.constant 0 : i32
      %dma_wait3A_142 = tpu.memref_slice %arg7[%add3A_65, %dma_wait3A_141] : memref<16384x128xf32, #tpu.memory_space<hbm>> -> memref<128x128xf32, #tpu.memory_space<hbm>>
      %dma_wait3A_143 = arith.constant 0 : i32
      %dma_wait3A_144 = tpu.memref_slice %arg7[%add3A_65, %dma_wait3A_143] : memref<16384x128xf32, #tpu.memory_space<hbm>> -> memref<128x128xf32, #tpu.memory_space<hbm>>
      tpu.wait_dma2 semaphore(%run_scoped3A : memref<!tpu.dma_semaphore, #tpu.memory_space<semaphore_mem>>) src(%arg11 : memref<128x128xf32, #tpu.memory_space<vmem>>) dst(%dma_wait3A_144 : memref<128x128xf32, #tpu.memory_space<hbm>>)
      tpu.yield
    }) : () -> ()
    %dma_start3A_66 = arith.constant 256 : i32
    %dma_start3A_67 = tpu.memref_slice %arg10[%dma_start3A_66] : memref<512xi32, #tpu.memory_space<vmem>> -> memref<128xi32, #tpu.memory_space<vmem>>
    %dma_start3A_68 = arith.constant 0 : i32
    %dma_start3A_69 = arith.constant 0 : i32
    %dma_start3A_70 = tpu.memref_slice %arg2[%dma_start3A_68, %dma_start3A_69] : memref<100000x128xf32, #tpu.memory_space<hbm>> -> memref<100000x128xf32, #tpu.memory_space<hbm>>
    tpu.enqueue_indirect_dma source(%dma_start3A_70 : memref<100000x128xf32, #tpu.memory_space<hbm>>) target(%arg11 : memref<128x128xf32, #tpu.memory_space<vmem>>) offsets(%dma_start3A_67 : memref<128xi32, #tpu.memory_space<vmem>>) semaphore(%arg14 : memref<!tpu.dma_semaphore, #tpu.memory_space<semaphore_mem>>)
    %dma_wait3A_71 = arith.constant 128 : i32
    %dma_wait3A_72 = tpu.memref_slice %arg10[%dma_wait3A_71] : memref<512xi32, #tpu.memory_space<vmem>> -> memref<128xi32, #tpu.memory_space<vmem>>
    %dma_wait3A_73 = arith.constant 0 : i32
    %dma_wait3A_74 = arith.constant 0 : i32
    %dma_wait3A_75 = tpu.memref_slice %arg2[%dma_wait3A_73, %dma_wait3A_74] : memref<100000x128xf32, #tpu.memory_space<hbm>> -> memref<100000x128xf32, #tpu.memory_space<hbm>>
    tpu.wait_indirect_dma semaphore(%arg15 : memref<!tpu.dma_semaphore, #tpu.memory_space<semaphore_mem>>) src(%dma_wait3A_75 : memref<100000x128xf32, #tpu.memory_space<hbm>>) dst(%arg12 : memref<128x128xf32, #tpu.memory_space<vmem>>)
    %add3A_76 = arith.constant 128 : i32
    %add3A_77 = arith.addi %mul3A_2, %add3A_76 : i32
    "tpu.region"() ({
      %run_scoped3A = tpu.sem_alloc : memref<!tpu.dma_semaphore, #tpu.memory_space<semaphore_mem>>
      %dma_start3A_137 = arith.constant 0 : i32
      %dma_start3A_138 = tpu.memref_slice %arg7[%add3A_77, %dma_start3A_137] : memref<16384x128xf32, #tpu.memory_space<hbm>> -> memref<128x128xf32, #tpu.memory_space<hbm>>
      %dma_start3A_139 = arith.constant 0 : i32
      %dma_start3A_140 = tpu.memref_slice %arg7[%add3A_77, %dma_start3A_139] : memref<16384x128xf32, #tpu.memory_space<hbm>> -> memref<128x128xf32, #tpu.memory_space<hbm>>
      tpu.enqueue_dma source(%arg12 : memref<128x128xf32, #tpu.memory_space<vmem>>) target(%dma_start3A_140 : memref<128x128xf32, #tpu.memory_space<hbm>>) target_semaphore(%run_scoped3A : memref<!tpu.dma_semaphore, #tpu.memory_space<semaphore_mem>>)
      %dma_wait3A_141 = arith.constant 0 : i32
      %dma_wait3A_142 = tpu.memref_slice %arg7[%add3A_77, %dma_wait3A_141] : memref<16384x128xf32, #tpu.memory_space<hbm>> -> memref<128x128xf32, #tpu.memory_space<hbm>>
      %dma_wait3A_143 = arith.constant 0 : i32
      %dma_wait3A_144 = tpu.memref_slice %arg7[%add3A_77, %dma_wait3A_143] : memref<16384x128xf32, #tpu.memory_space<hbm>> -> memref<128x128xf32, #tpu.memory_space<hbm>>
      tpu.wait_dma2 semaphore(%run_scoped3A : memref<!tpu.dma_semaphore, #tpu.memory_space<semaphore_mem>>) src(%arg12 : memref<128x128xf32, #tpu.memory_space<vmem>>) dst(%dma_wait3A_144 : memref<128x128xf32, #tpu.memory_space<hbm>>)
      tpu.yield
    }) : () -> ()
    %dma_start3A_78 = arith.constant 384 : i32
    %dma_start3A_79 = tpu.memref_slice %arg10[%dma_start3A_78] : memref<512xi32, #tpu.memory_space<vmem>> -> memref<128xi32, #tpu.memory_space<vmem>>
    %dma_start3A_80 = arith.constant 0 : i32
    %dma_start3A_81 = arith.constant 0 : i32
    %dma_start3A_82 = tpu.memref_slice %arg2[%dma_start3A_80, %dma_start3A_81] : memref<100000x128xf32, #tpu.memory_space<hbm>> -> memref<100000x128xf32, #tpu.memory_space<hbm>>
    tpu.enqueue_indirect_dma source(%dma_start3A_82 : memref<100000x128xf32, #tpu.memory_space<hbm>>) target(%arg12 : memref<128x128xf32, #tpu.memory_space<vmem>>) offsets(%dma_start3A_79 : memref<128xi32, #tpu.memory_space<vmem>>) semaphore(%arg15 : memref<!tpu.dma_semaphore, #tpu.memory_space<semaphore_mem>>)
    %dma_wait3A_83 = arith.constant 256 : i32
    %dma_wait3A_84 = tpu.memref_slice %arg10[%dma_wait3A_83] : memref<512xi32, #tpu.memory_space<vmem>> -> memref<128xi32, #tpu.memory_space<vmem>>
    %dma_wait3A_85 = arith.constant 0 : i32
    %dma_wait3A_86 = arith.constant 0 : i32
    %dma_wait3A_87 = tpu.memref_slice %arg2[%dma_wait3A_85, %dma_wait3A_86] : memref<100000x128xf32, #tpu.memory_space<hbm>> -> memref<100000x128xf32, #tpu.memory_space<hbm>>
    tpu.wait_indirect_dma semaphore(%arg14 : memref<!tpu.dma_semaphore, #tpu.memory_space<semaphore_mem>>) src(%dma_wait3A_87 : memref<100000x128xf32, #tpu.memory_space<hbm>>) dst(%arg11 : memref<128x128xf32, #tpu.memory_space<vmem>>)
    %add3A_88 = arith.constant 256 : i32
    %add3A_89 = arith.addi %mul3A_2, %add3A_88 : i32
    "tpu.region"() ({
      %run_scoped3A = tpu.sem_alloc : memref<!tpu.dma_semaphore, #tpu.memory_space<semaphore_mem>>
      %dma_start3A_137 = arith.constant 0 : i32
      %dma_start3A_138 = tpu.memref_slice %arg7[%add3A_89, %dma_start3A_137] : memref<16384x128xf32, #tpu.memory_space<hbm>> -> memref<128x128xf32, #tpu.memory_space<hbm>>
      %dma_start3A_139 = arith.constant 0 : i32
      %dma_start3A_140 = tpu.memref_slice %arg7[%add3A_89, %dma_start3A_139] : memref<16384x128xf32, #tpu.memory_space<hbm>> -> memref<128x128xf32, #tpu.memory_space<hbm>>
      tpu.enqueue_dma source(%arg11 : memref<128x128xf32, #tpu.memory_space<vmem>>) target(%dma_start3A_140 : memref<128x128xf32, #tpu.memory_space<hbm>>) target_semaphore(%run_scoped3A : memref<!tpu.dma_semaphore, #tpu.memory_space<semaphore_mem>>)
      %dma_wait3A_141 = arith.constant 0 : i32
      %dma_wait3A_142 = tpu.memref_slice %arg7[%add3A_89, %dma_wait3A_141] : memref<16384x128xf32, #tpu.memory_space<hbm>> -> memref<128x128xf32, #tpu.memory_space<hbm>>
      %dma_wait3A_143 = arith.constant 0 : i32
      %dma_wait3A_144 = tpu.memref_slice %arg7[%add3A_89, %dma_wait3A_143] : memref<16384x128xf32, #tpu.memory_space<hbm>> -> memref<128x128xf32, #tpu.memory_space<hbm>>
      tpu.wait_dma2 semaphore(%run_scoped3A : memref<!tpu.dma_semaphore, #tpu.memory_space<semaphore_mem>>) src(%arg11 : memref<128x128xf32, #tpu.memory_space<vmem>>) dst(%dma_wait3A_144 : memref<128x128xf32, #tpu.memory_space<hbm>>)
      tpu.yield
    }) : () -> ()
    %dma_wait3A_90 = arith.constant 384 : i32
    %dma_wait3A_91 = tpu.memref_slice %arg10[%dma_wait3A_90] : memref<512xi32, #tpu.memory_space<vmem>> -> memref<128xi32, #tpu.memory_space<vmem>>
    %dma_wait3A_92 = arith.constant 0 : i32
    %dma_wait3A_93 = arith.constant 0 : i32
    %dma_wait3A_94 = tpu.memref_slice %arg2[%dma_wait3A_92, %dma_wait3A_93] : memref<100000x128xf32, #tpu.memory_space<hbm>> -> memref<100000x128xf32, #tpu.memory_space<hbm>>
    tpu.wait_indirect_dma semaphore(%arg15 : memref<!tpu.dma_semaphore, #tpu.memory_space<semaphore_mem>>) src(%dma_wait3A_94 : memref<100000x128xf32, #tpu.memory_space<hbm>>) dst(%arg12 : memref<128x128xf32, #tpu.memory_space<vmem>>)
    %add3A_95 = arith.constant 384 : i32
    %add3A_96 = arith.addi %mul3A_2, %add3A_95 : i32
    "tpu.region"() ({
      %run_scoped3A = tpu.sem_alloc : memref<!tpu.dma_semaphore, #tpu.memory_space<semaphore_mem>>
      %dma_start3A_137 = arith.constant 0 : i32
      %dma_start3A_138 = tpu.memref_slice %arg7[%add3A_96, %dma_start3A_137] : memref<16384x128xf32, #tpu.memory_space<hbm>> -> memref<128x128xf32, #tpu.memory_space<hbm>>
      %dma_start3A_139 = arith.constant 0 : i32
      %dma_start3A_140 = tpu.memref_slice %arg7[%add3A_96, %dma_start3A_139] : memref<16384x128xf32, #tpu.memory_space<hbm>> -> memref<128x128xf32, #tpu.memory_space<hbm>>
      tpu.enqueue_dma source(%arg12 : memref<128x128xf32, #tpu.memory_space<vmem>>) target(%dma_start3A_140 : memref<128x128xf32, #tpu.memory_space<hbm>>) target_semaphore(%run_scoped3A : memref<!tpu.dma_semaphore, #tpu.memory_space<semaphore_mem>>)
      %dma_wait3A_141 = arith.constant 0 : i32
      %dma_wait3A_142 = tpu.memref_slice %arg7[%add3A_96, %dma_wait3A_141] : memref<16384x128xf32, #tpu.memory_space<hbm>> -> memref<128x128xf32, #tpu.memory_space<hbm>>
      %dma_wait3A_143 = arith.constant 0 : i32
      %dma_wait3A_144 = tpu.memref_slice %arg7[%add3A_96, %dma_wait3A_143] : memref<16384x128xf32, #tpu.memory_space<hbm>> -> memref<128x128xf32, #tpu.memory_space<hbm>>
      tpu.wait_dma2 semaphore(%run_scoped3A : memref<!tpu.dma_semaphore, #tpu.memory_space<semaphore_mem>>) src(%arg12 : memref<128x128xf32, #tpu.memory_space<vmem>>) dst(%dma_wait3A_144 : memref<128x128xf32, #tpu.memory_space<hbm>>)
      tpu.yield
    }) : () -> ()
    %dma_start3A_97 = arith.constant 0 : i32
    %dma_start3A_98 = tpu.memref_slice %arg10[%dma_start3A_97] : memref<512xi32, #tpu.memory_space<vmem>> -> memref<128xi32, #tpu.memory_space<vmem>>
    %dma_start3A_99 = arith.constant 0 : i32
    %dma_start3A_100 = tpu.memref_slice %arg3[%dma_start3A_99] : memref<100000xf32, #tpu.memory_space<hbm>> -> memref<100000xf32, #tpu.memory_space<hbm>>
    tpu.enqueue_indirect_dma source(%dma_start3A_100 : memref<100000xf32, #tpu.memory_space<hbm>>) target(%arg13 : memref<128xf32, #tpu.memory_space<vmem>>) offsets(%dma_start3A_98 : memref<128xi32, #tpu.memory_space<vmem>>) semaphore(%arg16 : memref<!tpu.dma_semaphore, #tpu.memory_space<semaphore_mem>>)
    %dma_wait3A_101 = arith.constant 0 : i32
    %dma_wait3A_102 = tpu.memref_slice %arg10[%dma_wait3A_101] : memref<512xi32, #tpu.memory_space<vmem>> -> memref<128xi32, #tpu.memory_space<vmem>>
    %dma_wait3A_103 = arith.constant 0 : i32
    %dma_wait3A_104 = tpu.memref_slice %arg3[%dma_wait3A_103] : memref<100000xf32, #tpu.memory_space<hbm>> -> memref<100000xf32, #tpu.memory_space<hbm>>
    tpu.wait_indirect_dma semaphore(%arg16 : memref<!tpu.dma_semaphore, #tpu.memory_space<semaphore_mem>>) src(%dma_wait3A_104 : memref<100000xf32, #tpu.memory_space<hbm>>) dst(%arg13 : memref<128xf32, #tpu.memory_space<vmem>>)
    %add3A_105 = arith.constant 0 : i32
    %add3A_106 = arith.addi %mul3A_2, %add3A_105 : i32
    "tpu.region"() ({
      %run_scoped3A = tpu.sem_alloc : memref<!tpu.dma_semaphore, #tpu.memory_space<semaphore_mem>>
      %dma_start3A_137 = tpu.memref_slice %arg8[%add3A_106] : memref<16384xf32, #tpu.memory_space<hbm>> -> memref<128xf32, #tpu.memory_space<hbm>>
      %dma_start3A_138 = tpu.memref_slice %arg8[%add3A_106] : memref<16384xf32, #tpu.memory_space<hbm>> -> memref<128xf32, #tpu.memory_space<hbm>>
      tpu.enqueue_dma source(%arg13 : memref<128xf32, #tpu.memory_space<vmem>>) target(%dma_start3A_138 : memref<128xf32, #tpu.memory_space<hbm>>) target_semaphore(%run_scoped3A : memref<!tpu.dma_semaphore, #tpu.memory_space<semaphore_mem>>)
      %dma_wait3A_139 = tpu.memref_slice %arg8[%add3A_106] : memref<16384xf32, #tpu.memory_space<hbm>> -> memref<128xf32, #tpu.memory_space<hbm>>
      %dma_wait3A_140 = tpu.memref_slice %arg8[%add3A_106] : memref<16384xf32, #tpu.memory_space<hbm>> -> memref<128xf32, #tpu.memory_space<hbm>>
      tpu.wait_dma2 semaphore(%run_scoped3A : memref<!tpu.dma_semaphore, #tpu.memory_space<semaphore_mem>>) src(%arg13 : memref<128xf32, #tpu.memory_space<vmem>>) dst(%dma_wait3A_140 : memref<128xf32, #tpu.memory_space<hbm>>)
      tpu.yield
    }) : () -> ()
    %dma_start3A_107 = arith.constant 128 : i32
    %dma_start3A_108 = tpu.memref_slice %arg10[%dma_start3A_107] : memref<512xi32, #tpu.memory_space<vmem>> -> memref<128xi32, #tpu.memory_space<vmem>>
    %dma_start3A_109 = arith.constant 0 : i32
    %dma_start3A_110 = tpu.memref_slice %arg3[%dma_start3A_109] : memref<100000xf32, #tpu.memory_space<hbm>> -> memref<100000xf32, #tpu.memory_space<hbm>>
    tpu.enqueue_indirect_dma source(%dma_start3A_110 : memref<100000xf32, #tpu.memory_space<hbm>>) target(%arg13 : memref<128xf32, #tpu.memory_space<vmem>>) offsets(%dma_start3A_108 : memref<128xi32, #tpu.memory_space<vmem>>) semaphore(%arg16 : memref<!tpu.dma_semaphore, #tpu.memory_space<semaphore_mem>>)
    %dma_wait3A_111 = arith.constant 128 : i32
    %dma_wait3A_112 = tpu.memref_slice %arg10[%dma_wait3A_111] : memref<512xi32, #tpu.memory_space<vmem>> -> memref<128xi32, #tpu.memory_space<vmem>>
    %dma_wait3A_113 = arith.constant 0 : i32
    %dma_wait3A_114 = tpu.memref_slice %arg3[%dma_wait3A_113] : memref<100000xf32, #tpu.memory_space<hbm>> -> memref<100000xf32, #tpu.memory_space<hbm>>
    tpu.wait_indirect_dma semaphore(%arg16 : memref<!tpu.dma_semaphore, #tpu.memory_space<semaphore_mem>>) src(%dma_wait3A_114 : memref<100000xf32, #tpu.memory_space<hbm>>) dst(%arg13 : memref<128xf32, #tpu.memory_space<vmem>>)
    %add3A_115 = arith.constant 128 : i32
    %add3A_116 = arith.addi %mul3A_2, %add3A_115 : i32
    "tpu.region"() ({
      %run_scoped3A = tpu.sem_alloc : memref<!tpu.dma_semaphore, #tpu.memory_space<semaphore_mem>>
      %dma_start3A_137 = tpu.memref_slice %arg8[%add3A_116] : memref<16384xf32, #tpu.memory_space<hbm>> -> memref<128xf32, #tpu.memory_space<hbm>>
      %dma_start3A_138 = tpu.memref_slice %arg8[%add3A_116] : memref<16384xf32, #tpu.memory_space<hbm>> -> memref<128xf32, #tpu.memory_space<hbm>>
      tpu.enqueue_dma source(%arg13 : memref<128xf32, #tpu.memory_space<vmem>>) target(%dma_start3A_138 : memref<128xf32, #tpu.memory_space<hbm>>) target_semaphore(%run_scoped3A : memref<!tpu.dma_semaphore, #tpu.memory_space<semaphore_mem>>)
      %dma_wait3A_139 = tpu.memref_slice %arg8[%add3A_116] : memref<16384xf32, #tpu.memory_space<hbm>> -> memref<128xf32, #tpu.memory_space<hbm>>
      %dma_wait3A_140 = tpu.memref_slice %arg8[%add3A_116] : memref<16384xf32, #tpu.memory_space<hbm>> -> memref<128xf32, #tpu.memory_space<hbm>>
      tpu.wait_dma2 semaphore(%run_scoped3A : memref<!tpu.dma_semaphore, #tpu.memory_space<semaphore_mem>>) src(%arg13 : memref<128xf32, #tpu.memory_space<vmem>>) dst(%dma_wait3A_140 : memref<128xf32, #tpu.memory_space<hbm>>)
      tpu.yield
    }) : () -> ()
    %dma_start3A_117 = arith.constant 256 : i32
    %dma_start3A_118 = tpu.memref_slice %arg10[%dma_start3A_117] : memref<512xi32, #tpu.memory_space<vmem>> -> memref<128xi32, #tpu.memory_space<vmem>>
    %dma_start3A_119 = arith.constant 0 : i32
    %dma_start3A_120 = tpu.memref_slice %arg3[%dma_start3A_119] : memref<100000xf32, #tpu.memory_space<hbm>> -> memref<100000xf32, #tpu.memory_space<hbm>>
    tpu.enqueue_indirect_dma source(%dma_start3A_120 : memref<100000xf32, #tpu.memory_space<hbm>>) target(%arg13 : memref<128xf32, #tpu.memory_space<vmem>>) offsets(%dma_start3A_118 : memref<128xi32, #tpu.memory_space<vmem>>) semaphore(%arg16 : memref<!tpu.dma_semaphore, #tpu.memory_space<semaphore_mem>>)
    %dma_wait3A_121 = arith.constant 256 : i32
    %dma_wait3A_122 = tpu.memref_slice %arg10[%dma_wait3A_121] : memref<512xi32, #tpu.memory_space<vmem>> -> memref<128xi32, #tpu.memory_space<vmem>>
    %dma_wait3A_123 = arith.constant 0 : i32
    %dma_wait3A_124 = tpu.memref_slice %arg3[%dma_wait3A_123] : memref<100000xf32, #tpu.memory_space<hbm>> -> memref<100000xf32, #tpu.memory_space<hbm>>
    tpu.wait_indirect_dma semaphore(%arg16 : memref<!tpu.dma_semaphore, #tpu.memory_space<semaphore_mem>>) src(%dma_wait3A_124 : memref<100000xf32, #tpu.memory_space<hbm>>) dst(%arg13 : memref<128xf32, #tpu.memory_space<vmem>>)
    %add3A_125 = arith.constant 256 : i32
    %add3A_126 = arith.addi %mul3A_2, %add3A_125 : i32
    "tpu.region"() ({
      %run_scoped3A = tpu.sem_alloc : memref<!tpu.dma_semaphore, #tpu.memory_space<semaphore_mem>>
      %dma_start3A_137 = tpu.memref_slice %arg8[%add3A_126] : memref<16384xf32, #tpu.memory_space<hbm>> -> memref<128xf32, #tpu.memory_space<hbm>>
      %dma_start3A_138 = tpu.memref_slice %arg8[%add3A_126] : memref<16384xf32, #tpu.memory_space<hbm>> -> memref<128xf32, #tpu.memory_space<hbm>>
      tpu.enqueue_dma source(%arg13 : memref<128xf32, #tpu.memory_space<vmem>>) target(%dma_start3A_138 : memref<128xf32, #tpu.memory_space<hbm>>) target_semaphore(%run_scoped3A : memref<!tpu.dma_semaphore, #tpu.memory_space<semaphore_mem>>)
      %dma_wait3A_139 = tpu.memref_slice %arg8[%add3A_126] : memref<16384xf32, #tpu.memory_space<hbm>> -> memref<128xf32, #tpu.memory_space<hbm>>
      %dma_wait3A_140 = tpu.memref_slice %arg8[%add3A_126] : memref<16384xf32, #tpu.memory_space<hbm>> -> memref<128xf32, #tpu.memory_space<hbm>>
      tpu.wait_dma2 semaphore(%run_scoped3A : memref<!tpu.dma_semaphore, #tpu.memory_space<semaphore_mem>>) src(%arg13 : memref<128xf32, #tpu.memory_space<vmem>>) dst(%dma_wait3A_140 : memref<128xf32, #tpu.memory_space<hbm>>)
      tpu.yield
    }) : () -> ()
    %dma_start3A_127 = arith.constant 384 : i32
    %dma_start3A_128 = tpu.memref_slice %arg10[%dma_start3A_127] : memref<512xi32, #tpu.memory_space<vmem>> -> memref<128xi32, #tpu.memory_space<vmem>>
    %dma_start3A_129 = arith.constant 0 : i32
    %dma_start3A_130 = tpu.memref_slice %arg3[%dma_start3A_129] : memref<100000xf32, #tpu.memory_space<hbm>> -> memref<100000xf32, #tpu.memory_space<hbm>>
    tpu.enqueue_indirect_dma source(%dma_start3A_130 : memref<100000xf32, #tpu.memory_space<hbm>>) target(%arg13 : memref<128xf32, #tpu.memory_space<vmem>>) offsets(%dma_start3A_128 : memref<128xi32, #tpu.memory_space<vmem>>) semaphore(%arg16 : memref<!tpu.dma_semaphore, #tpu.memory_space<semaphore_mem>>)
    %dma_wait3A_131 = arith.constant 384 : i32
    %dma_wait3A_132 = tpu.memref_slice %arg10[%dma_wait3A_131] : memref<512xi32, #tpu.memory_space<vmem>> -> memref<128xi32, #tpu.memory_space<vmem>>
    %dma_wait3A_133 = arith.constant 0 : i32
    %dma_wait3A_134 = tpu.memref_slice %arg3[%dma_wait3A_133] : memref<100000xf32, #tpu.memory_space<hbm>> -> memref<100000xf32, #tpu.memory_space<hbm>>
    tpu.wait_indirect_dma semaphore(%arg16 : memref<!tpu.dma_semaphore, #tpu.memory_space<semaphore_mem>>) src(%dma_wait3A_134 : memref<100000xf32, #tpu.memory_space<hbm>>) dst(%arg13 : memref<128xf32, #tpu.memory_space<vmem>>)
    %add3A_135 = arith.constant 384 : i32
    %add3A_136 = arith.addi %mul3A_2, %add3A_135 : i32
    "tpu.region"() ({
      %run_scoped3A = tpu.sem_alloc : memref<!tpu.dma_semaphore, #tpu.memory_space<semaphore_mem>>
      %dma_start3A_137 = tpu.memref_slice %arg8[%add3A_136] : memref<16384xf32, #tpu.memory_space<hbm>> -> memref<128xf32, #tpu.memory_space<hbm>>
      %dma_start3A_138 = tpu.memref_slice %arg8[%add3A_136] : memref<16384xf32, #tpu.memory_space<hbm>> -> memref<128xf32, #tpu.memory_space<hbm>>
      tpu.enqueue_dma source(%arg13 : memref<128xf32, #tpu.memory_space<vmem>>) target(%dma_start3A_138 : memref<128xf32, #tpu.memory_space<hbm>>) target_semaphore(%run_scoped3A : memref<!tpu.dma_semaphore, #tpu.memory_space<semaphore_mem>>)
      %dma_wait3A_139 = tpu.memref_slice %arg8[%add3A_136] : memref<16384xf32, #tpu.memory_space<hbm>> -> memref<128xf32, #tpu.memory_space<hbm>>
      %dma_wait3A_140 = tpu.memref_slice %arg8[%add3A_136] : memref<16384xf32, #tpu.memory_space<hbm>> -> memref<128xf32, #tpu.memory_space<hbm>>
      tpu.wait_dma2 semaphore(%run_scoped3A : memref<!tpu.dma_semaphore, #tpu.memory_space<semaphore_mem>>) src(%arg13 : memref<128xf32, #tpu.memory_space<vmem>>) dst(%dma_wait3A_140 : memref<128xf32, #tpu.memory_space<hbm>>)
      tpu.yield
    }) : () -> ()
    return
  }
}

module attributes {stable_mosaic.version = 14 : i64} {
  func.func @_k2_body(%arg0: i32, %arg1: memref<100000x128xf32, #tpu.memory_space<hbm>>, %arg2: memref<2048x128xf32, #tpu.memory_space<vmem>>, %arg3: memref<2048x128xf32, #tpu.memory_space<vmem>>, %arg4: memref<2048x16xf32, #tpu.memory_space<vmem>>, %arg5: memref<2048x1xf32, #tpu.memory_space<vmem>>, %arg6: memref<2048x1xf32, #tpu.memory_space<vmem>>, %arg7: memref<1x128xf32, #tpu.memory_space<vmem>>, %arg8: memref<1x128xf32, #tpu.memory_space<vmem>>, %arg9: memref<128x384xf32, #tpu.memory_space<vmem>>, %arg10: memref<128x384xf32, #tpu.memory_space<vmem>>, %arg11: memref<16x384xf32, #tpu.memory_space<vmem>>, %arg12: memref<128x384xf32, #tpu.memory_space<vmem>>, %arg13: memref<128x384xf32, #tpu.memory_space<vmem>>, %arg14: memref<1x384xf32, #tpu.memory_space<vmem>>, %arg15: memref<1x384xf32, #tpu.memory_space<vmem>>, %arg16: memref<100000x128xf32, #tpu.memory_space<hbm>>, %arg17: memref<2048x128xf32, #tpu.memory_space<vmem>>, %arg18: memref<6256x128xf32, #tpu.memory_space<vmem>>, %arg19: memref<6256x128xf32, #tpu.memory_space<vmem>>, %arg20: memref<6256x128xf32, #tpu.memory_space<vmem>>, %arg21: memref<6256x128xf32, #tpu.memory_space<vmem>>, %arg22: memref<!tpu.dma_semaphore, #tpu.memory_space<semaphore_mem>>, %arg23: memref<!tpu.dma_semaphore, #tpu.memory_space<semaphore_mem>>, %arg24: memref<!tpu.dma_semaphore, #tpu.memory_space<semaphore_mem>>, %arg25: memref<!tpu.dma_semaphore, #tpu.memory_space<semaphore_mem>>, %arg26: memref<!tpu.dma_semaphore, #tpu.memory_space<semaphore_mem>>, %arg27: memref<!tpu.dma_semaphore, #tpu.memory_space<semaphore_mem>>, %arg28: memref<!tpu.dma_semaphore, #tpu.memory_space<semaphore_mem>>, %arg29: memref<!tpu.dma_semaphore, #tpu.memory_space<semaphore_mem>>) attributes {dimension_semantics = [#tpu.dimension_semantics<arbitrary>], iteration_bounds = array<i64: 8>, scalar_prefetch = 0 : i64, scratch_operands = 12 : i64, tpu.core_type = #tpu.core_type<tc>, window_params = [{}, {transform_indices = @transform_1, window_bounds = array<i64: 2048, 128>}, {transform_indices = @transform_2, window_bounds = array<i64: 2048, 128>}, {transform_indices = @transform_3, window_bounds = array<i64: 2048, 16>}, {transform_indices = @transform_4, window_bounds = array<i64: 2048, 1>}, {transform_indices = @transform_5, window_bounds = array<i64: 2048, 1>}, {pipeline_mode = #tpu.pipeline_mode<synchronous>, transform_indices = @transform_6, window_bounds = array<i64: 1, 128>}, {pipeline_mode = #tpu.pipeline_mode<synchronous>, transform_indices = @transform_7, window_bounds = array<i64: 1, 128>}, {pipeline_mode = #tpu.pipeline_mode<synchronous>, transform_indices = @transform_8, window_bounds = array<i64: 128, 384>}, {pipeline_mode = #tpu.pipeline_mode<synchronous>, transform_indices = @transform_9, window_bounds = array<i64: 128, 384>}, {pipeline_mode = #tpu.pipeline_mode<synchronous>, transform_indices = @transform_10, window_bounds = array<i64: 16, 384>}, {pipeline_mode = #tpu.pipeline_mode<synchronous>, transform_indices = @transform_11, window_bounds = array<i64: 128, 384>}, {pipeline_mode = #tpu.pipeline_mode<synchronous>, transform_indices = @transform_12, window_bounds = array<i64: 128, 384>}, {pipeline_mode = #tpu.pipeline_mode<synchronous>, transform_indices = @transform_13, window_bounds = array<i64: 1, 384>}, {pipeline_mode = #tpu.pipeline_mode<synchronous>, transform_indices = @transform_14, window_bounds = array<i64: 1, 384>}, {}, {transform_indices = @transform_16, window_bounds = array<i64: 2048, 128>}]} {
    %mul3A = arith.constant 2 : i32
    %mul3A_0 = arith.muli %mul3A, %arg0 : i32
    %mul3A_1 = arith.constant 6256 : i32
    %mul3A_2 = arith.muli %mul3A_0, %mul3A_1 : i32
    %add3A = arith.constant 6256 : i32
    %add3A_3 = arith.addi %mul3A_2, %add3A : i32
    %jit3A = arith.constant 2 : i32
    %eq3A = arith.constant 0 : i32
    %eq3A_4 = arith.cmpi eq, %jit3A, %eq3A : i32
    %jit3A_5 = arith.constant 1 : i32
    %select_n3A = arith.select %eq3A_4, %jit3A_5, %jit3A : i32
    %rem3A = arith.remsi %arg0, %select_n3A : i32
    %ne3A = arith.constant 0 : i32
    %ne3A_6 = arith.cmpi ne, %rem3A, %ne3A : i32
    %lt3A = arith.constant 0 : i32
    %lt3A_7 = arith.cmpi slt, %rem3A, %lt3A : i32
    %lt3A_8 = arith.constant 0 : i32
    %lt3A_9 = arith.cmpi slt, %select_n3A, %lt3A_8 : i32
    %ne3A_10 = arith.xori %lt3A_7, %lt3A_9 : i1
    %and3A = arith.andi %ne3A_10, %ne3A_6 : i1
    %add3A_11 = arith.addi %rem3A, %select_n3A : i32
    %select_n3A_12 = arith.select %and3A, %add3A_11, %rem3A : i32
    %eq3A_13 = arith.constant 0 : i32
    %eq3A_14 = arith.cmpi eq, %select_n3A_12, %eq3A_13 : i32
    %convert_element_type3A = arith.extui %eq3A_14 : i1 to i32
    %cond3A = arith.constant 0 : i32
    %cond3A_15 = arith.cmpi ne, %convert_element_type3A, %cond3A : i32
    scf.if %cond3A_15 {
      %gt3A = arith.constant 1 : i32
      %gt3A_126 = arith.cmpi sgt, %arg0, %gt3A : i32
      %convert_element_type3A_127 = arith.extui %gt3A_126 : i1 to i32
      %cond3A_128 = arith.constant 0 : i32
      %cond3A_129 = arith.cmpi ne, %convert_element_type3A_127, %cond3A_128 : i32
      scf.if %cond3A_129 {
        %dma_wait3A = arith.constant 0 : i32
        %dma_wait3A_139 = arith.constant 0 : i32
        %dma_wait3A_140 = tpu.memref_slice %arg16[%dma_wait3A, %dma_wait3A_139] : memref<100000x128xf32, #tpu.memory_space<hbm>> -> memref<6256x128xf32, #tpu.memory_space<hbm>>
        %dma_wait3A_141 = arith.constant 0 : i32
        %dma_wait3A_142 = arith.constant 0 : i32
        %dma_wait3A_143 = tpu.memref_slice %arg18[%dma_wait3A_141, %dma_wait3A_142] : memref<6256x128xf32, #tpu.memory_space<vmem>> -> memref<6256x128xf32, #tpu.memory_space<vmem>>
        tpu.wait_dma2 semaphore(%arg26 : memref<!tpu.dma_semaphore, #tpu.memory_space<semaphore_mem>>) src(%dma_wait3A_143 : memref<6256x128xf32, #tpu.memory_space<vmem>>) dst(%dma_wait3A_140 : memref<6256x128xf32, #tpu.memory_space<hbm>>)
        %dma_wait3A_144 = arith.constant 0 : i32
        %dma_wait3A_145 = arith.constant 0 : i32
        %dma_wait3A_146 = tpu.memref_slice %arg16[%dma_wait3A_144, %dma_wait3A_145] : memref<100000x128xf32, #tpu.memory_space<hbm>> -> memref<6256x128xf32, #tpu.memory_space<hbm>>
        %dma_wait3A_147 = arith.constant 0 : i32
        %dma_wait3A_148 = arith.constant 0 : i32
        %dma_wait3A_149 = tpu.memref_slice %arg19[%dma_wait3A_147, %dma_wait3A_148] : memref<6256x128xf32, #tpu.memory_space<vmem>> -> memref<6256x128xf32, #tpu.memory_space<vmem>>
        tpu.wait_dma2 semaphore(%arg27 : memref<!tpu.dma_semaphore, #tpu.memory_space<semaphore_mem>>) src(%dma_wait3A_149 : memref<6256x128xf32, #tpu.memory_space<vmem>>) dst(%dma_wait3A_146 : memref<6256x128xf32, #tpu.memory_space<hbm>>)
      } else {
      }
      %dma_start3A = arith.constant 0 : i32
      %dma_start3A_130 = arith.constant 0 : i32
      %dma_start3A_131 = tpu.memref_slice %arg18[%dma_start3A, %dma_start3A_130] : memref<6256x128xf32, #tpu.memory_space<vmem>> -> memref<6256x128xf32, #tpu.memory_space<vmem>>
      %dma_start3A_132 = arith.constant 0 : i32
      %dma_start3A_133 = tpu.memref_slice %arg1[%mul3A_2, %dma_start3A_132] : memref<100000x128xf32, #tpu.memory_space<hbm>> -> memref<6256x128xf32, #tpu.memory_space<hbm>>
      tpu.enqueue_dma source(%dma_start3A_133 : memref<6256x128xf32, #tpu.memory_space<hbm>>) target(%dma_start3A_131 : memref<6256x128xf32, #tpu.memory_space<vmem>>) target_semaphore(%arg22 : memref<!tpu.dma_semaphore, #tpu.memory_space<semaphore_mem>>)
      %dma_start3A_134 = arith.constant 0 : i32
      %dma_start3A_135 = arith.constant 0 : i32
      %dma_start3A_136 = tpu.memref_slice %arg19[%dma_start3A_134, %dma_start3A_135] : memref<6256x128xf32, #tpu.memory_space<vmem>> -> memref<6256x128xf32, #tpu.memory_space<vmem>>
      %dma_start3A_137 = arith.constant 0 : i32
      %dma_start3A_138 = tpu.memref_slice %arg1[%add3A_3, %dma_start3A_137] : memref<100000x128xf32, #tpu.memory_space<hbm>> -> memref<6256x128xf32, #tpu.memory_space<hbm>>
      tpu.enqueue_dma source(%dma_start3A_138 : memref<6256x128xf32, #tpu.memory_space<hbm>>) target(%dma_start3A_136 : memref<6256x128xf32, #tpu.memory_space<vmem>>) target_semaphore(%arg23 : memref<!tpu.dma_semaphore, #tpu.memory_space<semaphore_mem>>)
    } else {
    }
    %not3A = arith.constant true
    %not3A_16 = arith.xori %eq3A_14, %not3A : i1
    %convert_element_type3A_17 = arith.extui %not3A_16 : i1 to i32
    %cond3A_18 = arith.constant 0 : i32
    %cond3A_19 = arith.cmpi ne, %convert_element_type3A_17, %cond3A_18 : i32
    scf.if %cond3A_19 {
      %gt3A = arith.constant 1 : i32
      %gt3A_126 = arith.cmpi sgt, %arg0, %gt3A : i32
      %convert_element_type3A_127 = arith.extui %gt3A_126 : i1 to i32
      %cond3A_128 = arith.constant 0 : i32
      %cond3A_129 = arith.cmpi ne, %convert_element_type3A_127, %cond3A_128 : i32
      scf.if %cond3A_129 {
        %dma_wait3A = arith.constant 0 : i32
        %dma_wait3A_144 = arith.constant 0 : i32
        %dma_wait3A_145 = tpu.memref_slice %arg16[%dma_wait3A, %dma_wait3A_144] : memref<100000x128xf32, #tpu.memory_space<hbm>> -> memref<6256x128xf32, #tpu.memory_space<hbm>>
        %dma_wait3A_146 = arith.constant 0 : i32
        %dma_wait3A_147 = arith.constant 0 : i32
        %dma_wait3A_148 = tpu.memref_slice %arg20[%dma_wait3A_146, %dma_wait3A_147] : memref<6256x128xf32, #tpu.memory_space<vmem>> -> memref<6256x128xf32, #tpu.memory_space<vmem>>
        tpu.wait_dma2 semaphore(%arg28 : memref<!tpu.dma_semaphore, #tpu.memory_space<semaphore_mem>>) src(%dma_wait3A_148 : memref<6256x128xf32, #tpu.memory_space<vmem>>) dst(%dma_wait3A_145 : memref<6256x128xf32, #tpu.memory_space<hbm>>)
        %dma_wait3A_149 = arith.constant 0 : i32
        %dma_wait3A_150 = arith.constant 0 : i32
        %dma_wait3A_151 = tpu.memref_slice %arg16[%dma_wait3A_149, %dma_wait3A_150] : memref<100000x128xf32, #tpu.memory_space<hbm>> -> memref<6256x128xf32, #tpu.memory_space<hbm>>
        %dma_wait3A_152 = arith.constant 0 : i32
        %dma_wait3A_153 = arith.constant 0 : i32
        %dma_wait3A_154 = tpu.memref_slice %arg21[%dma_wait3A_152, %dma_wait3A_153] : memref<6256x128xf32, #tpu.memory_space<vmem>> -> memref<6256x128xf32, #tpu.memory_space<vmem>>
        tpu.wait_dma2 semaphore(%arg29 : memref<!tpu.dma_semaphore, #tpu.memory_space<semaphore_mem>>) src(%dma_wait3A_154 : memref<6256x128xf32, #tpu.memory_space<vmem>>) dst(%dma_wait3A_151 : memref<6256x128xf32, #tpu.memory_space<hbm>>)
      } else {
      }
      %dma_start3A = arith.constant 0 : i32
      %dma_start3A_130 = arith.constant 0 : i32
      %dma_start3A_131 = tpu.memref_slice %arg20[%dma_start3A, %dma_start3A_130] : memref<6256x128xf32, #tpu.memory_space<vmem>> -> memref<6256x128xf32, #tpu.memory_space<vmem>>
      %dma_start3A_132 = arith.constant 0 : i32
      %dma_start3A_133 = tpu.memref_slice %arg1[%mul3A_2, %dma_start3A_132] : memref<100000x128xf32, #tpu.memory_space<hbm>> -> memref<6256x128xf32, #tpu.memory_space<hbm>>
      tpu.enqueue_dma source(%dma_start3A_133 : memref<6256x128xf32, #tpu.memory_space<hbm>>) target(%dma_start3A_131 : memref<6256x128xf32, #tpu.memory_space<vmem>>) target_semaphore(%arg24 : memref<!tpu.dma_semaphore, #tpu.memory_space<semaphore_mem>>)
      %lt3A_134 = arith.constant 7 : i32
      %lt3A_135 = arith.cmpi slt, %arg0, %lt3A_134 : i32
      %convert_element_type3A_136 = arith.extui %lt3A_135 : i1 to i32
      %cond3A_137 = arith.constant 0 : i32
      %cond3A_138 = arith.cmpi ne, %convert_element_type3A_136, %cond3A_137 : i32
      scf.if %cond3A_138 {
        %dma_start3A_144 = arith.constant 0 : i32
        %dma_start3A_145 = arith.constant 0 : i32
        %dma_start3A_146 = tpu.memref_slice %arg21[%dma_start3A_144, %dma_start3A_145] : memref<6256x128xf32, #tpu.memory_space<vmem>> -> memref<6256x128xf32, #tpu.memory_space<vmem>>
        %dma_start3A_147 = arith.constant 0 : i32
        %dma_start3A_148 = tpu.memref_slice %arg1[%add3A_3, %dma_start3A_147] : memref<100000x128xf32, #tpu.memory_space<hbm>> -> memref<6256x128xf32, #tpu.memory_space<hbm>>
        tpu.enqueue_dma source(%dma_start3A_148 : memref<6256x128xf32, #tpu.memory_space<hbm>>) target(%dma_start3A_146 : memref<6256x128xf32, #tpu.memory_space<vmem>>) target_semaphore(%arg25 : memref<!tpu.dma_semaphore, #tpu.memory_space<semaphore_mem>>)
      } else {
      }
      %eq3A_139 = arith.constant 7 : i32
      %eq3A_140 = arith.cmpi eq, %arg0, %eq3A_139 : i32
      %convert_element_type3A_141 = arith.extui %eq3A_140 : i1 to i32
      %cond3A_142 = arith.constant 0 : i32
      %cond3A_143 = arith.cmpi ne, %convert_element_type3A_141, %cond3A_142 : i32
      scf.if %cond3A_143 {
        %dma_start3A_144 = arith.constant 0 : i32
        %dma_start3A_145 = arith.constant 0 : i32
        %dma_start3A_146 = tpu.memref_slice %arg21[%dma_start3A_144, %dma_start3A_145] : memref<6256x128xf32, #tpu.memory_space<vmem>> -> memref<6160x128xf32, #tpu.memory_space<vmem>>
        %dma_start3A_147 = arith.constant 0 : i32
        %dma_start3A_148 = tpu.memref_slice %arg1[%add3A_3, %dma_start3A_147] : memref<100000x128xf32, #tpu.memory_space<hbm>> -> memref<6160x128xf32, #tpu.memory_space<hbm>>
        tpu.enqueue_dma source(%dma_start3A_148 : memref<6160x128xf32, #tpu.memory_space<hbm>>) target(%dma_start3A_146 : memref<6160x128xf32, #tpu.memory_space<vmem>>) target_semaphore(%arg25 : memref<!tpu.dma_semaphore, #tpu.memory_space<semaphore_mem>>)
      } else {
      }
    } else {
    }
    %get3A = arith.constant 0 : index
    %get3A_20 = arith.constant 0 : index
    %get3A_21 = vector.load %arg3[%get3A, %get3A_20] : memref<2048x128xf32, #tpu.memory_space<vmem>>, vector<2048x128xf32>
    %get3A_22 = arith.constant 0 : index
    %get3A_23 = arith.constant 0 : index
    %get3A_24 = vector.load %arg5[%get3A_22, %get3A_23] : memref<2048x1xf32, #tpu.memory_space<vmem>>, vector<2048x1xf32>
    %get3A_25 = arith.constant 0 : index
    %get3A_26 = arith.constant 0 : index
    %get3A_27 = vector.load %arg6[%get3A_25, %get3A_26] : memref<2048x1xf32, #tpu.memory_space<vmem>>, vector<2048x1xf32>
    %sub3A = arith.subf %get3A_24, %get3A_27 : vector<2048x1xf32>
    %get3A_28 = arith.constant 0 : index
    %get3A_29 = arith.constant 0 : index
    %get3A_30 = vector.load %arg7[%get3A_28, %get3A_29] : memref<1x128xf32, #tpu.memory_space<vmem>>, vector<1x128xf32>
    %mul3A_31 = vector.broadcast %sub3A : vector<2048x1xf32> to vector<2048x128xf32>
    %mul3A_32 = vector.broadcast %get3A_30 : vector<1x128xf32> to vector<2048x128xf32>
    %mul3A_33 = arith.mulf %mul3A_31, %mul3A_32 : vector<2048x128xf32>
    %get3A_34 = arith.constant 0 : index
    %get3A_35 = arith.constant 0 : index
    %get3A_36 = vector.load %arg8[%get3A_34, %get3A_35] : memref<1x128xf32, #tpu.memory_space<vmem>>, vector<1x128xf32>
    %add3A_37 = vector.broadcast %get3A_36 : vector<1x128xf32> to vector<2048x128xf32>
    %add3A_38 = arith.addf %mul3A_33, %add3A_37 : vector<2048x128xf32>
    %cos3A = math.cos %add3A_38 : vector<2048x128xf32>
    %get3A_39 = arith.constant 0 : index
    %get3A_40 = arith.constant 0 : index
    %get3A_41 = vector.load %arg2[%get3A_39, %get3A_40] : memref<2048x128xf32, #tpu.memory_space<vmem>>, vector<2048x128xf32>
    %get3A_42 = arith.constant 0 : index
    %get3A_43 = arith.constant 0 : index
    %get3A_44 = vector.load %arg9[%get3A_42, %get3A_43] : memref<128x384xf32, #tpu.memory_space<vmem>>, vector<128x384xf32>
    %dot_general3A = arith.constant dense<0.000000e+00> : vector<2048x384xf32>
    %dot_general3A_45 = tpu.matmul %get3A_41, %get3A_44, %dot_general3A {dimension_numbers = #tpu.dot_dimension_numbers<[1], [0], [0], [1], [0, 0, 1, 1], [], []>, transpose_lhs_hint = false} : vector<2048x128xf32>, vector<128x384xf32>, vector<2048x384xf32> -> vector<2048x384xf32>
    %get3A_46 = arith.constant 0 : index
    %get3A_47 = arith.constant 0 : index
    %get3A_48 = vector.load %arg10[%get3A_46, %get3A_47] : memref<128x384xf32, #tpu.memory_space<vmem>>, vector<128x384xf32>
    %dot_general3A_49 = arith.constant dense<0.000000e+00> : vector<2048x384xf32>
    %dot_general3A_50 = tpu.matmul %get3A_21, %get3A_48, %dot_general3A_49 {dimension_numbers = #tpu.dot_dimension_numbers<[1], [0], [0], [1], [0, 0, 1, 1], [], []>, transpose_lhs_hint = false} : vector<2048x128xf32>, vector<128x384xf32>, vector<2048x384xf32> -> vector<2048x384xf32>
    %add3A_51 = arith.addf %dot_general3A_45, %dot_general3A_50 : vector<2048x384xf32>
    %get3A_52 = arith.constant 0 : index
    %get3A_53 = arith.constant 0 : index
    %get3A_54 = vector.load %arg4[%get3A_52, %get3A_53] : memref<2048x16xf32, #tpu.memory_space<vmem>>, vector<2048x16xf32>
    %get3A_55 = arith.constant 0 : index
    %get3A_56 = arith.constant 0 : index
    %get3A_57 = vector.load %arg11[%get3A_55, %get3A_56] : memref<16x384xf32, #tpu.memory_space<vmem>>, vector<16x384xf32>
    %dot_general3A_58 = arith.constant dense<0.000000e+00> : vector<2048x384xf32>
    %dot_general3A_59 = tpu.matmul %get3A_54, %get3A_57, %dot_general3A_58 {dimension_numbers = #tpu.dot_dimension_numbers<[1], [0], [0], [1], [0, 0, 1, 1], [], []>, transpose_lhs_hint = false} : vector<2048x16xf32>, vector<16x384xf32>, vector<2048x384xf32> -> vector<2048x384xf32>
    %add3A_60 = arith.addf %add3A_51, %dot_general3A_59 : vector<2048x384xf32>
    %get3A_61 = arith.constant 0 : index
    %get3A_62 = arith.constant 0 : index
    %get3A_63 = vector.load %arg12[%get3A_61, %get3A_62] : memref<128x384xf32, #tpu.memory_space<vmem>>, vector<128x384xf32>
    %dot_general3A_64 = arith.constant dense<0.000000e+00> : vector<2048x384xf32>
    %dot_general3A_65 = tpu.matmul %cos3A, %get3A_63, %dot_general3A_64 {dimension_numbers = #tpu.dot_dimension_numbers<[1], [0], [0], [1], [0, 0, 1, 1], [], []>, transpose_lhs_hint = false} : vector<2048x128xf32>, vector<128x384xf32>, vector<2048x384xf32> -> vector<2048x384xf32>
    %add3A_66 = arith.addf %add3A_60, %dot_general3A_65 : vector<2048x384xf32>
    %get3A_67 = arith.constant 0 : index
    %get3A_68 = arith.constant 0 : index
    %get3A_69 = vector.load %arg14[%get3A_67, %get3A_68] : memref<1x384xf32, #tpu.memory_space<vmem>>, vector<1x384xf32>
    %add3A_70 = vector.broadcast %get3A_69 : vector<1x384xf32> to vector<2048x384xf32>
    %add3A_71 = arith.addf %add3A_66, %add3A_70 : vector<2048x384xf32>
    %get3A_72 = arith.constant 0 : index
    %get3A_73 = arith.constant 0 : index
    %get3A_74 = vector.load %arg13[%get3A_72, %get3A_73] : memref<128x384xf32, #tpu.memory_space<vmem>>, vector<128x384xf32>
    %dot_general3A_75 = arith.constant dense<0.000000e+00> : vector<2048x384xf32>
    %dot_general3A_76 = tpu.matmul %get3A_21, %get3A_74, %dot_general3A_75 {dimension_numbers = #tpu.dot_dimension_numbers<[1], [0], [0], [1], [0, 0, 1, 1], [], []>, transpose_lhs_hint = false} : vector<2048x128xf32>, vector<128x384xf32>, vector<2048x384xf32> -> vector<2048x384xf32>
    %get3A_77 = arith.constant 0 : index
    %get3A_78 = arith.constant 0 : index
    %get3A_79 = vector.load %arg15[%get3A_77, %get3A_78] : memref<1x384xf32, #tpu.memory_space<vmem>>, vector<1x384xf32>
    %add3A_80 = vector.broadcast %get3A_79 : vector<1x384xf32> to vector<2048x384xf32>
    %add3A_81 = arith.addf %dot_general3A_76, %add3A_80 : vector<2048x384xf32>
    %slice3A = vector.extract_strided_slice %add3A_71 {offsets = [0, 0], sizes = [2048, 128], strides = [1, 1]} : vector<2048x384xf32> to vector<2048x128xf32>
    %slice3A_82 = vector.extract_strided_slice %add3A_81 {offsets = [0, 0], sizes = [2048, 128], strides = [1, 1]} : vector<2048x384xf32> to vector<2048x128xf32>
    %add3A_83 = arith.addf %slice3A, %slice3A_82 : vector<2048x128xf32>
    %logistic3A = arith.negf %add3A_83 : vector<2048x128xf32>
    %logistic3A_84 = math.exp %logistic3A : vector<2048x128xf32>
    %logistic3A_85 = arith.constant 1.000000e+00 : f32
    %logistic3A_86 = vector.broadcast %logistic3A_85 : f32 to vector<2048x128xf32>
    %logistic3A_87 = arith.addf %logistic3A_86, %logistic3A_84 : vector<2048x128xf32>
    %logistic3A_88 = arith.divf %logistic3A_86, %logistic3A_87 : vector<2048x128xf32>
    %slice3A_89 = vector.extract_strided_slice %add3A_71 {offsets = [0, 128], sizes = [2048, 128], strides = [1, 1]} : vector<2048x384xf32> to vector<2048x128xf32>
    %slice3A_90 = vector.extract_strided_slice %add3A_81 {offsets = [0, 128], sizes = [2048, 128], strides = [1, 1]} : vector<2048x384xf32> to vector<2048x128xf32>
    %add3A_91 = arith.addf %slice3A_89, %slice3A_90 : vector<2048x128xf32>
    %logistic3A_92 = arith.negf %add3A_91 : vector<2048x128xf32>
    %logistic3A_93 = math.exp %logistic3A_92 : vector<2048x128xf32>
    %logistic3A_94 = arith.constant 1.000000e+00 : f32
    %logistic3A_95 = vector.broadcast %logistic3A_94 : f32 to vector<2048x128xf32>
    %logistic3A_96 = arith.addf %logistic3A_95, %logistic3A_93 : vector<2048x128xf32>
    %logistic3A_97 = arith.divf %logistic3A_95, %logistic3A_96 : vector<2048x128xf32>
    %slice3A_98 = vector.extract_strided_slice %add3A_71 {offsets = [0, 256], sizes = [2048, 128], strides = [1, 1]} : vector<2048x384xf32> to vector<2048x128xf32>
    %slice3A_99 = vector.extract_strided_slice %add3A_81 {offsets = [0, 256], sizes = [2048, 128], strides = [1, 1]} : vector<2048x384xf32> to vector<2048x128xf32>
    %mul3A_100 = arith.mulf %logistic3A_88, %slice3A_99 : vector<2048x128xf32>
    %add3A_101 = arith.addf %slice3A_98, %mul3A_100 : vector<2048x128xf32>
    %tanh3A = math.tanh %add3A_101 : vector<2048x128xf32>
    %sub3A_102 = arith.constant 1.000000e+00 : f32
    %sub3A_103 = vector.broadcast %sub3A_102 : f32 to vector<2048x128xf32>
    %sub3A_104 = arith.subf %sub3A_103, %logistic3A_97 : vector<2048x128xf32>
    %mul3A_105 = arith.mulf %sub3A_104, %tanh3A : vector<2048x128xf32>
    %mul3A_106 = arith.mulf %logistic3A_97, %get3A_21 : vector<2048x128xf32>
    %add3A_107 = arith.addf %mul3A_105, %mul3A_106 : vector<2048x128xf32>
    %swap3A = arith.constant 0 : index
    %swap3A_108 = arith.constant 0 : index
    %swap3A_109 = vector.load %arg17[%swap3A, %swap3A_108] : memref<2048x128xf32, #tpu.memory_space<vmem>>, vector<2048x128xf32>
    tpu.vector_store %arg17[%swap3A, %swap3A_108], %add3A_107 {strides = array<i32>} : memref<2048x128xf32, #tpu.memory_space<vmem>>, vector<2048x128xf32>,
    %convert_element_type3A_110 = arith.extui %eq3A_14 : i1 to i32
    %cond3A_111 = arith.constant 0 : i32
    %cond3A_112 = arith.cmpi ne, %convert_element_type3A_110, %cond3A_111 : i32
    scf.if %cond3A_112 {
      %dma_wait3A = arith.constant 0 : i32
      %dma_wait3A_126 = arith.constant 0 : i32
      %dma_wait3A_127 = tpu.memref_slice %arg18[%dma_wait3A, %dma_wait3A_126] : memref<6256x128xf32, #tpu.memory_space<vmem>> -> memref<6256x128xf32, #tpu.memory_space<vmem>>
      %dma_wait3A_128 = arith.constant 0 : i32
      %dma_wait3A_129 = tpu.memref_slice %arg1[%mul3A_2, %dma_wait3A_128] : memref<100000x128xf32, #tpu.memory_space<hbm>> -> memref<6256x128xf32, #tpu.memory_space<hbm>>
      tpu.wait_dma2 semaphore(%arg22 : memref<!tpu.dma_semaphore, #tpu.memory_space<semaphore_mem>>) src(%dma_wait3A_129 : memref<6256x128xf32, #tpu.memory_space<hbm>>) dst(%dma_wait3A_127 : memref<6256x128xf32, #tpu.memory_space<vmem>>)
      %dma_start3A = arith.constant 0 : i32
      %dma_start3A_130 = tpu.memref_slice %arg16[%mul3A_2, %dma_start3A] : memref<100000x128xf32, #tpu.memory_space<hbm>> -> memref<6256x128xf32, #tpu.memory_space<hbm>>
      %dma_start3A_131 = arith.constant 0 : i32
      %dma_start3A_132 = arith.constant 0 : i32
      %dma_start3A_133 = tpu.memref_slice %arg18[%dma_start3A_131, %dma_start3A_132] : memref<6256x128xf32, #tpu.memory_space<vmem>> -> memref<6256x128xf32, #tpu.memory_space<vmem>>
      tpu.enqueue_dma source(%dma_start3A_133 : memref<6256x128xf32, #tpu.memory_space<vmem>>) target(%dma_start3A_130 : memref<6256x128xf32, #tpu.memory_space<hbm>>) target_semaphore(%arg26 : memref<!tpu.dma_semaphore, #tpu.memory_space<semaphore_mem>>)
      %dma_wait3A_134 = arith.constant 0 : i32
      %dma_wait3A_135 = arith.constant 0 : i32
      %dma_wait3A_136 = tpu.memref_slice %arg19[%dma_wait3A_134, %dma_wait3A_135] : memref<6256x128xf32, #tpu.memory_space<vmem>> -> memref<6256x128xf32, #tpu.memory_space<vmem>>
      %dma_wait3A_137 = arith.constant 0 : i32
      %dma_wait3A_138 = tpu.memref_slice %arg1[%add3A_3, %dma_wait3A_137] : memref<100000x128xf32, #tpu.memory_space<hbm>> -> memref<6256x128xf32, #tpu.memory_space<hbm>>
      tpu.wait_dma2 semaphore(%arg23 : memref<!tpu.dma_semaphore, #tpu.memory_space<semaphore_mem>>) src(%dma_wait3A_138 : memref<6256x128xf32, #tpu.memory_space<hbm>>) dst(%dma_wait3A_136 : memref<6256x128xf32, #tpu.memory_space<vmem>>)
      %dma_start3A_139 = arith.constant 0 : i32
      %dma_start3A_140 = tpu.memref_slice %arg16[%add3A_3, %dma_start3A_139] : memref<100000x128xf32, #tpu.memory_space<hbm>> -> memref<6256x128xf32, #tpu.memory_space<hbm>>
      %dma_start3A_141 = arith.constant 0 : i32
      %dma_start3A_142 = arith.constant 0 : i32
      %dma_start3A_143 = tpu.memref_slice %arg19[%dma_start3A_141, %dma_start3A_142] : memref<6256x128xf32, #tpu.memory_space<vmem>> -> memref<6256x128xf32, #tpu.memory_space<vmem>>
      tpu.enqueue_dma source(%dma_start3A_143 : memref<6256x128xf32, #tpu.memory_space<vmem>>) target(%dma_start3A_140 : memref<6256x128xf32, #tpu.memory_space<hbm>>) target_semaphore(%arg27 : memref<!tpu.dma_semaphore, #tpu.memory_space<semaphore_mem>>)
    } else {
    }
    %not3A_113 = arith.constant true
    %not3A_114 = arith.xori %eq3A_14, %not3A_113 : i1
    %lt3A_115 = arith.constant 7 : i32
    %lt3A_116 = arith.cmpi slt, %arg0, %lt3A_115 : i32
    %and3A_117 = arith.andi %not3A_114, %lt3A_116 : i1
    %convert_element_type3A_118 = arith.extui %and3A_117 : i1 to i32
    %cond3A_119 = arith.constant 0 : i32
    %cond3A_120 = arith.cmpi ne, %convert_element_type3A_118, %cond3A_119 : i32
    scf.if %cond3A_120 {
      %dma_wait3A = arith.constant 0 : i32
      %dma_wait3A_126 = arith.constant 0 : i32
      %dma_wait3A_127 = tpu.memref_slice %arg20[%dma_wait3A, %dma_wait3A_126] : memref<6256x128xf32, #tpu.memory_space<vmem>> -> memref<6256x128xf32, #tpu.memory_space<vmem>>
      %dma_wait3A_128 = arith.constant 0 : i32
      %dma_wait3A_129 = tpu.memref_slice %arg1[%mul3A_2, %dma_wait3A_128] : memref<100000x128xf32, #tpu.memory_space<hbm>> -> memref<6256x128xf32, #tpu.memory_space<hbm>>
      tpu.wait_dma2 semaphore(%arg24 : memref<!tpu.dma_semaphore, #tpu.memory_space<semaphore_mem>>) src(%dma_wait3A_129 : memref<6256x128xf32, #tpu.memory_space<hbm>>) dst(%dma_wait3A_127 : memref<6256x128xf32, #tpu.memory_space<vmem>>)
      %dma_start3A = arith.constant 0 : i32
      %dma_start3A_130 = tpu.memref_slice %arg16[%mul3A_2, %dma_start3A] : memref<100000x128xf32, #tpu.memory_space<hbm>> -> memref<6256x128xf32, #tpu.memory_space<hbm>>
      %dma_start3A_131 = arith.constant 0 : i32
      %dma_start3A_132 = arith.constant 0 : i32
      %dma_start3A_133 = tpu.memref_slice %arg20[%dma_start3A_131, %dma_start3A_132] : memref<6256x128xf32, #tpu.memory_space<vmem>> -> memref<6256x128xf32, #tpu.memory_space<vmem>>
      tpu.enqueue_dma source(%dma_start3A_133 : memref<6256x128xf32, #tpu.memory_space<vmem>>) target(%dma_start3A_130 : memref<6256x128xf32, #tpu.memory_space<hbm>>) target_semaphore(%arg28 : memref<!tpu.dma_semaphore, #tpu.memory_space<semaphore_mem>>)
      %dma_wait3A_134 = arith.constant 0 : i32
      %dma_wait3A_135 = arith.constant 0 : i32
      %dma_wait3A_136 = tpu.memref_slice %arg21[%dma_wait3A_134, %dma_wait3A_135] : memref<6256x128xf32, #tpu.memory_space<vmem>> -> memref<6256x128xf32, #tpu.memory_space<vmem>>
      %dma_wait3A_137 = arith.constant 0 : i32
      %dma_wait3A_138 = tpu.memref_slice %arg1[%add3A_3, %dma_wait3A_137] : memref<100000x128xf32, #tpu.memory_space<hbm>> -> memref<6256x128xf32, #tpu.memory_space<hbm>>
      tpu.wait_dma2 semaphore(%arg25 : memref<!tpu.dma_semaphore, #tpu.memory_space<semaphore_mem>>) src(%dma_wait3A_138 : memref<6256x128xf32, #tpu.memory_space<hbm>>) dst(%dma_wait3A_136 : memref<6256x128xf32, #tpu.memory_space<vmem>>)
      %dma_start3A_139 = arith.constant 0 : i32
      %dma_start3A_140 = tpu.memref_slice %arg16[%add3A_3, %dma_start3A_139] : memref<100000x128xf32, #tpu.memory_space<hbm>> -> memref<6256x128xf32, #tpu.memory_space<hbm>>
      %dma_start3A_141 = arith.constant 0 : i32
      %dma_start3A_142 = arith.constant 0 : i32
      %dma_start3A_143 = tpu.memref_slice %arg21[%dma_start3A_141, %dma_start3A_142] : memref<6256x128xf32, #tpu.memory_space<vmem>> -> memref<6256x128xf32, #tpu.memory_space<vmem>>
      tpu.enqueue_dma source(%dma_start3A_143 : memref<6256x128xf32, #tpu.memory_space<vmem>>) target(%dma_start3A_140 : memref<6256x128xf32, #tpu.memory_space<hbm>>) target_semaphore(%arg29 : memref<!tpu.dma_semaphore, #tpu.memory_space<semaphore_mem>>)
    } else {
    }
    %eq3A_121 = arith.constant 7 : i32
    %eq3A_122 = arith.cmpi eq, %arg0, %eq3A_121 : i32
    %convert_element_type3A_123 = arith.extui %eq3A_122 : i1 to i32
    %cond3A_124 = arith.constant 0 : i32
    %cond3A_125 = arith.cmpi ne, %convert_element_type3A_123, %cond3A_124 : i32
    scf.if %cond3A_125 {
      %dma_wait3A = arith.constant 0 : i32
      %dma_wait3A_126 = arith.constant 0 : i32
      %dma_wait3A_127 = tpu.memref_slice %arg20[%dma_wait3A, %dma_wait3A_126] : memref<6256x128xf32, #tpu.memory_space<vmem>> -> memref<6256x128xf32, #tpu.memory_space<vmem>>
      %dma_wait3A_128 = arith.constant 0 : i32
      %dma_wait3A_129 = tpu.memref_slice %arg1[%mul3A_2, %dma_wait3A_128] : memref<100000x128xf32, #tpu.memory_space<hbm>> -> memref<6256x128xf32, #tpu.memory_space<hbm>>
      tpu.wait_dma2 semaphore(%arg24 : memref<!tpu.dma_semaphore, #tpu.memory_space<semaphore_mem>>) src(%dma_wait3A_129 : memref<6256x128xf32, #tpu.memory_space<hbm>>) dst(%dma_wait3A_127 : memref<6256x128xf32, #tpu.memory_space<vmem>>)
      %dma_start3A = arith.constant 0 : i32
      %dma_start3A_130 = tpu.memref_slice %arg16[%mul3A_2, %dma_start3A] : memref<100000x128xf32, #tpu.memory_space<hbm>> -> memref<6256x128xf32, #tpu.memory_space<hbm>>
      %dma_start3A_131 = arith.constant 0 : i32
      %dma_start3A_132 = arith.constant 0 : i32
      %dma_start3A_133 = tpu.memref_slice %arg20[%dma_start3A_131, %dma_start3A_132] : memref<6256x128xf32, #tpu.memory_space<vmem>> -> memref<6256x128xf32, #tpu.memory_space<vmem>>
      tpu.enqueue_dma source(%dma_start3A_133 : memref<6256x128xf32, #tpu.memory_space<vmem>>) target(%dma_start3A_130 : memref<6256x128xf32, #tpu.memory_space<hbm>>) target_semaphore(%arg28 : memref<!tpu.dma_semaphore, #tpu.memory_space<semaphore_mem>>)
      %dma_wait3A_134 = arith.constant 0 : i32
      %dma_wait3A_135 = arith.constant 0 : i32
      %dma_wait3A_136 = tpu.memref_slice %arg21[%dma_wait3A_134, %dma_wait3A_135] : memref<6256x128xf32, #tpu.memory_space<vmem>> -> memref<6160x128xf32, #tpu.memory_space<vmem>>
      %dma_wait3A_137 = arith.constant 0 : i32
      %dma_wait3A_138 = tpu.memref_slice %arg1[%add3A_3, %dma_wait3A_137] : memref<100000x128xf32, #tpu.memory_space<hbm>> -> memref<6160x128xf32, #tpu.memory_space<hbm>>
      tpu.wait_dma2 semaphore(%arg25 : memref<!tpu.dma_semaphore, #tpu.memory_space<semaphore_mem>>) src(%dma_wait3A_138 : memref<6160x128xf32, #tpu.memory_space<hbm>>) dst(%dma_wait3A_136 : memref<6160x128xf32, #tpu.memory_space<vmem>>)
      %dma_start3A_139 = arith.constant 0 : i32
      %dma_start3A_140 = tpu.memref_slice %arg16[%add3A_3, %dma_start3A_139] : memref<100000x128xf32, #tpu.memory_space<hbm>> -> memref<6160x128xf32, #tpu.memory_space<hbm>>
      %dma_start3A_141 = arith.constant 0 : i32
      %dma_start3A_142 = arith.constant 0 : i32
      %dma_start3A_143 = tpu.memref_slice %arg21[%dma_start3A_141, %dma_start3A_142] : memref<6256x128xf32, #tpu.memory_space<vmem>> -> memref<6160x128xf32, #tpu.memory_space<vmem>>
      tpu.enqueue_dma source(%dma_start3A_143 : memref<6160x128xf32, #tpu.memory_space<vmem>>) target(%dma_start3A_140 : memref<6160x128xf32, #tpu.memory_space<hbm>>) target_semaphore(%arg29 : memref<!tpu.dma_semaphore, #tpu.memory_space<semaphore_mem>>)
      %dma_wait3A_144 = arith.constant 0 : i32
      %dma_wait3A_145 = arith.constant 0 : i32
      %dma_wait3A_146 = tpu.memref_slice %arg16[%dma_wait3A_144, %dma_wait3A_145] : memref<100000x128xf32, #tpu.memory_space<hbm>> -> memref<6256x128xf32, #tpu.memory_space<hbm>>
      %dma_wait3A_147 = arith.constant 0 : i32
      %dma_wait3A_148 = arith.constant 0 : i32
      %dma_wait3A_149 = tpu.memref_slice %arg18[%dma_wait3A_147, %dma_wait3A_148] : memref<6256x128xf32, #tpu.memory_space<vmem>> -> memref<6256x128xf32, #tpu.memory_space<vmem>>
      tpu.wait_dma2 semaphore(%arg26 : memref<!tpu.dma_semaphore, #tpu.memory_space<semaphore_mem>>) src(%dma_wait3A_149 : memref<6256x128xf32, #tpu.memory_space<vmem>>) dst(%dma_wait3A_146 : memref<6256x128xf32, #tpu.memory_space<hbm>>)
      %dma_wait3A_150 = arith.constant 0 : i32
      %dma_wait3A_151 = arith.constant 0 : i32
      %dma_wait3A_152 = tpu.memref_slice %arg16[%dma_wait3A_150, %dma_wait3A_151] : memref<100000x128xf32, #tpu.memory_space<hbm>> -> memref<6256x128xf32, #tpu.memory_space<hbm>>
      %dma_wait3A_153 = arith.constant 0 : i32
      %dma_wait3A_154 = arith.constant 0 : i32
      %dma_wait3A_155 = tpu.memref_slice %arg19[%dma_wait3A_153, %dma_wait3A_154] : memref<6256x128xf32, #tpu.memory_space<vmem>> -> memref<6256x128xf32, #tpu.memory_space<vmem>>
      tpu.wait_dma2 semaphore(%arg27 : memref<!tpu.dma_semaphore, #tpu.memory_space<semaphore_mem>>) src(%dma_wait3A_155 : memref<6256x128xf32, #tpu.memory_space<vmem>>) dst(%dma_wait3A_152 : memref<6256x128xf32, #tpu.memory_space<hbm>>)
      %dma_wait3A_156 = arith.constant 0 : i32
      %dma_wait3A_157 = arith.constant 0 : i32
      %dma_wait3A_158 = tpu.memref_slice %arg16[%dma_wait3A_156, %dma_wait3A_157] : memref<100000x128xf32, #tpu.memory_space<hbm>> -> memref<6256x128xf32, #tpu.memory_space<hbm>>
      %dma_wait3A_159 = arith.constant 0 : i32
      %dma_wait3A_160 = arith.constant 0 : i32
      %dma_wait3A_161 = tpu.memref_slice %arg20[%dma_wait3A_159, %dma_wait3A_160] : memref<6256x128xf32, #tpu.memory_space<vmem>> -> memref<6256x128xf32, #tpu.memory_space<vmem>>
      tpu.wait_dma2 semaphore(%arg28 : memref<!tpu.dma_semaphore, #tpu.memory_space<semaphore_mem>>) src(%dma_wait3A_161 : memref<6256x128xf32, #tpu.memory_space<vmem>>) dst(%dma_wait3A_158 : memref<6256x128xf32, #tpu.memory_space<hbm>>)
      %dma_wait3A_162 = arith.constant 0 : i32
      %dma_wait3A_163 = arith.constant 0 : i32
      %dma_wait3A_164 = tpu.memref_slice %arg16[%dma_wait3A_162, %dma_wait3A_163] : memref<100000x128xf32, #tpu.memory_space<hbm>> -> memref<6160x128xf32, #tpu.memory_space<hbm>>
      %dma_wait3A_165 = arith.constant 0 : i32
      %dma_wait3A_166 = arith.constant 0 : i32
      %dma_wait3A_167 = tpu.memref_slice %arg21[%dma_wait3A_165, %dma_wait3A_166] : memref<6256x128xf32, #tpu.memory_space<vmem>> -> memref<6160x128xf32, #tpu.memory_space<vmem>>
      tpu.wait_dma2 semaphore(%arg29 : memref<!tpu.dma_semaphore, #tpu.memory_space<semaphore_mem>>) src(%dma_wait3A_167 : memref<6160x128xf32, #tpu.memory_space<vmem>>) dst(%dma_wait3A_164 : memref<6160x128xf32, #tpu.memory_space<hbm>>)
    } else {
    }
    return
  }
  func.func @transform_1(%arg0: i32) -> (i32, i32) {
    %c0_i32 = arith.constant 0 : i32
    %c0_i32_0 = arith.constant 0 : i32
    return %arg0, %c0_i32 : i32, i32
  }
  func.func @transform_2(%arg0: i32) -> (i32, i32) {
    %c0_i32 = arith.constant 0 : i32
    %c0_i32_0 = arith.constant 0 : i32
    return %arg0, %c0_i32 : i32, i32
  }
  func.func @transform_3(%arg0: i32) -> (i32, i32) {
    %c0_i32 = arith.constant 0 : i32
    %c0_i32_0 = arith.constant 0 : i32
    return %arg0, %c0_i32 : i32, i32
  }
  func.func @transform_4(%arg0: i32) -> (i32, i32) {
    %c0_i32 = arith.constant 0 : i32
    %c0_i32_0 = arith.constant 0 : i32
    return %arg0, %c0_i32 : i32, i32
  }
  func.func @transform_5(%arg0: i32) -> (i32, i32) {
    %c0_i32 = arith.constant 0 : i32
    %c0_i32_0 = arith.constant 0 : i32
    return %arg0, %c0_i32 : i32, i32
  }
  func.func @transform_6(%arg0: i32) -> (i32, i32) {
    %c0_i32 = arith.constant 0 : i32
    %c0_i32_0 = arith.constant 0 : i32
    %c0_i32_1 = arith.constant 0 : i32
    return %c0_i32, %c0_i32_0 : i32, i32
  }
  func.func @transform_7(%arg0: i32) -> (i32, i32) {
    %c0_i32 = arith.constant 0 : i32
    %c0_i32_0 = arith.constant 0 : i32
    %c0_i32_1 = arith.constant 0 : i32
    return %c0_i32, %c0_i32_0 : i32, i32
  }
  func.func @transform_8(%arg0: i32) -> (i32, i32) {
    %c0_i32 = arith.constant 0 : i32
    %c0_i32_0 = arith.constant 0 : i32
    %c0_i32_1 = arith.constant 0 : i32
    return %c0_i32, %c0_i32_0 : i32, i32
  }
  func.func @transform_9(%arg0: i32) -> (i32, i32) {
    %c0_i32 = arith.constant 0 : i32
    %c0_i32_0 = arith.constant 0 : i32
    %c0_i32_1 = arith.constant 0 : i32
    return %c0_i32, %c0_i32_0 : i32, i32
  }
  func.func @transform_10(%arg0: i32) -> (i32, i32) {
    %c0_i32 = arith.constant 0 : i32
    %c0_i32_0 = arith.constant 0 : i32
    %c0_i32_1 = arith.constant 0 : i32
    return %c0_i32, %c0_i32_0 : i32, i32
  }
  func.func @transform_11(%arg0: i32) -> (i32, i32) {
    %c0_i32 = arith.constant 0 : i32
    %c0_i32_0 = arith.constant 0 : i32
    %c0_i32_1 = arith.constant 0 : i32
    return %c0_i32, %c0_i32_0 : i32, i32
  }
  func.func @transform_12(%arg0: i32) -> (i32, i32) {
    %c0_i32 = arith.constant 0 : i32
    %c0_i32_0 = arith.constant 0 : i32
    %c0_i32_1 = arith.constant 0 : i32
    return %c0_i32, %c0_i32_0 : i32, i32
  }
  func.func @transform_13(%arg0: i32) -> (i32, i32) {
    %c0_i32 = arith.constant 0 : i32
    %c0_i32_0 = arith.constant 0 : i32
    %c0_i32_1 = arith.constant 0 : i32
    return %c0_i32, %c0_i32_0 : i32, i32
  }
  func.func @transform_14(%arg0: i32) -> (i32, i32) {
    %c0_i32 = arith.constant 0 : i32
    %c0_i32_0 = arith.constant 0 : i32
    %c0_i32_1 = arith.constant 0 : i32
    return %c0_i32, %c0_i32_0 : i32, i32
  }
  func.func @transform_16(%arg0: i32) -> (i32, i32) {
    %c0_i32 = arith.constant 0 : i32
    %c0_i32_0 = arith.constant 0 : i32
    return %arg0, %c0_i32 : i32, i32
  }
}

</mosaic_0001>

<sc_bundles>
// kernel: kernel.5.cloned.1.call-start
scs
__scs_entry_jumppad:
0x0: {  	(pc) =	sbr.rel $0x88, $3  }
0x1: {  	(tag) =	ssettag $0x0;
	lr =	simm.s32 $0x1  }
0x2: {  	[smem:$0x3F95] =	sst lr;
	_ =	strace $0xD0000000  }
0x3: {  	_ = 	snop  }
0x4: {  	_ = 	snop  }
0x5: {  	_ = 	snop  }
0x6: {  	_ = 	snop  }
0x7: {  	_ = 	snop  }
__scs_overlays_trampoline_lowered:
0x8: {  	[smem:$0x3FA4] =	sst s0  }
0x9: {  	[smem:$0x3FA5] =	sst s1  }
0xa: {  	[smem:$0x3FA6] =	sst s2  }
0xb: {  	[smem:$0x3FA7] =	sst s3  }
0xc: {  	[smem:$0x3FA8] =	sst s4  }
0xd: {  	[smem:$0x3FA9] =	sst s5  }
0xe: {  	[smem:$0x3FAA] =	sst s6  }
0xf: {  	[smem:$0x3FAB] =	sst s7  }
0x10: {  	[smem:$0x3FAC] =	sst s8  }
0x11: {  	[smem:$0x3FAD] =	sst s9;
	s0 =	simm.s32 @!p0 $0x0  }
0x12: {  	s1 =	sld [smem:$0x3F93];
	s0 =	simm.s32 @p0 $0x1  }
0x13: {  	[smem:$0x3FAE] =	sst s0;
	s0 =	simm.s32 @!p1 $0x0  }
0x14: {  	s2 =	sld [smem:$0x3F92];
	s0 =	simm.s32 @p1 $0x1  }
0x15: {  	[smem:$0x3FAF] =	sst s0;
	s0 =	simm.s32 @!p2 $0x0  }
0x16: {  	s3 =	sld [smem:$0x3FDB];
	s0 =	simm.s32 @p2 $0x1  }
0x17: {  	s4 =	simm.s32 $0x1BF5;
	[smem:$0x3FB1] =	sst s0  }
0x18: {  	s0 =	sld [smem:$0x3F94];
	_ =	swait.ge [sflag:s4], $0x0  }
0x19: {  	s7 =	sld [smem:$0x3F95]  }
0x1a: {  	s8 =	sadd.s32 $0xFFFFE003, lr  }
0x1b: {  	s9 =	sadd.s32 $0xFFFFFEF7, lr;
	s5 =	simm.s32 $0xFFFFFFFF;
	p2 =	slt.u32 s8, $0xFFFFF086  }
0x1c: {  	p1 =	slt.u32 s9, $0xF7A;
	s5 =	simm.s32 @!p2 $0x0  }
0x1d: {  	s5 =	simm.s32 @p1 $0x1;
	p0 =	seq.s32 s7, s2  }
0x1e: {  	s7 =	smul.u32 @!p0 $0xF7A, s2;
	p2 =	seq.s32 @!p0 s5, $0x0  }
0x1f: {  	s9 =	smul.u32 $0xF7A, s1;
	s8 =	simm.s32 @!p0 $0x1BF5;
	p2 =	por !p2, p0  }
0x20: {  	[sflag:s8] =	ssyncset.s32 @!p0 $0xFFFFF086;
	s6 =	sadd.s32 @!p0 s3, s7;
	s7 =	simm.s32 @!p0 $0x108  }
0x21: {  	s3 =	sadd.s32 s3, s9;
	s6 =	sadd.s32 @!p0 $0x88, s6;
	s7 =	simm.s32 @p2 $0x1082  }
0x22: {  	[simem:s7], [sflag:s8] =	dma.local @!p0 [hbm:s6], $0xF7A  }
0x23: {  	s9 =	sor.u32 $0xD0000000, s2;
	s6 =	simm.s32 $0x108;
	_ =	swait.ge @!p0 [sflag:s8], $0x0  }
0x24: {  	s3 =	sadd.s32 $0x88, s3;
	s6 =	simm.s32 @!p1 $0x1082;
	[sflag:s4] =	ssyncset.s32 $0xFFFFF086  }
0x25: {  	[simem:s6], [sflag:s4] =	dma.local [hbm:s3], $0xF7A  }
0x26: {  	[smem:$0x3F95] =	sst s1;
	(tag) =	ssettag s2;
	_ =	strace s9  }
0x27: {  	s1 =	sld [smem:$0x3FA5]  }
0x28: {  	s2 =	sld [smem:$0x3FA6]  }
0x29: {  	s4 =	sld [smem:$0x3FA8]  }
0x2a: {  	p0 =	seq.s32 s5, $0x0;
	s5 =	sld [smem:$0x3FA9]  }
0x2b: {  	s6 =	sld [smem:$0x3FAA]  }
0x2c: {  	s7 =	sld [smem:$0x3FAB]  }
0x2d: {  	s3 =	simm.s32 $0x108;
	s8 =	sld [smem:$0x3FAC]  }
0x2e: {  	s3 =	simm.s32 @!p0 $0x1082;
	s9 =	sld [smem:$0x3FAD]  }
0x2f: {  	lr =	sadd.s32 s0, s3;
	s0 =	sld [smem:$0x3FA4]  }
0x30: {  	s3 =	sld [smem:$0x3FA7]  }
0x31: {  	[smem:$0x3FB0] =	sst s10  }
0x32: {  	s10 =	sld [smem:$0x3FAE];
	_ =	sdelay $0x3  }
0x33: {  	p0 =	seq.s32 s10, $0x1;
	s10 =	sld [smem:$0x3FB0];
	_ =	sdelay $0x3  }
0x34: {  	[smem:$0x3FB0] =	sst s10  }
0x35: {  	s10 =	sld [smem:$0x3FAF];
	_ =	sdelay $0x3  }
0x36: {  	p1 =	seq.s32 s10, $0x1;
	s10 =	sld [smem:$0x3FB0];
	_ =	sdelay $0x3  }
0x37: {  	[smem:$0x3FB0] =	sst s10  }
0x38: {  	s10 =	sld [smem:$0x3FB1]  }
0x39: {  	_ = 	snop;
	(pc) =	sbr.ind lr, $3  }
0x3a: {  	_ = 	snop  }
0x3b: {  	_ = 	snop  }
0x3c: {  	p2 =	seq.s32 s10, $0x1;
	s10 =	sld [smem:$0x3FB0]  }
0x3d: {  	_ =	shalt  }
0x3e: {  	_ =	shalt  }
0x3f: {  	_ =	shalt  }
0x40: {  	_ =	shalt  }
0x41: {  	_ =	shalt  }
0x42: {  	_ =	shalt  }
0x43: {  	_ =	shalt  }
0x44: {  	_ =	shalt  }
0x45: {  	_ =	shalt  }
0x46: {  	_ =	shalt  }
0x47: {  	_ =	shalt  }
0x48: {  	_ =	shalt  }
0x49: {  	_ =	shalt  }
0x4a: {  	_ =	shalt  }
0x4b: {  	_ =	shalt  }
0x4c: {  	_ =	shalt  }
0x4d: {  	_ =	shalt  }
0x4e: {  	_ =	shalt  }
0x4f: {  	_ =	shalt  }
0x50: {  	_ =	shalt  }
0x51: {  	_ =	shalt  }
0x52: {  	_ =	shalt  }
0x53: {  	_ =	shalt  }
0x54: {  	_ =	shalt  }
0x55: {  	_ =	shalt  }
0x56: {  	_ =	shalt  }
0x57: {  	_ =	shalt  }
0x58: {  	_ =	shalt  }
0x59: {  	_ =	shalt  }
0x5a: {  	_ =	shalt  }
0x5b: {  	_ =	shalt  }
0x5c: {  	_ =	shalt  }
0x5d: {  	_ =	shalt  }
0x5e: {  	_ =	shalt  }
0x5f: {  	_ =	shalt  }
0x60: {  	_ =	shalt  }
0x61: {  	_ =	shalt  }
0x62: {  	_ =	shalt  }
0x63: {  	_ =	shalt  }
0x64: {  	_ =	shalt  }
0x65: {  	_ =	shalt  }
0x66: {  	_ =	shalt  }
0x67: {  	_ =	shalt  }
0x68: {  	_ =	shalt  }
0x69: {  	_ =	shalt  }
0x6a: {  	_ =	shalt  }
0x6b: {  	_ =	shalt  }
0x6c: {  	_ =	shalt  }
0x6d: {  	_ =	shalt  }
0x6e: {  	_ =	shalt  }
0x6f: {  	_ =	shalt  }
0x70: {  	_ =	shalt  }
0x71: {  	_ =	shalt  }
0x72: {  	_ =	shalt  }
0x73: {  	_ =	shalt  }
0x74: {  	_ =	shalt  }
0x75: {  	_ =	shalt  }
0x76: {  	_ =	shalt  }
0x77: {  	_ =	shalt  }
0x78: {  	_ =	shalt  }
0x79: {  	_ =	shalt  }
0x7a: {  	_ =	shalt  }
0x7b: {  	_ =	shalt  }
0x7c: {  	_ =	shalt  }
0x7d: {  	_ =	shalt  }
0x7e: {  	_ =	shalt  }
0x7f: {  	_ =	shalt  }
0x80: {  	_ =	shalt  }
0x81: {  	_ =	shalt  }
0x82: {  	_ =	shalt  }
0x83: {  	_ =	shalt  }
0x84: {  	_ =	shalt  }
0x85: {  	_ =	shalt  }
0x86: {  	_ =	shalt  }
0x87: {  	_ =	shalt  }
.Lfunc_end0:
.L_simem_size_0:
called_computation_lowered:
.L_overlay_start_0:
0x88: {  	s2 =	sld [smem:$0x3FD9]  }
0x89: {  	s3 =	sld [smem:$0x3FFE];
	_ =	sdelay $0x1  }
0x8a: {  	s1 =	srdreg.scid  }
0x8b: {  	s0 =	sand.u32 $0x1, s1  }
0x8c: {  	s17 =	sshll.u32 s0, $0xA;
	s2 =	sadd.s32 s3, s2  }
0x8d: {  	s2 =	sadd.s32 s2, s17  }
0x8e: {  	[smem:$0x3FBC] =	sst s2  }
0x8f: {  	_ = 	snop  }
0x90: {  	s2 =	sld [smem:$0x3FC9]  }
0x91: {  	s18 =	sld [smem:$0x3FC8]  }
0x92: {  	s4 =	sld [smem:$0x3FC5]  }
0x93: {  	s5 =	sld [smem:$0x3FC4]  }
0x94: {  	s6 =	sld [smem:$0x3FD0];
	(tm) =	ssettm $0x1  }
0x95: {  	s7 =	sld [smem:$0x3FFB];
	_ =	sdelay $0x3  }
0x96: {  	_ =	strace s7  }
0x97: {  	s7 =	sld [smem:$0x3FFC];
	_ =	sdelay $0x3  }
0x98: {  	_ =	strace s7  }
0x99: {  	s7 =	sld [smem:$0x3FFD];
	_ =	sdelay $0x3  }
0x9a: {  	_ =	strace s7  }
0x9b: {  	_ =	strace $0x8FFFFFFF  }
0x9c: {  	s19 =	sld [smem:$0x3FDB];
	_ =	sdelay $0x1  }
0x9d: {  	s8 =	simm.s32 $_scs_section_size  }
0x9e: {  	s9 =	simm.s32 $_size__tile_overlayer_lowered;
	s10 =	simm.s32 $_tile_overlayer_lowered  }
0x9f: {  	s22 =	simm.s32 $0x1BFF;
	s21 =	sshll.u32 s10, $0x1;
	s7 =	sadd.s32 s8, s19  }
0xa0: {  	s11 =	simm.s32 $0x0;
	s20 =	sshll.u32 s9, $0x1;
	s9 =	sadd.s32 s21, s7  }
0xa1: {  	[timem:s11], [sflag:s22] =	dma.local [hbm:s9], s20  }
0xa2: {  	_ =	swait.ge [sflag:s22], s20  }
0xa3: {  	s8 =	ssub.s32 $0x0, s20;
	[sflag:s22] =	ssyncset.done $0x0  }
0xa4: {  	[sflag:s22] =	ssyncadd.s32 s8;
	_ =	sdelay $0x1  }
0xa5: {  	s23 =	simm.s32 $0x1B8B  }
0xa6: {  	_ =	swait.ge [sflag:s23], $0x1  }
0xa7: {  	[sflag:s23] =	ssyncset.done $0x0  }
0xa8: {  	s25 =	simm.s32 $0x1B8E;
	s24 =	sld [smem:$0x3FFE];
	[sflag:s23] =	ssyncadd.s32 $0xFFFFFFFF  }
0xa9: {  	s26 =	simm.s32 $execute0_lowered;
	[smem:$0x3FD2] =	sst s25  }
0xaa: {  	s9 =	sshll.u32 s26, $0x1;
	_ =	strace $0x80000046;
	[dreg:$0x1] =	wrdreg $0xFFFFFFFF  }
0xab: {  	s28 =	simm.s32 $_size_execute0_lowered;
	s7 =	sadd.s32 s7, s9;
	[dreg:$0x0] =	wrdreg $0x0  }
0xac: {  	s9 =	sshll.u32 s28, $0x1;
	[dreg:$0x2] =	wrdreg s7  }
0xad: {  	[dreg:$0x3] =	wrdreg s9  }
0xae: {  	[dreg:$0x4] =	wrdreg $0xC0  }
0xaf: {  	_ =	task [dreg:s11], $0x5FFFF  }
0xb0: {  	[dreg:$0x1] =	wrdreg $0xFFFFFFFF  }
0xb1: {  	[dreg:$0x0] =	wrdreg $0x60  }
0xb2: {  	[dreg:$0x2] =	wrdreg s4  }
0xb3: {  	[dreg:$0x3] =	wrdreg s5  }
0xb4: {  	[dreg:$0x4] =	wrdreg s2  }
0xb5: {  	[dreg:$0x5] =	wrdreg s18  }
0xb6: {  	[dreg:$0x6] =	wrdreg s6  }
0xb7: {  	[dreg:$0x7] =	wrdreg s24  }
0xb8: {  	[dreg:$0x8] =	wrdreg $0x9  }
0xb9: {  	_ =	task.clear_ibuf [dreg:s11], $0x9FFFF;
	_ =	strace $0x90000046  }
0xba: {  	s29 =	simm.s32 $0x9;
	_ =	strace $0x80000048  }
0xbb: {  	_ =	swait.ge [sflag:s29], $0x1  }
0xbc: {  	[sflag:s29] =	ssyncadd.s32 $0xFFFFFFFF  }
0xbd: {  	_ =	strace $0x90000048  }
0xbe: {  	_ =	sfence  }
0xbf: {  	s30 =	sld [smem:$0x0];
	_ =	sdelay $0x2  }
0xc0: {  	s31 =	sshll.u32 s1, $0xD;
	s1 =	sshrl.u32 s1, $0x2  }
0xc1: {  	s3 =	sand.u32 $0x4000, s31;
	s1 =	sadd.s32 s1, s30  }
0xc2: {  	s0 =	sor.u32 s3, s0;
	s1 =	sshll.u32 s1, $0x11  }
0xc3: {  	s0 =	sor.u32 s1, s0  }
0xc4: {  	s0 =	sadd.s32 $0x8F2B, s0  }
0xc5: {  	[sflag:s0] =	ssyncadd.remote.s32 $0x1  }
0xc6: {  	_ =	sfence.sel $0xFFFF  }
0xc7: {  	[dreg:$0x0] =	wrdreg $0xFFFFFFFF;
	(pc) =	sbr.abs _section_cstart, $3  }
0xc8: {  	[dreg:$0x1] =	wrdreg $0xFFFFFFFF  }
0xc9: {  	_ =	task.clear_ibuf [dreg:s11], $0x2FFFF;
	_ =	strace $0x9FFFFFFF  }
0xca: {  	(tm) =	ssettm $0x7FFFFFFF  }
0xcb: {  	_ =	shalt  }
tec
execute0_lowered:
.L_overlay_start_1:
0x0: {  	(tag) =	ssettag $0x1  }
0x1: {  	s1 =	rddreg [dreg:$0x0]  }
0x2: {  	s2 =	rddreg [dreg:$0x1];
	s3 =	srdreg.scid  }
0x3: {  	s0 =	rddreg [dreg:$0x2];
	s4 =	stileid.u32;
	s31 =	sand.u32 $0x1, s3  }
0x4: {  	s5 =	rddreg [dreg:$0x3];
	s6 =	sshll.u32 s4, $0xA;
	s7 =	sshll.u32 s31, $0x9  }
0x5: {  	s17 =	rddreg [dreg:$0x4];
	s18 =	sor.u32 s7, s6  }
0x6: {  	s28 =	rddreg [dreg:$0x5];
	s4 =	simm.s32 $0x0;
	s29 =	sshrl.u32 s18, $0x3  }
0x7: {  	[smem:$0x7FF] =	sst s4;
	s0 =	sadd.s32 s0, s29  }
0x8: {  	_ =	strace $0x80000047;
	s5 =	sadd.s32 s5, s29;
	[dreg:$0x7] =	wrdreg s0  }
0x9: {  	[dreg:$0x8] =	wrdreg s5  }
0xa: {  	s5 =	simm.s32 $0x4;
	s0 =	rddreg [dreg:$0x7]  }
0xb: {  	[tilespmem:s4], [sflag:$0x4] =	stream.linear.gather [hbm4b:s0+s4], $0x200, $0x38;
	[tilespmem:$0x8480] =	vst v63  }
0xc: {  	_ =	swait.ge [sflag:s5], $0x200  }
0xd: {  	[sflag:s5] =	ssyncset.done $0x0  }
0xe: {  	s6 =	simm.s32 $0x200;
	s25 =	rddreg [dreg:$0x8];
	[sflag:s5] =	ssyncadd.s32 $0xFFFFFE00  }
0xf: {  	[tilespmem:s6], [sflag:$0x4] =	stream.linear.gather [hbm4b:s25+s4], $0x200, $0x38;
	[tilespmem:$0x8480] =	vst v63  }
0x10: {  	_ =	swait.ge [sflag:s5], $0x200  }
0x11: {  	[sflag:s5] =	ssyncset.done $0x0  }
0x12: {  	s8 =	simm.s32 $0x400;
	s7 =	simm.s32 $0x80;
	[sflag:s5] =	ssyncadd.s32 $0xFFFFFE00  }
0x13: {  	[tilespmem:s8], [sflag:$0x1] =	stream.indirect.gather [hbm4b:s1+s7], $0x80, s4, s7, $0xb8;
	[tilespmem:$0x8480] =	vst v63  }
0x14: {  	s9 =	simm.s32 $0x4400;
	s10 =	simm.s32 $0x1  }
0x15: {  	[tilespmem:s9], [sflag:$0x2] =	stream.indirect.gather [hbm4b:s1+s7], $0x80, s7, s7, $0xb8;
	[tilespmem:$0x8480] =	vst v63  }
0x16: {  	_ =	swait.ge [sflag:s10], $0x4000  }
0x17: {  	s19 =	sshll.u32 s18, $0x4;
	[sflag:s10] =	ssyncset.done $0x0  }
0x18: {  	s11 =	sadd.s32 s17, s19;
	[sflag:s10] =	ssyncadd.s32 $0xFFFFC000  }
0x19: {  	[hbm4b:s11+s4] =	stream.linear.scatter [tilespmem:s8], [sflag:$0x4], $0x4000, $0x38;
	[tilespmem:$0x8480] =	vst v63  }
0x1a: {  	_ =	swait.ge [sflag:s5], $0x4000  }
0x1b: {  	[sflag:s5] =	ssyncset.done $0x0  }
0x1c: {  	s12 =	simm.s32 $0x100;
	s13 =	simm.s32 $0x2;
	[sflag:s5] =	ssyncadd.s32 $0xFFFFC000  }
0x1d: {  	[tilespmem:s8], [sflag:$0x1] =	stream.indirect.gather [hbm4b:s1+s7], $0x80, s12, s7, $0xb8;
	[tilespmem:$0x8480] =	vst v63  }
0x1e: {  	s30 =	sor.u32 $0x80, s18;
	_ =	swait.ge [sflag:s13], $0x4000  }
0x1f: {  	s21 =	sshll.u32 s30, $0x4;
	[sflag:s13] =	ssyncset.done $0x0  }
0x20: {  	s14 =	sadd.s32 s17, s21;
	[sflag:s13] =	ssyncadd.s32 $0xFFFFC000  }
0x21: {  	[hbm4b:s14+s4] =	stream.linear.scatter [tilespmem:s9], [sflag:$0x4], $0x4000, $0x38;
	[tilespmem:$0x8480] =	vst v63  }
0x22: {  	_ =	swait.ge [sflag:s5], $0x4000  }
0x23: {  	[sflag:s5] =	ssyncset.done $0x0  }
0x24: {  	s15 =	simm.s32 $0x180;
	[sflag:s5] =	ssyncadd.s32 $0xFFFFC000  }
0x25: {  	[tilespmem:s9], [sflag:$0x2] =	stream.indirect.gather [hbm4b:s1+s7], $0x80, s15, s7, $0xb8;
	[tilespmem:$0x8480] =	vst v63  }
0x26: {  	s3 =	sor.u32 $0x100, s18;
	_ =	swait.ge [sflag:s10], $0x4000  }
0x27: {  	s23 =	sshll.u32 s3, $0x4;
	[sflag:s10] =	ssyncset.done $0x0  }
0x28: {  	s16 =	sadd.s32 s17, s23;
	[sflag:s10] =	ssyncadd.s32 $0xFFFFC000  }
0x29: {  	[hbm4b:s16+s4] =	stream.linear.scatter [tilespmem:s8], [sflag:$0x4], $0x4000, $0x38;
	[tilespmem:$0x8480] =	vst v63  }
0x2a: {  	_ =	swait.ge [sflag:s5], $0x4000  }
0x2b: {  	s26 =	sor.u32 $0x180, s18;
	[sflag:s5] =	ssyncset.done $0x0  }
0x2c: {  	[dreg:$0x9] =	wrdreg s26;
	[sflag:s5] =	ssyncadd.s32 $0xFFFFC000  }
0x2d: {  	[tilespmem:s8], [sflag:$0x1] =	stream.indirect.gather [hbm4b:s1+s7], $0x80, s6, s7, $0xb8;
	[tilespmem:$0x8480] =	vst v63  }
0x2e: {  	_ =	swait.ge [sflag:s13], $0x4000  }
0x2f: {  	s24 =	sshll.u32 s26, $0x4;
	[sflag:s13] =	ssyncset.done $0x0  }
0x30: {  	s17 =	sadd.s32 s17, s24;
	[sflag:s13] =	ssyncadd.s32 $0xFFFFC000  }
0x31: {  	[hbm4b:s17+s4] =	stream.linear.scatter [tilespmem:s9], [sflag:$0x4], $0x4000, $0x38;
	[tilespmem:$0x8480] =	vst v63  }
0x32: {  	_ =	swait.ge [sflag:s5], $0x4000  }
0x33: {  	[sflag:s5] =	ssyncset.done $0x0  }
0x34: {  	s18 =	simm.s32 $0x280;
	[sflag:s5] =	ssyncadd.s32 $0xFFFFC000  }
0x35: {  	[tilespmem:s9], [sflag:$0x2] =	stream.indirect.gather [hbm4b:s1+s7], $0x80, s18, s7, $0xb8;
	[tilespmem:$0x8480] =	vst v63  }
0x36: {  	_ =	swait.ge [sflag:s10], $0x4000  }
0x37: {  	s25 =	sadd.s32 $0x2C00, s28;
	[sflag:s10] =	ssyncset.done $0x0  }
0x38: {  	s19 =	sadd.s32 s25, s19;
	[sflag:s10] =	ssyncadd.s32 $0xFFFFC000  }
0x39: {  	[hbm4b:s19+s4] =	stream.linear.scatter [tilespmem:s8], [sflag:$0x4], $0x4000, $0x38;
	[tilespmem:$0x8480] =	vst v63  }
0x3a: {  	_ =	swait.ge [sflag:s5], $0x4000  }
0x3b: {  	[sflag:s5] =	ssyncset.done $0x0  }
0x3c: {  	s20 =	simm.s32 $0x300;
	[sflag:s5] =	ssyncadd.s32 $0xFFFFC000  }
0x3d: {  	[tilespmem:s8], [sflag:$0x1] =	stream.indirect.gather [hbm4b:s1+s7], $0x80, s20, s7, $0xb8;
	[tilespmem:$0x8480] =	vst v63  }
0x3e: {  	_ =	swait.ge [sflag:s13], $0x4000  }
0x3f: {  	[sflag:s13] =	ssyncset.done $0x0  }
0x40: {  	s21 =	sadd.s32 s25, s21;
	[sflag:s13] =	ssyncadd.s32 $0xFFFFC000  }
0x41: {  	[hbm4b:s21+s4] =	stream.linear.scatter [tilespmem:s9], [sflag:$0x4], $0x4000, $0x38;
	[tilespmem:$0x8480] =	vst v63  }
0x42: {  	_ =	swait.ge [sflag:s5], $0x4000  }
0x43: {  	[sflag:s5] =	ssyncset.done $0x0  }
0x44: {  	s22 =	simm.s32 $0x380;
	[sflag:s5] =	ssyncadd.s32 $0xFFFFC000  }
0x45: {  	[tilespmem:s9], [sflag:$0x2] =	stream.indirect.gather [hbm4b:s1+s7], $0x80, s22, s7, $0xb8;
	[tilespmem:$0x8480] =	vst v63  }
0x46: {  	_ =	swait.ge [sflag:s10], $0x4000  }
0x47: {  	[sflag:s10] =	ssyncset.done $0x0  }
0x48: {  	s23 =	sadd.s32 s25, s23;
	[sflag:s10] =	ssyncadd.s32 $0xFFFFC000  }
0x49: {  	[hbm4b:s23+s4] =	stream.linear.scatter [tilespmem:s8], [sflag:$0x4], $0x4000, $0x38;
	[tilespmem:$0x8480] =	vst v63  }
0x4a: {  	_ =	swait.ge [sflag:s5], $0x4000  }
0x4b: {  	[sflag:s5] =	ssyncset.done $0x0  }
0x4c: {  	[sflag:s5] =	ssyncadd.s32 $0xFFFFC000  }
0x4d: {  	_ =	swait.ge [sflag:s13], $0x4000  }
0x4e: {  	[sflag:s13] =	ssyncset.done $0x0  }
0x4f: {  	s24 =	sadd.s32 s25, s24;
	[sflag:s13] =	ssyncadd.s32 $0xFFFFC000  }
0x50: {  	[hbm4b:s24+s4] =	stream.linear.scatter [tilespmem:s9], [sflag:$0x4], $0x4000, $0x38;
	[tilespmem:$0x8480] =	vst v63  }
0x51: {  	_ =	swait.ge [sflag:s5], $0x4000  }
0x52: {  	[sflag:s5] =	ssyncset.done $0x0  }
0x53: {  	s25 =	simm.s32 $0x8400;
	s26 =	simm.s32 $0x3;
	[sflag:s5] =	ssyncadd.s32 $0xFFFFC000  }
0x54: {  	[tilespmem:s25], [sflag:$0x3] =	stream.indirect.gather [hbm4b:s2+s7], $0x1, s6, s7, $0xb8;
	[tilespmem:$0x8480] =	vst v63  }
0x55: {  	_ =	swait.ge [sflag:s26], $0x80  }
0x56: {  	s0 =	sadd.s32 $0x2400, s28;
	[sflag:s26] =	ssyncset.done $0x0  }
0x57: {  	s28 =	sadd.s32 s0, s29;
	[sflag:s26] =	ssyncadd.s32 $0xFFFFFF80  }
0x58: {  	[hbm4b:s28+s4] =	stream.linear.scatter [tilespmem:s25], [sflag:$0x4], $0x80, $0x38;
	[tilespmem:$0x8480] =	vst v63  }
0x59: {  	_ =	swait.ge [sflag:s5], $0x80  }
0x5a: {  	[sflag:s5] =	ssyncset.done $0x0  }
0x5b: {  	[sflag:s5] =	ssyncadd.s32 $0xFFFFFF80  }
0x5c: {  	[tilespmem:s25], [sflag:$0x3] =	stream.indirect.gather [hbm4b:s2+s7], $0x1, s18, s7, $0xb8;
	[tilespmem:$0x8480] =	vst v63  }
0x5d: {  	_ =	swait.ge [sflag:s26], $0x80  }
0x5e: {  	s29 =	sshrl.u32 s30, $0x3;
	[sflag:s26] =	ssyncset.done $0x0  }
0x5f: {  	s29 =	sadd.s32 s0, s29;
	[sflag:s26] =	ssyncadd.s32 $0xFFFFFF80  }
0x60: {  	[hbm4b:s29+s4] =	stream.linear.scatter [tilespmem:s25], [sflag:$0x4], $0x80, $0x38;
	[tilespmem:$0x8480] =	vst v63  }
0x61: {  	_ =	swait.ge [sflag:s5], $0x80  }
0x62: {  	[sflag:s5] =	ssyncset.done $0x0  }
0x63: {  	[sflag:s5] =	ssyncadd.s32 $0xFFFFFF80  }
0x64: {  	[tilespmem:s25], [sflag:$0x3] =	stream.indirect.gather [hbm4b:s2+s7], $0x1, s20, s7, $0xb8;
	[tilespmem:$0x8480] =	vst v63  }
0x65: {  	_ =	swait.ge [sflag:s26], $0x80  }
0x66: {  	s3 =	sshrl.u32 s3, $0x3;
	[sflag:s26] =	ssyncset.done $0x0  }
0x67: {  	s30 =	sadd.s32 s0, s3;
	s3 =	ssub.s32 $0x2, s31;
	[sflag:s26] =	ssyncadd.s32 $0xFFFFFF80  }
0x68: {  	[hbm4b:s30+s4] =	stream.linear.scatter [tilespmem:s25], [sflag:$0x4], $0x80, $0x38;
	[tilespmem:$0x8480] =	vst v63  }
0x69: {  	s31 =	sshrl.u32 s3, $0x1;
	_ =	swait.ge [sflag:s5], $0x80  }
0x6a: {  	s3 =	ssub.s32 s3, s31;
	[sflag:s5] =	ssyncset.done $0x0  }
0x6b: {  	s3 =	smax.u32 s3, $0x1;
	[sflag:s5] =	ssyncadd.s32 $0xFFFFFF80  }
0x6c: {  	[tilespmem:s25], [sflag:$0x3] =	stream.indirect.gather [hbm4b:s2+s7], $0x1, s22, s7, $0xb8;
	[tilespmem:$0x8480] =	vst v63  }
0x6d: {  	p0 =	sne.s32 s3, $0x1;
	_ =	swait.ge [sflag:s26], $0x80  }
.Ltmp0:
0x6e: {  	s31 =	rddreg [dreg:$0x9];
	(pc) =	sbr.rel @!p0 .LBB2_2-.Ltmp0, $4  }
0x6f: {  	[sflag:s26] =	ssyncset.done $0x0;
	s31 =	sshrl.u32 s31, $0x3  }
0x70: {  	[sflag:s26] =	ssyncadd.s32 $0xFFFFFF80;
	s31 =	sadd.s32 s0, s31  }
0x71: {  	[hbm4b:s31+s4] =	stream.linear.scatter [tilespmem:s25], [sflag:$0x4], $0x80, $0x38;
	[tilespmem:$0x8480] =	vst v63  }
0x72: {  	s3 =	sadd.s32 $0xFFFFFFFF, s3;
	_ =	swait.ge [sflag:s5], $0x80  }
.LBB2_1:
0x73: {  	[sflag:s5] =	ssyncset.done $0x0  }
0x74: {  	s0 =	rddreg [dreg:$0x7];
	[sflag:s5] =	ssyncadd.s32 $0xFFFFFF80  }
0x75: {  	[tilespmem:s4], [sflag:$0x4] =	stream.linear.gather [hbm4b:s0+s4], $0x200, $0x38;
	[tilespmem:$0x8480] =	vst v63  }
0x76: {  	_ =	swait.ge [sflag:s5], $0x200  }
0x77: {  	[sflag:s5] =	ssyncset.done $0x0  }
0x78: {  	s0 =	rddreg [dreg:$0x8];
	[sflag:s5] =	ssyncadd.s32 $0xFFFFFE00  }
0x79: {  	[tilespmem:s6], [sflag:$0x4] =	stream.linear.gather [hbm4b:s0+s4], $0x200, $0x38;
	[tilespmem:$0x8480] =	vst v63  }
0x7a: {  	_ =	swait.ge [sflag:s5], $0x200  }
0x7b: {  	[sflag:s5] =	ssyncset.done $0x0  }
0x7c: {  	[sflag:s5] =	ssyncadd.s32 $0xFFFFFE00  }
0x7d: {  	[tilespmem:s8], [sflag:$0x1] =	stream.indirect.gather [hbm4b:s1+s7], $0x80, s4, s7, $0xb8;
	[tilespmem:$0x8480] =	vst v63  }
0x7e: {  	_ = 	snop  }
0x7f: {  	[tilespmem:s9], [sflag:$0x2] =	stream.indirect.gather [hbm4b:s1+s7], $0x80, s7, s7, $0xb8;
	[tilespmem:$0x8480] =	vst v63  }
0x80: {  	_ =	swait.ge [sflag:s10], $0x4000  }
0x81: {  	[sflag:s10] =	ssyncset.done $0x0  }
0x82: {  	[sflag:s10] =	ssyncadd.s32 $0xFFFFC000  }
0x83: {  	[hbm4b:s11+s4] =	stream.linear.scatter [tilespmem:s8], [sflag:$0x4], $0x4000, $0x38;
	[tilespmem:$0x8480] =	vst v63  }
0x84: {  	_ =	swait.ge [sflag:s5], $0x4000  }
0x85: {  	[sflag:s5] =	ssyncset.done $0x0  }
0x86: {  	[sflag:s5] =	ssyncadd.s32 $0xFFFFC000  }
0x87: {  	[tilespmem:s8], [sflag:$0x1] =	stream.indirect.gather [hbm4b:s1+s7], $0x80, s12, s7, $0xb8;
	[tilespmem:$0x8480] =	vst v63  }
0x88: {  	_ =	swait.ge [sflag:s13], $0x4000  }
0x89: {  	[sflag:s13] =	ssyncset.done $0x0  }
0x8a: {  	[sflag:s13] =	ssyncadd.s32 $0xFFFFC000  }
0x8b: {  	[hbm4b:s14+s4] =	stream.linear.scatter [tilespmem:s9], [sflag:$0x4], $0x4000, $0x38;
	[tilespmem:$0x8480] =	vst v63  }
0x8c: {  	_ =	swait.ge [sflag:s5], $0x4000  }
0x8d: {  	[sflag:s5] =	ssyncset.done $0x0  }
0x8e: {  	[sflag:s5] =	ssyncadd.s32 $0xFFFFC000  }
0x8f: {  	[tilespmem:s9], [sflag:$0x2] =	stream.indirect.gather [hbm4b:s1+s7], $0x80, s15, s7, $0xb8;
	[tilespmem:$0x8480] =	vst v63  }
0x90: {  	_ =	swait.ge [sflag:s10], $0x4000  }
0x91: {  	[sflag:s10] =	ssyncset.done $0x0  }
0x92: {  	[sflag:s10] =	ssyncadd.s32 $0xFFFFC000  }
0x93: {  	[hbm4b:s16+s4] =	stream.linear.scatter [tilespmem:s8], [sflag:$0x4], $0x4000, $0x38;
	[tilespmem:$0x8480] =	vst v63  }
0x94: {  	_ =	swait.ge [sflag:s5], $0x4000  }
0x95: {  	[sflag:s5] =	ssyncset.done $0x0  }
0x96: {  	[sflag:s5] =	ssyncadd.s32 $0xFFFFC000  }
0x97: {  	[tilespmem:s8], [sflag:$0x1] =	stream.indirect.gather [hbm4b:s1+s7], $0x80, s6, s7, $0xb8;
	[tilespmem:$0x8480] =	vst v63  }
0x98: {  	_ =	swait.ge [sflag:s13], $0x4000  }
0x99: {  	[sflag:s13] =	ssyncset.done $0x0  }
0x9a: {  	[sflag:s13] =	ssyncadd.s32 $0xFFFFC000  }
0x9b: {  	[hbm4b:s17+s4] =	stream.linear.scatter [tilespmem:s9], [sflag:$0x4], $0x4000, $0x38;
	[tilespmem:$0x8480] =	vst v63  }
0x9c: {  	_ =	swait.ge [sflag:s5], $0x4000  }
0x9d: {  	[sflag:s5] =	ssyncset.done $0x0  }
0x9e: {  	[sflag:s5] =	ssyncadd.s32 $0xFFFFC000  }
0x9f: {  	[tilespmem:s9], [sflag:$0x2] =	stream.indirect.gather [hbm4b:s1+s7], $0x80, s18, s7, $0xb8;
	[tilespmem:$0x8480] =	vst v63  }
0xa0: {  	_ =	swait.ge [sflag:s10], $0x4000  }
0xa1: {  	[sflag:s10] =	ssyncset.done $0x0  }
0xa2: {  	[sflag:s10] =	ssyncadd.s32 $0xFFFFC000  }
0xa3: {  	[hbm4b:s19+s4] =	stream.linear.scatter [tilespmem:s8], [sflag:$0x4], $0x4000, $0x38;
	[tilespmem:$0x8480] =	vst v63  }
0xa4: {  	_ =	swait.ge [sflag:s5], $0x4000  }
0xa5: {  	[sflag:s5] =	ssyncset.done $0x0  }
0xa6: {  	[sflag:s5] =	ssyncadd.s32 $0xFFFFC000  }
0xa7: {  	[tilespmem:s8], [sflag:$0x1] =	stream.indirect.gather [hbm4b:s1+s7], $0x80, s20, s7, $0xb8;
	[tilespmem:$0x8480] =	vst v63  }
0xa8: {  	_ =	swait.ge [sflag:s13], $0x4000  }
0xa9: {  	[sflag:s13] =	ssyncset.done $0x0  }
0xaa: {  	[sflag:s13] =	ssyncadd.s32 $0xFFFFC000  }
0xab: {  	[hbm4b:s21+s4] =	stream.linear.scatter [tilespmem:s9], [sflag:$0x4], $0x4000, $0x38;
	[tilespmem:$0x8480] =	vst v63  }
0xac: {  	_ =	swait.ge [sflag:s5], $0x4000  }
0xad: {  	[sflag:s5] =	ssyncset.done $0x0  }
0xae: {  	[sflag:s5] =	ssyncadd.s32 $0xFFFFC000  }
0xaf: {  	[tilespmem:s9], [sflag:$0x2] =	stream.indirect.gather [hbm4b:s1+s7], $0x80, s22, s7, $0xb8;
	[tilespmem:$0x8480] =	vst v63  }
0xb0: {  	_ =	swait.ge [sflag:s10], $0x4000  }
0xb1: {  	[sflag:s10] =	ssyncset.done $0x0  }
0xb2: {  	[sflag:s10] =	ssyncadd.s32 $0xFFFFC000  }
0xb3: {  	[hbm4b:s23+s4] =	stream.linear.scatter [tilespmem:s8], [sflag:$0x4], $0x4000, $0x38;
	[tilespmem:$0x8480] =	vst v63  }
0xb4: {  	_ =	swait.ge [sflag:s5], $0x4000  }
0xb5: {  	[sflag:s5] =	ssyncset.done $0x0  }
0xb6: {  	[sflag:s5] =	ssyncadd.s32 $0xFFFFC000  }
0xb7: {  	_ =	swait.ge [sflag:s13], $0x4000  }
0xb8: {  	[sflag:s13] =	ssyncset.done $0x0  }
0xb9: {  	[sflag:s13] =	ssyncadd.s32 $0xFFFFC000  }
0xba: {  	[hbm4b:s24+s4] =	stream.linear.scatter [tilespmem:s9], [sflag:$0x4], $0x4000, $0x38;
	[tilespmem:$0x8480] =	vst v63  }
0xbb: {  	_ =	swait.ge [sflag:s5], $0x4000  }
0xbc: {  	[sflag:s5] =	ssyncset.done $0x0  }
0xbd: {  	[sflag:s5] =	ssyncadd.s32 $0xFFFFC000  }
0xbe: {  	[tilespmem:s25], [sflag:$0x3] =	stream.indirect.gather [hbm4b:s2+s7], $0x1, s6, s7, $0xb8;
	[tilespmem:$0x8480] =	vst v63  }
0xbf: {  	_ =	swait.ge [sflag:s26], $0x80  }
0xc0: {  	[sflag:s26] =	ssyncset.done $0x0  }
0xc1: {  	[sflag:s26] =	ssyncadd.s32 $0xFFFFFF80  }
0xc2: {  	[hbm4b:s28+s4] =	stream.linear.scatter [tilespmem:s25], [sflag:$0x4], $0x80, $0x38;
	[tilespmem:$0x8480] =	vst v63  }
0xc3: {  	_ =	swait.ge [sflag:s5], $0x80  }
0xc4: {  	[sflag:s5] =	ssyncset.done $0x0  }
0xc5: {  	[sflag:s5] =	ssyncadd.s32 $0xFFFFFF80  }
0xc6: {  	[tilespmem:s25], [sflag:$0x3] =	stream.indirect.gather [hbm4b:s2+s7], $0x1, s18, s7, $0xb8;
	[tilespmem:$0x8480] =	vst v63  }
0xc7: {  	_ =	swait.ge [sflag:s26], $0x80  }
0xc8: {  	[sflag:s26] =	ssyncset.done $0x0  }
0xc9: {  	[sflag:s26] =	ssyncadd.s32 $0xFFFFFF80  }
0xca: {  	[hbm4b:s29+s4] =	stream.linear.scatter [tilespmem:s25], [sflag:$0x4], $0x80, $0x38;
	[tilespmem:$0x8480] =	vst v63  }
0xcb: {  	_ =	swait.ge [sflag:s5], $0x80  }
0xcc: {  	[sflag:s5] =	ssyncset.done $0x0  }
0xcd: {  	[sflag:s5] =	ssyncadd.s32 $0xFFFFFF80  }
0xce: {  	[tilespmem:s25], [sflag:$0x3] =	stream.indirect.gather [hbm4b:s2+s7], $0x1, s20, s7, $0xb8;
	[tilespmem:$0x8480] =	vst v63  }
0xcf: {  	_ =	swait.ge [sflag:s26], $0x80  }
0xd0: {  	[sflag:s26] =	ssyncset.done $0x0  }
0xd1: {  	[sflag:s26] =	ssyncadd.s32 $0xFFFFFF80  }
0xd2: {  	[hbm4b:s30+s4] =	stream.linear.scatter [tilespmem:s25], [sflag:$0x4], $0x80, $0x38;
	[tilespmem:$0x8480] =	vst v63  }
0xd3: {  	_ =	swait.ge [sflag:s5], $0x80  }
0xd4: {  	[sflag:s5] =	ssyncset.done $0x0  }
0xd5: {  	p0 =	sne.s32 s3, $0x1;
	[sflag:s5] =	ssyncadd.s32 $0xFFFFFF80  }
0xd6: {  	[tilespmem:s25], [sflag:$0x3] =	stream.indirect.gather [hbm4b:s2+s7], $0x1, s22, s7, $0xb8;
	[tilespmem:$0x8480] =	vst v63  }
.Ltmp1:
0xd7: {  	_ =	swait.ge [sflag:s26], $0x80;
	(pc) =	sbr.rel @p0 .LBB2_1-.Ltmp1, $4  }
0xd8: {  	[sflag:s26] =	ssyncset.done $0x0  }
0xd9: {  	[sflag:s26] =	ssyncadd.s32 $0xFFFFFF80  }
0xda: {  	[hbm4b:s31+s4] =	stream.linear.scatter [tilespmem:s25], [sflag:$0x4], $0x80, $0x38;
	[tilespmem:$0x8480] =	vst v63  }
0xdb: {  	s3 =	sadd.s32 $0xFFFFFFFF, s3;
	_ =	swait.ge [sflag:s5], $0x80  }
.LBB2_2:
0xdc: {  	[sflag:s5] =	ssyncset.done $0x0  }
0xdd: {  	[sflag:s5] =	ssyncadd.s32 $0xFFFFFF80  }
0xde: {  	_ =	sfence.sel $0x180000  }
0xdf: {  	[bflag:$0x0] =	sbarrier.arrive $0xFFFF  }
0xe0: {  	_ =	strace $0x90000047  }
0xe1: {  	s0 =	stileid.u32;
	[bflag:$0x2] =	sbarrier.arrive $0xFFFF  }
0xe2: {  	p0 =	sne.s32 s0, $0x0;
	s0 =	rddreg [dreg:$0x6]  }
0xe3: {  	s0 =	sadd.s32 @!p0 $0x100000, s0  }
0xe4: {  	[sflag:s0] =	ssyncadd.tile.s32 @!p0 $0x1;
	_ =	shalt  }
.Lfunc_end2:
_tile_overlayer_lowered:
.L_overlay_start_2:
0xe5: {  	(tag) =	ssettag $0x2  }
0xe6: {  	s0 =	rddreg [dreg:$0x0];
	s2 =	stileid.u32  }
0xe7: {  	s1 =	rddreg [dreg:$0x1];
	p0 =	sne.s32 s2, $0x0  }
0xe8: {  	s3 =	rddreg [dreg:$0x2];
	[bflag:$0x3] =	sbarrier.arrive $0xFFFF;
	s2 =	simm.s32 @!p0 $0x1C04  }
0xe9: {  	[timem:s3], [sflag:s2] =	dma.local @!p0 [hbm:s0], s1  }
0xea: {  	s0 =	simm.s32 @!p0 $0x4  }
0xeb: {  	_ =	swait.ge @!p0 [sflag:s0], s1  }
0xec: {  	s1 =	ssub.s32 @!p0 $0x0, s1;
	[sflag:s0] =	ssyncset.done @!p0 $0x0  }
0xed: {  	[sflag:s0] =	ssyncadd.s32 @!p0 s1  }
0xee: {  	[bflag:$0x3] =	sbarrier.arrive $0xFFFF  }
0xef: {  	_ =	shalt  }

// kernel: kernel.8.cloned.1.call-start
scs
__scs_entry_jumppad:
0x0: {  	(pc) =	sbr.rel $0x88, $3  }
0x1: {  	(tag) =	ssettag $0x0;
	lr =	simm.s32 $0x1  }
0x2: {  	[smem:$0x3F95] =	sst lr;
	_ =	strace $0xD0000000  }
0x3: {  	_ = 	snop  }
0x4: {  	_ = 	snop  }
0x5: {  	_ = 	snop  }
0x6: {  	_ = 	snop  }
0x7: {  	_ = 	snop  }
__scs_overlays_trampoline_lowered:
0x8: {  	[smem:$0x3FA4] =	sst s0  }
0x9: {  	[smem:$0x3FA5] =	sst s1  }
0xa: {  	[smem:$0x3FA6] =	sst s2  }
0xb: {  	[smem:$0x3FA7] =	sst s3  }
0xc: {  	[smem:$0x3FA8] =	sst s4  }
0xd: {  	[smem:$0x3FA9] =	sst s5  }
0xe: {  	[smem:$0x3FAA] =	sst s6  }
0xf: {  	[smem:$0x3FAB] =	sst s7  }
0x10: {  	[smem:$0x3FAC] =	sst s8  }
0x11: {  	[smem:$0x3FAD] =	sst s9;
	s0 =	simm.s32 @!p0 $0x0  }
0x12: {  	s1 =	sld [smem:$0x3F93];
	s0 =	simm.s32 @p0 $0x1  }
0x13: {  	[smem:$0x3FAE] =	sst s0;
	s0 =	simm.s32 @!p1 $0x0  }
0x14: {  	s2 =	sld [smem:$0x3F92];
	s0 =	simm.s32 @p1 $0x1  }
0x15: {  	[smem:$0x3FAF] =	sst s0;
	s0 =	simm.s32 @!p2 $0x0  }
0x16: {  	s3 =	sld [smem:$0x3FDB];
	s0 =	simm.s32 @p2 $0x1  }
0x17: {  	s4 =	simm.s32 $0x1BF5;
	[smem:$0x3FB1] =	sst s0  }
0x18: {  	s0 =	sld [smem:$0x3F94];
	_ =	swait.ge [sflag:s4], $0x0  }
0x19: {  	s7 =	sld [smem:$0x3F95]  }
0x1a: {  	s8 =	sadd.s32 $0xFFFFE003, lr  }
0x1b: {  	s9 =	sadd.s32 $0xFFFFFEF7, lr;
	s5 =	simm.s32 $0xFFFFFFFF;
	p2 =	slt.u32 s8, $0xFFFFF086  }
0x1c: {  	p1 =	slt.u32 s9, $0xF7A;
	s5 =	simm.s32 @!p2 $0x0  }
0x1d: {  	s5 =	simm.s32 @p1 $0x1;
	p0 =	seq.s32 s7, s2  }
0x1e: {  	s7 =	smul.u32 @!p0 $0xF7A, s2;
	p2 =	seq.s32 @!p0 s5, $0x0  }
0x1f: {  	s9 =	smul.u32 $0xF7A, s1;
	s8 =	simm.s32 @!p0 $0x1BF5;
	p2 =	por !p2, p0  }
0x20: {  	[sflag:s8] =	ssyncset.s32 @!p0 $0xFFFFF086;
	s6 =	sadd.s32 @!p0 s3, s7;
	s7 =	simm.s32 @!p0 $0x108  }
0x21: {  	s3 =	sadd.s32 s3, s9;
	s6 =	sadd.s32 @!p0 $0x88, s6;
	s7 =	simm.s32 @p2 $0x1082  }
0x22: {  	[simem:s7], [sflag:s8] =	dma.local @!p0 [hbm:s6], $0xF7A  }
0x23: {  	s9 =	sor.u32 $0xD0000000, s2;
	s6 =	simm.s32 $0x108;
	_ =	swait.ge @!p0 [sflag:s8], $0x0  }
0x24: {  	s3 =	sadd.s32 $0x88, s3;
	s6 =	simm.s32 @!p1 $0x1082;
	[sflag:s4] =	ssyncset.s32 $0xFFFFF086  }
0x25: {  	[simem:s6], [sflag:s4] =	dma.local [hbm:s3], $0xF7A  }
0x26: {  	[smem:$0x3F95] =	sst s1;
	(tag) =	ssettag s2;
	_ =	strace s9  }
0x27: {  	s1 =	sld [smem:$0x3FA5]  }
0x28: {  	s2 =	sld [smem:$0x3FA6]  }
0x29: {  	s4 =	sld [smem:$0x3FA8]  }
0x2a: {  	p0 =	seq.s32 s5, $0x0;
	s5 =	sld [smem:$0x3FA9]  }
0x2b: {  	s6 =	sld [smem:$0x3FAA]  }
0x2c: {  	s7 =	sld [smem:$0x3FAB]  }
0x2d: {  	s3 =	simm.s32 $0x108;
	s8 =	sld [smem:$0x3FAC]  }
0x2e: {  	s3 =	simm.s32 @!p0 $0x1082;
	s9 =	sld [smem:$0x3FAD]  }
0x2f: {  	lr =	sadd.s32 s0, s3;
	s0 =	sld [smem:$0x3FA4]  }
0x30: {  	s3 =	sld [smem:$0x3FA7]  }
0x31: {  	[smem:$0x3FB0] =	sst s10  }
0x32: {  	s10 =	sld [smem:$0x3FAE];
	_ =	sdelay $0x3  }
0x33: {  	p0 =	seq.s32 s10, $0x1;
	s10 =	sld [smem:$0x3FB0];
	_ =	sdelay $0x3  }
0x34: {  	[smem:$0x3FB0] =	sst s10  }
0x35: {  	s10 =	sld [smem:$0x3FAF];
	_ =	sdelay $0x3  }
0x36: {  	p1 =	seq.s32 s10, $0x1;
	s10 =	sld [smem:$0x3FB0];
	_ =	sdelay $0x3  }
0x37: {  	[smem:$0x3FB0] =	sst s10  }
0x38: {  	s10 =	sld [smem:$0x3FB1]  }
0x39: {  	_ = 	snop;
	(pc) =	sbr.ind lr, $3  }
0x3a: {  	_ = 	snop  }
0x3b: {  	_ = 	snop  }
0x3c: {  	p2 =	seq.s32 s10, $0x1;
	s10 =	sld [smem:$0x3FB0]  }
0x3d: {  	_ =	shalt  }
0x3e: {  	_ =	shalt  }
0x3f: {  	_ =	shalt  }
0x40: {  	_ =	shalt  }
0x41: {  	_ =	shalt  }
0x42: {  	_ =	shalt  }
0x43: {  	_ =	shalt  }
0x44: {  	_ =	shalt  }
0x45: {  	_ =	shalt  }
0x46: {  	_ =	shalt  }
0x47: {  	_ =	shalt  }
0x48: {  	_ =	shalt  }
0x49: {  	_ =	shalt  }
0x4a: {  	_ =	shalt  }
0x4b: {  	_ =	shalt  }
0x4c: {  	_ =	shalt  }
0x4d: {  	_ =	shalt  }
0x4e: {  	_ =	shalt  }
0x4f: {  	_ =	shalt  }
0x50: {  	_ =	shalt  }
0x51: {  	_ =	shalt  }
0x52: {  	_ =	shalt  }
0x53: {  	_ =	shalt  }
0x54: {  	_ =	shalt  }
0x55: {  	_ =	shalt  }
0x56: {  	_ =	shalt  }
0x57: {  	_ =	shalt  }
0x58: {  	_ =	shalt  }
0x59: {  	_ =	shalt  }
0x5a: {  	_ =	shalt  }
0x5b: {  	_ =	shalt  }
0x5c: {  	_ =	shalt  }
0x5d: {  	_ =	shalt  }
0x5e: {  	_ =	shalt  }
0x5f: {  	_ =	shalt  }
0x60: {  	_ =	shalt  }
0x61: {  	_ =	shalt  }
0x62: {  	_ =	shalt  }
0x63: {  	_ =	shalt  }
0x64: {  	_ =	shalt  }
0x65: {  	_ =	shalt  }
0x66: {  	_ =	shalt  }
0x67: {  	_ =	shalt  }
0x68: {  	_ =	shalt  }
0x69: {  	_ =	shalt  }
0x6a: {  	_ =	shalt  }
0x6b: {  	_ =	shalt  }
0x6c: {  	_ =	shalt  }
0x6d: {  	_ =	shalt  }
0x6e: {  	_ =	shalt  }
0x6f: {  	_ =	shalt  }
0x70: {  	_ =	shalt  }
0x71: {  	_ =	shalt  }
0x72: {  	_ =	shalt  }
0x73: {  	_ =	shalt  }
0x74: {  	_ =	shalt  }
0x75: {  	_ =	shalt  }
0x76: {  	_ =	shalt  }
0x77: {  	_ =	shalt  }
0x78: {  	_ =	shalt  }
0x79: {  	_ =	shalt  }
0x7a: {  	_ =	shalt  }
0x7b: {  	_ =	shalt  }
0x7c: {  	_ =	shalt  }
0x7d: {  	_ =	shalt  }
0x7e: {  	_ =	shalt  }
0x7f: {  	_ =	shalt  }
0x80: {  	_ =	shalt  }
0x81: {  	_ =	shalt  }
0x82: {  	_ =	shalt  }
0x83: {  	_ =	shalt  }
0x84: {  	_ =	shalt  }
0x85: {  	_ =	shalt  }
0x86: {  	_ =	shalt  }
0x87: {  	_ =	shalt  }
.Lfunc_end0:
.L_simem_size_0:
called_computation.1_lowered:
.L_overlay_start_0:
0x88: {  	s2 =	sld [smem:$0x3FD9]  }
0x89: {  	s3 =	sld [smem:$0x3FFE];
	_ =	sdelay $0x1  }
0x8a: {  	s1 =	srdreg.scid  }
0x8b: {  	s0 =	sand.u32 $0x1, s1  }
0x8c: {  	s17 =	sshll.u32 s0, $0xA;
	s2 =	sadd.s32 s3, s2  }
0x8d: {  	s2 =	sadd.s32 s2, s17  }
0x8e: {  	[smem:$0x3FBC] =	sst s2  }
0x8f: {  	_ = 	snop  }
0x90: {  	s2 =	sld [smem:$0x3FC8]  }
0x91: {  	s18 =	sld [smem:$0x3FD0];
	(tm) =	ssettm $0x1  }
0x92: {  	s4 =	sld [smem:$0x3FFB];
	_ =	sdelay $0x3  }
0x93: {  	_ =	strace s4  }
0x94: {  	s4 =	sld [smem:$0x3FFC];
	_ =	sdelay $0x3  }
0x95: {  	_ =	strace s4  }
0x96: {  	s4 =	sld [smem:$0x3FFD];
	_ =	sdelay $0x3  }
0x97: {  	_ =	strace s4  }
0x98: {  	_ =	strace $0x8FFFFFFF  }
0x99: {  	s19 =	sld [smem:$0x3FDB];
	_ =	sdelay $0x1  }
0x9a: {  	s5 =	simm.s32 $_scs_section_size  }
0x9b: {  	s6 =	simm.s32 $_size__tile_overlayer_lowered;
	s7 =	simm.s32 $_tile_overlayer_lowered  }
0x9c: {  	s22 =	simm.s32 $0x1BFF;
	s21 =	sshll.u32 s7, $0x1;
	s4 =	sadd.s32 s5, s19  }
0x9d: {  	s8 =	simm.s32 $0x0;
	s20 =	sshll.u32 s6, $0x1;
	s6 =	sadd.s32 s21, s4  }
0x9e: {  	[timem:s8], [sflag:s22] =	dma.local [hbm:s6], s20  }
0x9f: {  	_ =	swait.ge [sflag:s22], s20  }
0xa0: {  	s5 =	ssub.s32 $0x0, s20;
	[sflag:s22] =	ssyncset.done $0x0  }
0xa1: {  	[sflag:s22] =	ssyncadd.s32 s5;
	_ =	sdelay $0x1  }
0xa2: {  	s23 =	simm.s32 $0x1B8B  }
0xa3: {  	_ =	swait.ge [sflag:s23], $0x1  }
0xa4: {  	[sflag:s23] =	ssyncset.done $0x0  }
0xa5: {  	s25 =	simm.s32 $0x1B8E;
	s24 =	sld [smem:$0x3FFE];
	[sflag:s23] =	ssyncadd.s32 $0xFFFFFFFF  }
0xa6: {  	s26 =	simm.s32 $execute0_lowered;
	[smem:$0x3FD2] =	sst s25  }
0xa7: {  	s6 =	sshll.u32 s26, $0x1;
	_ =	strace $0x80000049;
	[dreg:$0x1] =	wrdreg $0xFFFFFFFF  }
0xa8: {  	s28 =	simm.s32 $_size_execute0_lowered;
	s4 =	sadd.s32 s4, s6;
	[dreg:$0x0] =	wrdreg $0x0  }
0xa9: {  	s6 =	sshll.u32 s28, $0x1;
	[dreg:$0x2] =	wrdreg s4  }
0xaa: {  	[dreg:$0x3] =	wrdreg s6  }
0xab: {  	[dreg:$0x4] =	wrdreg $0xC0  }
0xac: {  	_ =	task [dreg:s8], $0x5FFFF  }
0xad: {  	[dreg:$0x1] =	wrdreg $0xFFFFFFFF  }
0xae: {  	[dreg:$0x0] =	wrdreg $0x60  }
0xaf: {  	[dreg:$0x2] =	wrdreg s2  }
0xb0: {  	[dreg:$0x3] =	wrdreg s24  }
0xb1: {  	[dreg:$0x4] =	wrdreg s18  }
0xb2: {  	[dreg:$0x5] =	wrdreg $0x9  }
0xb3: {  	_ =	task.clear_ibuf [dreg:s8], $0x6FFFF;
	_ =	strace $0x90000049  }
0xb4: {  	s29 =	simm.s32 $0x9;
	_ =	strace $0x8000004B  }
0xb5: {  	_ =	swait.ge [sflag:s29], $0x1  }
0xb6: {  	[sflag:s29] =	ssyncadd.s32 $0xFFFFFFFF  }
0xb7: {  	_ =	strace $0x9000004B  }
0xb8: {  	_ =	sfence  }
0xb9: {  	s30 =	sld [smem:$0x0];
	_ =	sdelay $0x2  }
0xba: {  	s31 =	sshll.u32 s1, $0xD;
	s1 =	sshrl.u32 s1, $0x2  }
0xbb: {  	s3 =	sand.u32 $0x4000, s31;
	s1 =	sadd.s32 s1, s30  }
0xbc: {  	s0 =	sor.u32 s3, s0;
	s1 =	sshll.u32 s1, $0x11  }
0xbd: {  	s0 =	sor.u32 s1, s0  }
0xbe: {  	s0 =	sadd.s32 $0x8F2B, s0  }
0xbf: {  	[sflag:s0] =	ssyncadd.remote.s32 $0x1  }
0xc0: {  	_ =	sfence.sel $0xFFFF  }
0xc1: {  	[dreg:$0x0] =	wrdreg $0xFFFFFFFF;
	(pc) =	sbr.abs _section_cstart, $3  }
0xc2: {  	[dreg:$0x1] =	wrdreg $0xFFFFFFFF  }
0xc3: {  	_ =	task.clear_ibuf [dreg:s8], $0x2FFFF;
	_ =	strace $0x9FFFFFFF  }
0xc4: {  	(tm) =	ssettm $0x7FFFFFFF  }
0xc5: {  	_ =	shalt  }
tec
execute0_lowered:
.L_overlay_start_1:
0x0: {  	(tag) =	ssettag $0x1  }
0x1: {  	s1 =	rddreg [dreg:$0x0]  }
0x2: {  	s4 =	rddreg [dreg:$0x1];
	s2 =	srdreg.scid  }
0x3: {  	s0 =	stileid.u32;
	s3 =	rddreg [dreg:$0x2];
	s11 =	simm.s32 $0xC38  }
0x4: {  	s12 =	simm.s32 $0x6780;
	s13 =	simm.s32 $0x6700;
	s14 =	simm.s32 $0x2  }
0x5: {  	s15 =	simm.s32 $0x0;
	s5 =	sand.u32 $0x1, s2;
	s6 =	sshll.u32 s0, $0x1  }
0x6: {  	s2 =	rddreg [dreg:$0x3];
	_ =	strace $0x8000004A;
	s9 =	smul.u32 $0x1860, s0  }
0x7: {  	s6 =	sor.u32 s5, s6;
	s8 =	ssub.s32 $0x2, s5;
	s5 =	smul.u32 $0xC30, s5  }
0x8: {  	s4 =	sadd.s32 $0x2400, s4;
	p0 =	slt.u32 s0, $0xA;
	s7 =	smul.u32 $0xC30, s6  }
.Ltmp0:
0x9: {  	s11 =	simm.s32 @!p0 $0xC30;
	s6 =	smin.u32 s6, $0x14;
	(pc) =	sbr.rel .LBB2_1-.Ltmp0, $4  }
0xa: {  	s10 =	sshrl.u32 s8, $0x1;
	v1 =	vmov s11;
	s11 =	simm.s32 $0x6680;
	s6 =	sshll.u32 s6, $0x3  }
0xb: {  	s8 =	ssub.s32 s8, s10;
	s31 =	sadd.s32 s5, s9;
	s9 =	simm.s32 $0x4000  }
0xc: {  	v2 =	vimm.s32 $0xFFFFFFFF;
	s10 =	simm.s32 $0x80;
	s30 =	sadd.s32 s7, s6;
	s5 =	smax.u32 s8, $0x1  }
0xd: {  	v3 =	vlaneseq.u32;
	v4 =	vimm.s32 $0x0;
	s6 =	sadd.s32 s6, s31;
	s7 =	simm.s32 $0x0;
	s8 =	simm.s32 $0x1;
	v0 =	vmov s30  }
.LBB2_10:
0xe: {  	[sflag:s14] =	ssyncadd.s32 $0xFFFFC000  }
.LBB2_11:
0xf: {  	s15 =	sadd.s32 $0x1, s15  }
0x10: {  	p0 =	sne.s32 s15, s5  }
.Ltmp1:
0x11: {  	_ = 	snop;
	(pc) =	sbr.rel @!p0 .LBB2_12-.Ltmp1, $1  }
0x12: {  	_ =	sdelay $0x3  }
.LBB2_1:
0x13: {  	[tilespmem:s7], [sflag:$0x1] =	stream.linear.gather [hbm4b:s1+s7], $0x4000, $0x38;
	[tilespmem:$0xA780] =	vst v63  }
0x14: {  	s16 =	simm.s32 $0x40;
	s17 =	simm.s32 $0x0  }
.LBB2_2:
0x15: {  	p0 =	sne.s32 s16, $0x30C0;
	[tilespmem:s17+$0x4000] =	vst v2;
	s17 =	smov.u32 s16;
	s16 =	sadd.s32 $0x40, s16  }
.Ltmp2:
0x16: {  	(pc) =	sbr.rel @p0 .LBB2_2-.Ltmp2, $2  }
0x17: {  	_ =	sdelay $0x2  }
0x18: {  	s17 =	sshra.s32 s17, $0x2  }
0x19: {  	[tilespmem:s17+$0x4000] =	vst v2  }
0x1a: {  	_ =	swait.ge [sflag:s8], $0x4000  }
0x1b: {  	s16 =	simm.s32 $0xFFFFFFF8;
	[sflag:s8] =	ssyncset.done $0x0  }
0x1c: {  	s17 =	simm.s32 $0x70;
	s18 =	simm.s32 $0x40;
	[sflag:s8] =	ssyncadd.s32 $0xFFFFC000  }
.LBB2_4:
0x1d: {  	v5 =	vld [tilespmem:s18+$0xFFFFFFC0];
	_ =	sdelay $0x4  }
0x1e: {  	v5 =	vsub.s32 v5, v0  }
0x1f: {  	vm0 =	vgt.s32 v5, $0xFFFFFFFF;
	vm1 =	vlt.s32 v5, v1  }
0x20: {  	vm0 =	vmand vm0, vm1  }
0x21: {  	(xrf1) =	vunique.msk.u32 vm0, v5;
	_ =	sdelay $0xd  }
0x22: {  	vm2 =	vgt.s32 v5, $0x0;
	_, v6, vm11 =	vpop (xrf1)  }
0x23: {  	v5 =	vnsel vm2, $0x0, v5;
	vm0 =	vmand vm0, vm11  }
0x24: {  	v5 =	vmin.u32 v5, $0xC3F;
	_ =	sdelay $0x2  }
0x25: {  	s19 =	sadd.s32 $0xFFFFFF90, s17  }
0x26: {  	v6 =	vor.u32 s19, v3  }
0x27: {  	[tilespmem:v5+s9+$0x0] =	vst.idx.msk vm0, v6  }
0x28: {  	v5 =	vld [tilespmem:s18+$0xFFFFFFD0];
	_ =	sdelay $0x4  }
0x29: {  	v5 =	vsub.s32 v5, v0  }
0x2a: {  	vm12 =	vgt.s32 v5, $0xFFFFFFFF;
	vm13 =	vlt.s32 v5, v1  }
0x2b: {  	vm0 =	vmand vm12, vm13  }
0x2c: {  	(xrf1) =	vunique.msk.u32 vm0, v5;
	_ =	sdelay $0xd  }
0x2d: {  	vm15 =	vgt.s32 v5, $0x0;
	_, v6, vm14 =	vpop (xrf1)  }
0x2e: {  	v5 =	vnsel vm15, $0x0, v5;
	vm0 =	vmand vm0, vm14  }
0x2f: {  	v5 =	vmin.u32 v5, $0xC3F;
	_ =	sdelay $0x2  }
0x30: {  	s25 =	sadd.s32 $0xFFFFFFA0, s17  }
0x31: {  	v6 =	vor.u32 s25, v3  }
0x32: {  	[tilespmem:v5+s9+$0x0] =	vst.idx.msk vm0, v6  }
0x33: {  	v5 =	vld [tilespmem:s18+$0xFFFFFFE0];
	_ =	sdelay $0x4  }
0x34: {  	v5 =	vsub.s32 v5, v0  }
0x35: {  	vm4 =	vgt.s32 v5, $0xFFFFFFFF;
	vm5 =	vlt.s32 v5, v1  }
0x36: {  	vm0 =	vmand vm4, vm5  }
0x37: {  	(xrf1) =	vunique.msk.u32 vm0, v5;
	_ =	sdelay $0xd  }
0x38: {  	vm7 =	vgt.s32 v5, $0x0;
	_, v6, vm6 =	vpop (xrf1)  }
0x39: {  	v5 =	vnsel vm7, $0x0, v5;
	vm0 =	vmand vm0, vm6  }
0x3a: {  	v5 =	vmin.u32 v5, $0xC3F;
	_ =	sdelay $0x2  }
0x3b: {  	s26 =	sadd.s32 $0xFFFFFFB0, s17  }
0x3c: {  	v6 =	vor.u32 s26, v3  }
0x3d: {  	[tilespmem:v5+s9+$0x0] =	vst.idx.msk vm0, v6  }
0x3e: {  	v5 =	vld [tilespmem:s18+$0xFFFFFFF0];
	_ =	sdelay $0x4  }
0x3f: {  	v5 =	vsub.s32 v5, v0  }
0x40: {  	vm8 =	vgt.s32 v5, $0xFFFFFFFF;
	vm9 =	vlt.s32 v5, v1  }
0x41: {  	vm0 =	vmand vm8, vm9  }
0x42: {  	(xrf1) =	vunique.msk.u32 vm0, v5;
	_ =	sdelay $0xd  }
0x43: {  	vm11 =	vgt.s32 v5, $0x0;
	_, v6, vm10 =	vpop (xrf1)  }
0x44: {  	v5 =	vnsel vm11, $0x0, v5;
	vm0 =	vmand vm0, vm10  }
0x45: {  	v5 =	vmin.u32 v5, $0xC3F;
	_ =	sdelay $0x2  }
0x46: {  	s28 =	sadd.s32 $0xFFFFFFC0, s17  }
0x47: {  	v6 =	vor.u32 s28, v3  }
0x48: {  	[tilespmem:v5+s9+$0x0] =	vst.idx.msk vm0, v6  }
0x49: {  	v5 =	vld [tilespmem:s18+$0x0];
	_ =	sdelay $0x4  }
0x4a: {  	v5 =	vsub.s32 v5, v0  }
0x4b: {  	vm12 =	vgt.s32 v5, $0xFFFFFFFF;
	vm13 =	vlt.s32 v5, v1  }
0x4c: {  	vm0 =	vmand vm12, vm13  }
0x4d: {  	(xrf1) =	vunique.msk.u32 vm0, v5;
	_ =	sdelay $0xd  }
0x4e: {  	vm15 =	vgt.s32 v5, $0x0;
	_, v6, vm14 =	vpop (xrf1)  }
0x4f: {  	v5 =	vnsel vm15, $0x0, v5;
	vm0 =	vmand vm0, vm14  }
0x50: {  	v5 =	vmin.u32 v5, $0xC3F;
	_ =	sdelay $0x2  }
0x51: {  	s29 =	sadd.s32 $0xFFFFFFD0, s17  }
0x52: {  	v6 =	vor.u32 s29, v3  }
0x53: {  	[tilespmem:v5+s9+$0x0] =	vst.idx.msk vm0, v6  }
0x54: {  	v5 =	vld [tilespmem:s18+$0x10];
	_ =	sdelay $0x4  }
0x55: {  	v5 =	vsub.s32 v5, v0  }
0x56: {  	vm4 =	vgt.s32 v5, $0xFFFFFFFF;
	vm5 =	vlt.s32 v5, v1  }
0x57: {  	vm0 =	vmand vm4, vm5  }
0x58: {  	(xrf1) =	vunique.msk.u32 vm0, v5;
	_ =	sdelay $0xd  }
0x59: {  	vm7 =	vgt.s32 v5, $0x0;
	_, v6, vm6 =	vpop (xrf1)  }
0x5a: {  	v5 =	vnsel vm7, $0x0, v5;
	vm0 =	vmand vm0, vm6  }
0x5b: {  	v5 =	vmin.u32 v5, $0xC3F;
	_ =	sdelay $0x2  }
0x5c: {  	s30 =	sadd.s32 $0xFFFFFFE0, s17  }
0x5d: {  	v6 =	vor.u32 s30, v3  }
0x5e: {  	[tilespmem:v5+s9+$0x0] =	vst.idx.msk vm0, v6  }
0x5f: {  	v5 =	vld [tilespmem:s18+$0x20];
	_ =	sdelay $0x4  }
0x60: {  	v5 =	vsub.s32 v5, v0  }
0x61: {  	vm8 =	vgt.s32 v5, $0xFFFFFFFF;
	vm9 =	vlt.s32 v5, v1  }
0x62: {  	vm0 =	vmand vm8, vm9  }
0x63: {  	(xrf1) =	vunique.msk.u32 vm0, v5;
	_ =	sdelay $0xd  }
0x64: {  	vm11 =	vgt.s32 v5, $0x0;
	_, v6, vm10 =	vpop (xrf1)  }
0x65: {  	v5 =	vnsel vm11, $0x0, v5;
	vm0 =	vmand vm0, vm10  }
0x66: {  	v5 =	vmin.u32 v5, $0xC3F;
	_ =	sdelay $0x2  }
0x67: {  	s31 =	sadd.s32 $0xFFFFFFF0, s17  }
0x68: {  	v6 =	vor.u32 s31, v3  }
0x69: {  	[tilespmem:v5+s9+$0x0] =	vst.idx.msk vm0, v6  }
0x6a: {  	v5 =	vld [tilespmem:s18+$0x30];
	_ =	sdelay $0x4  }
0x6b: {  	v5 =	vsub.s32 v5, v0  }
0x6c: {  	vm12 =	vgt.s32 v5, $0xFFFFFFFF;
	vm13 =	vlt.s32 v5, v1  }
0x6d: {  	vm0 =	vmand vm12, vm13  }
0x6e: {  	(xrf1) =	vunique.msk.u32 vm0, v5;
	_ =	sdelay $0xd  }
0x6f: {  	vm15 =	vgt.s32 v5, $0x0;
	_, v6, vm14 =	vpop (xrf1)  }
0x70: {  	s16 =	sadd.s32 $0x8, s16;
	v5 =	vnsel vm15, $0x0, v5;
	vm0 =	vmand vm0, vm14  }
0x71: {  	p0 =	slt.u32 s16, $0x3F8;
	v5 =	vmin.u32 v5, $0xC3F  }
.Ltmp3:
0x72: {  	_ = 	snop;
	(pc) =	sbr.rel @p0 .LBB2_4-.Ltmp3, $3  }
0x73: {  	_ =	sdelay $0x1  }
0x74: {  	v6 =	vor.u32 s17, v3  }
0x75: {  	s19 =	simm.s32 $0x0;
	s18 =	sadd.s32 $0x80, s18;
	s17 =	sadd.s32 $0x80, s17;
	[tilespmem:v5+s9+$0x0] =	vst.idx.msk vm0, v6  }
0x76: {  	s16 =	sshra.s32 s19, $0x2  }
0x77: {  	v5 =	vld [tilespmem:s16+$0x4000];
	_ =	sdelay $0x4  }
0x78: {  	vm0 =	vgt.s32 v5, $0xFFFFFFFF  }
0x79: {  	v6 =	vsel vm0, $0x1, v4  }
0x7a: {  	(xrf0) =	vadd.scan.msk.s32 $0xffff, v6;
	_ =	sdelay $0x5  }
0x7b: {  	v7, _, _ =	vpop (xrf0)  }
0x7c: {  	v6 =	vadd.s32 s6, v3;
	(v2sf) =	vpush v7, $0xF  }
0x7d: {  	s31 =	sadd.s32 $0x40, s19;
	[tilespmem:s19+$0x4C80] =	vst.msk vm0, v6  }
0x7e: {  	s18 =	sshra.s32 s31, $0x2;
	s17 =	sadd.s32 $0x40, s31;
	s16 =	smov.u32 s6;
	[tilespmem:s19+$0x5980] =	vst.msk vm0, v5  }
.LBB2_6:
0x7f: {  	p0 =	sne.s32 s17, $0x30C0;
	v5 =	vld [tilespmem:s18+$0x4000];
	_ =	sdelay $0x4  }
0x80: {  	vm0 =	vgt.s32 v5, $0xFFFFFFFF  }
0x81: {  	v6 =	vsel vm0, $0x1, v4  }
0x82: {  	(xrf0) =	vadd.scan.msk.s32 $0xffff, v6;
	_ =	sdelay $0x4  }
.Ltmp4:
0x83: {  	s16 =	sadd.s32 $0x10, s16;
	s18 =	spop (v2sf);
	(pc) =	sbr.rel @p0 .LBB2_6-.Ltmp4, $4  }
0x84: {  	v6 =	vadd.s32 s16, v3;
	v7, _, _ =	vpop (xrf0);
	s19 =	sadd.s32 s19, s18  }
0x85: {  	[tilespmem:s19+$0x4C80] =	vst.msk vm0, v6;
	(v2sf) =	vpush v7, $0xF  }
0x86: {  	[tilespmem:s19+$0x5980] =	vst.msk vm0, v5  }
0x87: {  	s18 =	sshra.s32 s17, $0x2;
	s17 =	sadd.s32 $0x40, s17  }
0x88: {  	v5 =	vld [tilespmem:s18+$0x4000];
	_ =	sdelay $0x4  }
0x89: {  	vm0 =	vgt.s32 v5, $0xFFFFFFFF  }
0x8a: {  	v6 =	vsel vm0, $0x1, v4  }
0x8b: {  	(xrf0) =	vadd.scan.msk.s32 $0xffff, v6;
	_ =	sdelay $0x5  }
0x8c: {  	v6, _, _ =	vpop (xrf0)  }
0x8d: {  	(v2sf) =	vpush v6, $0xF;
	_ =	sdelay $0xd  }
0x8e: {  	s16 =	sadd.s32 $0x10, s16;
	s17 =	spop (v2sf)  }
0x8f: {  	s28 =	sadd.s32 s19, s17;
	v6 =	vadd.s32 s16, v3;
	s29 =	spop (v2sf)  }
0x90: {  	[tilespmem:s28+$0x4C80] =	vst.msk vm0, v6;
	s17 =	sadd.s32 s28, s29  }
0x91: {  	[tilespmem:s28+$0x5980] =	vst.msk vm0, v5;
	p0 =	slt.s32 s17, $0x1  }
0x92: {  	v5 =	vld.msk @!p0 [tilespmem:$0x4C80 ss:$0x0], $0xffff  }
0x93: {  	v6 =	vld.msk @!p0 [tilespmem:$0x5980 ss:$0x0], $0xffff;
	_ =	sdelay $0x2  }
0x94: {  	s16 =	sand.u32 @!p0 $0x7FFFFFF0, s17  }
0x95: {  	[tilespmem:s16+$0x4C90] =	vst @!p0 v5  }
0x96: {  	[tilespmem:s16+$0x5990] =	vst @!p0 v6  }
0x97: {  	[tilespmem:s16+$0x4CA0] =	vst @!p0 v5  }
0x98: {  	[tilespmem:s16+$0x59A0] =	vst @!p0 v6  }
0x99: {  	[tilespmem:s16+$0x4CB0] =	vst @!p0 v5  }
0x9a: {  	s18 =	sand.u32 @!p0 $0xF, s17;
	s17 =	sadd.s32 $0x7F, s17;
	[tilespmem:s16+$0x59B0] =	vst @!p0 v6  }
0x9b: {  	s30 =	sand.u32 $0x7F, s17;
	[tilespmem:s16+$0x4CC0] =	vst @!p0 v5  }
0x9c: {  	s31 =	sshra.s32 s17, $0x1F;
	p2 =	slt.s32 s17, $0x1;
	p1 =	sne.s32 s30, $0x0;
	[tilespmem:s16+$0x59C0] =	vst @!p0 v6  }
0x9d: {  	v9 =	vmov @!p0 s18;
	s18 =	sshrl.u32 s31, $0x19;
	p1 =	por !p2, !p1;
	[tilespmem:s16+$0x4CD0] =	vst @!p0 v5  }
0x9e: {  	s17 =	sadd.s32 s18, s17;
	s18 =	simm.s32 $0x1;
	p1 =	por !p1, !p1;
	[tilespmem:s16+$0x59D0] =	vst @!p0 v6  }
0x9f: {  	v7 =	vld @!p0 [tilespmem:s16+$0x4C80];
	s17 =	sshra.s32 s17, $0x7;
	[tilespmem:s16+$0x4CE0] =	vst @!p0 v5;
	s18 =	simm.s32 @!p1 $0x0  }
0xa0: {  	v8 =	vld @!p0 [tilespmem:s16+$0x5980];
	[tilespmem:s16+$0x59E0] =	vst @!p0 v6;
	s18 =	ssub.s32 s17, s18  }
0xa1: {  	[tilespmem:s16+$0x4CF0] =	vst @!p0 v5;
	p1 =	slt.s32 s18, $0x1  }
.Ltmp5:
0xa2: {  	v10 =	vlaneseq.u32 @!p0;
	[tilespmem:s16+$0x59F0] =	vst @!p0 v6;
	(pc) =	sbr.rel @p1 .LBB2_11-.Ltmp5, $4  }
0xa3: {  	vm0 =	vgt.u32 @!p0 v9, v10;
	[tilespmem:s16+$0x4D00] =	vst @!p0 v5  }
0xa4: {  	[tilespmem:s16+$0x5A00] =	vst @!p0 v6;
	v7 =	vsel @!p0 vm0, v7, v5  }
0xa5: {  	[tilespmem:s16+$0x4C80] =	vst @!p0 v7;
	v7 =	vsel @!p0 vm0, v8, v6  }
0xa6: {  	[tilespmem:s16+$0x5980] =	vst @!p0 v7  }
0xa7: {  	s16 =	simm.s32 $0x59C0  }
0xa8: {  	v5 =	vld [tilespmem:s16+$0xFFFFFFC0];
	_ =	sdelay $0x4  }
0xa9: {  	s17 =	simm.s32 $0x4CC0;
	[tilespmem:$0x6680] =	vst v5  }
0xaa: {  	v5 =	vld [tilespmem:s17+$0xFFFFFFC0];
	_ =	sdelay $0x4  }
0xab: {  	[tilespmem:$0x6700] =	vst v5  }
0xac: {  	v5 =	vld [tilespmem:s16+$0xFFFFFFD0];
	_ =	sdelay $0x4  }
0xad: {  	[tilespmem:$0x6690] =	vst v5  }
0xae: {  	v5 =	vld [tilespmem:s17+$0xFFFFFFD0];
	_ =	sdelay $0x4  }
0xaf: {  	[tilespmem:$0x6710] =	vst v5  }
0xb0: {  	v5 =	vld [tilespmem:s16+$0xFFFFFFE0];
	_ =	sdelay $0x4  }
0xb1: {  	[tilespmem:$0x66A0] =	vst v5  }
0xb2: {  	v5 =	vld [tilespmem:s17+$0xFFFFFFE0];
	_ =	sdelay $0x4  }
0xb3: {  	[tilespmem:$0x6720] =	vst v5  }
0xb4: {  	v5 =	vld [tilespmem:s16+$0xFFFFFFF0];
	_ =	sdelay $0x4  }
0xb5: {  	[tilespmem:$0x66B0] =	vst v5  }
0xb6: {  	v5 =	vld [tilespmem:s17+$0xFFFFFFF0];
	_ =	sdelay $0x4  }
0xb7: {  	[tilespmem:$0x6730] =	vst v5  }
0xb8: {  	v5 =	vld [tilespmem:s16+$0x0];
	_ =	sdelay $0x4  }
0xb9: {  	[tilespmem:$0x66C0] =	vst v5  }
0xba: {  	v5 =	vld [tilespmem:s17+$0x0];
	_ =	sdelay $0x4  }
0xbb: {  	[tilespmem:$0x6740] =	vst v5  }
0xbc: {  	v5 =	vld [tilespmem:s16+$0x10];
	_ =	sdelay $0x4  }
0xbd: {  	[tilespmem:$0x66D0] =	vst v5  }
0xbe: {  	v5 =	vld [tilespmem:s17+$0x10];
	_ =	sdelay $0x4  }
0xbf: {  	[tilespmem:$0x6750] =	vst v5  }
0xc0: {  	v5 =	vld [tilespmem:s16+$0x20];
	_ =	sdelay $0x4  }
0xc1: {  	[tilespmem:$0x66E0] =	vst v5  }
0xc2: {  	v5 =	vld [tilespmem:s17+$0x20];
	_ =	sdelay $0x4  }
0xc3: {  	[tilespmem:$0x6760] =	vst v5  }
0xc4: {  	v5 =	vld [tilespmem:s16+$0x30];
	_ =	sdelay $0x4  }
0xc5: {  	[tilespmem:$0x66F0] =	vst v5  }
0xc6: {  	v5 =	vld [tilespmem:s17+$0x30];
	_ =	sdelay $0x4  }
0xc7: {  	[tilespmem:$0x6770] =	vst v5  }
0xc8: {  	[tilespmem:s12], [sflag:$0x1] =	stream.indirect.gather [hbm4b:s4+s10], $0x80, s11, s10, $0xb8;
	[tilespmem:$0xA780] =	vst v63  }
0xc9: {  	p0 =	sne.s32 s18, $0x1;
	_ =	swait.ge [sflag:s8], $0x4000  }
.Ltmp6:
0xca: {  	[sflag:s8] =	ssyncset.done $0x0;
	(pc) =	sbr.rel @!p0 .LBB2_10-.Ltmp6, $4  }
0xcb: {  	[sflag:s8] =	ssyncadd.s32 $0xFFFFC000  }
0xcc: {  	[hbm4b:s3+s10] =	stream.indirect.scatter [tilespmem:s12], [sflag:$0x2], $0x80, s13, s10, $0xb8;
	[tilespmem:$0xA780] =	vst v63  }
0xcd: {  	_ =	swait.ge [sflag:s14], $0x4000  }
0xce: {  	s18 =	sadd.s32 $0xFFFFFFFF, s18;
	[sflag:s14] =	ssyncset.done $0x0  }
.LBB2_9:
0xcf: {  	[sflag:s14] =	ssyncadd.s32 $0xFFFFC000;
	s16 =	sadd.s32 $0x80, s16;
	s17 =	sadd.s32 $0x80, s17  }
0xd0: {  	p0 =	sne.s32 s18, $0x1;
	s18 =	sadd.s32 $0xFFFFFFFF, s18;
	v5 =	vld [tilespmem:s16+$0xFFFFFFC0];
	_ =	sdelay $0x4  }
0xd1: {  	[tilespmem:$0x6680] =	vst v5  }
0xd2: {  	v5 =	vld [tilespmem:s17+$0xFFFFFFC0];
	_ =	sdelay $0x4  }
0xd3: {  	[tilespmem:$0x6700] =	vst v5  }
0xd4: {  	v5 =	vld [tilespmem:s16+$0xFFFFFFD0];
	_ =	sdelay $0x4  }
0xd5: {  	[tilespmem:$0x6690] =	vst v5  }
0xd6: {  	v5 =	vld [tilespmem:s17+$0xFFFFFFD0];
	_ =	sdelay $0x4  }
0xd7: {  	[tilespmem:$0x6710] =	vst v5  }
0xd8: {  	v5 =	vld [tilespmem:s16+$0xFFFFFFE0];
	_ =	sdelay $0x4  }
0xd9: {  	[tilespmem:$0x66A0] =	vst v5  }
0xda: {  	v5 =	vld [tilespmem:s17+$0xFFFFFFE0];
	_ =	sdelay $0x4  }
0xdb: {  	[tilespmem:$0x6720] =	vst v5  }
0xdc: {  	v5 =	vld [tilespmem:s16+$0xFFFFFFF0];
	_ =	sdelay $0x4  }
0xdd: {  	[tilespmem:$0x66B0] =	vst v5  }
0xde: {  	v5 =	vld [tilespmem:s17+$0xFFFFFFF0];
	_ =	sdelay $0x4  }
0xdf: {  	[tilespmem:$0x6730] =	vst v5  }
0xe0: {  	v5 =	vld [tilespmem:s16+$0x0];
	_ =	sdelay $0x4  }
0xe1: {  	[tilespmem:$0x66C0] =	vst v5  }
0xe2: {  	v5 =	vld [tilespmem:s17+$0x0];
	_ =	sdelay $0x4  }
0xe3: {  	[tilespmem:$0x6740] =	vst v5  }
0xe4: {  	v5 =	vld [tilespmem:s16+$0x10];
	_ =	sdelay $0x4  }
0xe5: {  	[tilespmem:$0x66D0] =	vst v5  }
0xe6: {  	v5 =	vld [tilespmem:s17+$0x10];
	_ =	sdelay $0x4  }
0xe7: {  	[tilespmem:$0x6750] =	vst v5  }
0xe8: {  	v5 =	vld [tilespmem:s16+$0x20];
	_ =	sdelay $0x4  }
0xe9: {  	[tilespmem:$0x66E0] =	vst v5  }
0xea: {  	v5 =	vld [tilespmem:s17+$0x20];
	_ =	sdelay $0x4  }
0xeb: {  	[tilespmem:$0x6760] =	vst v5  }
0xec: {  	v5 =	vld [tilespmem:s16+$0x30];
	_ =	sdelay $0x4  }
0xed: {  	[tilespmem:$0x66F0] =	vst v5  }
0xee: {  	v5 =	vld [tilespmem:s17+$0x30];
	_ =	sdelay $0x4  }
0xef: {  	[tilespmem:$0x6770] =	vst v5  }
0xf0: {  	[tilespmem:s12], [sflag:$0x1] =	stream.indirect.gather [hbm4b:s4+s10], $0x80, s11, s10, $0xb8;
	[tilespmem:$0xA780] =	vst v63  }
0xf1: {  	_ =	swait.ge [sflag:s8], $0x4000  }
.Ltmp7:
0xf2: {  	[sflag:s8] =	ssyncset.done $0x0;
	(pc) =	sbr.rel @p0 .LBB2_9-.Ltmp7, $4  }
0xf3: {  	[sflag:s8] =	ssyncadd.s32 $0xFFFFC000  }
0xf4: {  	[hbm4b:s3+s10] =	stream.indirect.scatter [tilespmem:s12], [sflag:$0x2], $0x80, s13, s10, $0xb8;
	[tilespmem:$0xA780] =	vst v63  }
0xf5: {  	_ =	swait.ge [sflag:s14], $0x4000  }
0xf6: {  	[sflag:s14] =	ssyncset.done $0x0  }
.Ltmp8:
0xf7: {  	_ = 	snop;
	(pc) =	sbr.rel .LBB2_10-.Ltmp8, $1  }
0xf8: {  	_ =	sdelay $0x3  }
.LBB2_12:
0xf9: {  	_ =	sfence.sel $0x180000  }
0xfa: {  	[bflag:$0x0] =	sbarrier.arrive $0xFFFF  }
0xfb: {  	p0 =	sne.s32 s0, $0x0;
	_ =	strace $0x9000004A  }
0xfc: {  	s0 =	sadd.s32 @!p0 $0x100000, s2;
	[bflag:$0x2] =	sbarrier.arrive $0xFFFF  }
0xfd: {  	[sflag:s0] =	ssyncadd.tile.s32 @!p0 $0x1;
	_ =	shalt  }
.Lfunc_end2:
_tile_overlayer_lowered:
.L_overlay_start_2:
0xfe: {  	(tag) =	ssettag $0x2  }
0xff: {  	s0 =	rddreg [dreg:$0x0];
	s2 =	stileid.u32  }
0x100: {  	s1 =	rddreg [dreg:$0x1];
	p0 =	sne.s32 s2, $0x0  }
0x101: {  	s3 =	rddreg [dreg:$0x2];
	[bflag:$0x3] =	sbarrier.arrive $0xFFFF;
	s2 =	simm.s32 @!p0 $0x1C03  }
0x102: {  	[timem:s3], [sflag:s2] =	dma.local @!p0 [hbm:s0], s1  }
0x103: {  	s0 =	simm.s32 @!p0 $0x3  }
0x104: {  	_ =	swait.ge @!p0 [sflag:s0], s1  }
0x105: {  	s1 =	ssub.s32 @!p0 $0x0, s1;
	[sflag:s0] =	ssyncset.done @!p0 $0x0  }
0x106: {  	[sflag:s0] =	ssyncadd.s32 @!p0 s1  }
0x107: {  	[bflag:$0x3] =	sbarrier.arrive $0xFFFF  }
0x108: {  	_ =	shalt  }

</sc_bundles>
